<compile_context>
chip_gen: v7x
topology: tpu7x:2x2x1
jax: 0.10.2.dev20260603
libtpu: 0.0.44.dev20260713+nightly
codegen_flags: <defaults>
</compile_context>

<pallas_src>
import functools

import jax
import jax.numpy as jnp
from jax import lax
from jax.experimental import pallas as pl
from jax.experimental.pallas import tpu as pltpu
from jax.experimental.pallas import tpu_sc as plsc

_NN = 13


def kernel(num_features, cat_features, tables):
    N = num_features.shape[0]
    F, V, D = tables.shape
    d_out = _NN + F * D

    tab_t = jnp.transpose(tables, (0, 2, 1)).reshape(F * D, V)
    cat_t = jnp.transpose(cat_features, (1, 0)).astype(jnp.int32)
    num_t = jnp.transpose(num_features, (1, 0))

    NW = 32
    SW = F * D // NW
    NC = 2048
    NCH = N // NC

    mesh = plsc.VectorSubcoreMesh(core_axis_name="c", subcore_axis_name="s")

    @functools.partial(
        pl.kernel,
        out_type=jax.ShapeDtypeStruct((d_out, N), jnp.float32),
        mesh=mesh,
        scratch_types=[
            pltpu.VMEM((V,), jnp.float32),
            pltpu.VMEM((N,), jnp.int32),
            pltpu.VMEM((4, NC), jnp.float32),
            pltpu.SemaphoreType.DMA,
            pltpu.SemaphoreType.DMA,
            pltpu.SemaphoreType.DMA,
        ],
        compiler_params=pltpu.CompilerParams(
            use_tc_tiling_on_sc=False, needs_layout_passes=False
        ),
    )
    def _embed(tab_hbm, cat_hbm, num_hbm, out_hbm,
               slice_v, cat_v, out_v, sem, osem, nsem):
        wid = lax.axis_index("s") * 2 + lax.axis_index("c")

        s0 = wid * SW
        pltpu.async_copy(tab_hbm.at[s0, :], slice_v, sem)

        @pl.when(wid < _NN)
        def _():
            pltpu.async_copy(num_hbm.at[wid, :], out_hbm.at[wid, :], nsem)

        def slice_body(i, f_loaded):
            s = s0 + i
            f = s // D

            @pl.when(f != f_loaded)
            def _():
                pltpu.sync_copy(cat_hbm.at[f, :], cat_v)

            pltpu.make_async_copy(tab_hbm.at[s, :], slice_v, sem).wait()

            for c in range(NCH):
                n0 = c * NC
                b = c % 4
                if c >= 4:
                    pltpu.make_async_copy(
                        out_v.at[b], out_hbm.at[0, pl.ds(0, NC)], osem
                    ).wait()

                ov = out_v.at[b]
                cv = cat_v.at[pl.ds(n0, NC)]

                def vec_body(i16, _):
                    o = i16 * 16
                    ov[pl.ds(o, 16)] = plsc.load_gather(
                        slice_v, [cv[pl.ds(o, 16)]]
                    )
                    return 0

                lax.fori_loop(0, NC // 16, vec_body, 0, unroll=16)
                pltpu.async_copy(
                    out_v.at[b], out_hbm.at[_NN + s, pl.ds(n0, NC)], osem
                )
            @pl.when(i < SW - 1)
            def _():
                pltpu.async_copy(tab_hbm.at[s + 1, :], slice_v, sem)

            for c in range(NCH - 4, NCH):
                b = c % 4
                pltpu.make_async_copy(
                    out_v.at[b], out_hbm.at[0, pl.ds(0, NC)], osem
                ).wait()
            return f

        lax.fori_loop(0, SW, slice_body, jnp.int32(-1), unroll=False)

        @pl.when(wid < _NN)
        def _():
            pltpu.make_async_copy(
                num_hbm.at[wid, :], out_hbm.at[wid, :], nsem
            ).wait()

    out_t = _embed(tab_t, cat_t, num_t)
    return jnp.transpose(out_t, (1, 0))

# --- scband reference (transcript-rebuilt; emitter-appended) ---
"""Pipeline reference for scband-categorical-embedder-84774064488458 (READ-ONLY COPY).

The authoritative reference and input builder live on the scoring server;
editing this copy changes nothing except your own understanding.
"""

import jax, jax.numpy as jnp
import numpy as np

NUM_FIELDS = 26
VOCAB = 100000
D_C = 16
N = 16384
NUM_NUMERICAL = 13


def setup_inputs(seed: int = 0) -> dict:
    key = jax.random.key(seed)
    k1, k2, k3 = jax.random.split(key, 3)
    num_features = jax.random.normal(k1, (N, NUM_NUMERICAL), dtype=jnp.float32)
    cat_features = jax.random.randint(k2, (N, NUM_FIELDS), 0, VOCAB, dtype=jnp.int32)
    # All 26 embedding tables share vocab size and d_c, so stack into one [F, V, D] param.
    tables = jax.random.normal(k3, (NUM_FIELDS, VOCAB, D_C), dtype=jnp.float32) * 0.02
    return {"num_features": num_features, "cat_features": cat_features, "tables": tables}


def reference(num_features, cat_features, tables):
    # For each field i: embeddings[name_i](cat_features[:, i]) -> tables[i, cat_features[:, i]]
    field_idx = jnp.arange(NUM_FIELDS, dtype=cat_features.dtype)
    embeds = tables[field_idx[None, :], cat_features]  # [N, F, D] gather
    cat_concat = embeds.reshape(num_features.shape[0], NUM_FIELDS * D_C)
    return jnp.concatenate([num_features, cat_concat], axis=-1)

if __name__ == "__main__":
    import jax
    _d = setup_inputs()
    print(jax.jit(kernel)(*tuple(_d.values())))

</pallas_src>

<mosaic_0001>
#map = affine_map<(d0, d1) -> (0, 0)>
module attributes {stable_mosaic.version = 14 : i64} {
  func.func @_embed(%arg0: i32, %arg1: i32, %arg2: memref<416x100000xf32, #tpu.memory_space<hbm>>, %arg3: memref<26x16384xi32, #tpu.memory_space<hbm>>, %arg4: memref<13x16384xf32, #tpu.memory_space<hbm>>, %arg5: memref<429x16384xf32, #tpu.memory_space<hbm>>, %arg6: memref<100000xf32, #tpu.memory_space<vmem>>, %arg7: memref<16384xi32, #tpu.memory_space<vmem>>, %arg8: memref<4x2048xf32, #tpu.memory_space<vmem>>, %arg9: memref<!tpu.dma_semaphore, #tpu.memory_space<semaphore_mem>>, %arg10: memref<!tpu.dma_semaphore, #tpu.memory_space<semaphore_mem>>, %arg11: memref<!tpu.dma_semaphore, #tpu.memory_space<semaphore_mem>>) attributes {dimension_semantics = [#tpu.dimension_semantics<core_parallel>, #tpu.dimension_semantics<subcore_parallel>], iteration_bounds = array<i64: 2, 16>, scalar_prefetch = 0 : i64, scratch_operands = 6 : i64, tpu.core_type = #tpu.core_type<sc_vector_subcore>, window_params = [{transform_indices = #map}, {transform_indices = #map}, {transform_indices = #map}, {transform_indices = #map}]} {
    %mul3A = arith.constant 2 : i32
    %mul3A_0 = arith.muli %arg1, %mul3A : i32
    %add3A = arith.addi %mul3A_0, %arg0 : i32
    %mul3A_1 = arith.constant 13 : i32
    %mul3A_2 = arith.muli %add3A, %mul3A_1 : i32
    %dma_start3A = arith.constant 0 : i32
    %dma_start3A_3 = tpu.memref_slice %arg2[%mul3A_2, %dma_start3A] : memref<416x100000xf32, #tpu.memory_space<hbm>> -> memref<1x100000xf32, #tpu.memory_space<hbm>>
    %dma_start3A_4 = tpu.memref_squeeze %dma_start3A_3 : memref<1x100000xf32, #tpu.memory_space<hbm>> -> memref<100000xf32, #tpu.memory_space<hbm>>
    %dma_start3A_5 = arith.constant 0 : i32
    %dma_start3A_6 = tpu.memref_slice %arg2[%mul3A_2, %dma_start3A_5] : memref<416x100000xf32, #tpu.memory_space<hbm>> -> memref<1x100000xf32, #tpu.memory_space<hbm>>
    %dma_start3A_7 = tpu.memref_squeeze %dma_start3A_6 : memref<1x100000xf32, #tpu.memory_space<hbm>> -> memref<100000xf32, #tpu.memory_space<hbm>>
    tpu.enqueue_dma source(%dma_start3A_7 : memref<100000xf32, #tpu.memory_space<hbm>>) target(%arg6 : memref<100000xf32, #tpu.memory_space<vmem>>) target_semaphore(%arg9 : memref<!tpu.dma_semaphore, #tpu.memory_space<semaphore_mem>>)
    %lt3A = arith.constant 13 : i32
    %lt3A_8 = arith.cmpi slt, %add3A, %lt3A : i32
    %convert_element_type3A = arith.extui %lt3A_8 : i1 to i32
    %cond3A = arith.constant 0 : i32
    %cond3A_9 = arith.cmpi ne, %convert_element_type3A, %cond3A : i32
    scf.if %cond3A_9 {
      %dma_start3A_21 = arith.constant 0 : i32
      %dma_start3A_22 = tpu.memref_slice %arg5[%add3A, %dma_start3A_21] : memref<429x16384xf32, #tpu.memory_space<hbm>> -> memref<1x16384xf32, #tpu.memory_space<hbm>>
      %dma_start3A_23 = tpu.memref_squeeze %dma_start3A_22 : memref<1x16384xf32, #tpu.memory_space<hbm>> -> memref<16384xf32, #tpu.memory_space<hbm>>
      %dma_start3A_24 = arith.constant 0 : i32
      %dma_start3A_25 = tpu.memref_slice %arg4[%add3A, %dma_start3A_24] : memref<13x16384xf32, #tpu.memory_space<hbm>> -> memref<1x16384xf32, #tpu.memory_space<hbm>>
      %dma_start3A_26 = tpu.memref_squeeze %dma_start3A_25 : memref<1x16384xf32, #tpu.memory_space<hbm>> -> memref<16384xf32, #tpu.memory_space<hbm>>
      tpu.enqueue_dma source(%dma_start3A_26 : memref<16384xf32, #tpu.memory_space<hbm>>) target(%dma_start3A_23 : memref<16384xf32, #tpu.memory_space<hbm>>) target_semaphore(%arg11 : memref<!tpu.dma_semaphore, #tpu.memory_space<semaphore_mem>>)
    } else {
    }
    %scan3A = arith.constant -1 : i32
    %scan3A_10 = arith.constant 0 : i32
    %scan3A_11 = arith.constant 13 : i32
    %scan3A_12 = arith.addi %scan3A_10, %scan3A_11 : i32
    %scan3A_13 = arith.constant 1 : i32
    %scan3A_14 = scf.for %scan3A_21 = %scan3A_10 to %scan3A_12 step %scan3A_13 iter_args(%scan3A_22 = %scan3A) -> (i32)  : i32 {
      %add3A_23 = arith.addi %mul3A_2, %scan3A_21 : i32
      %jit3A = arith.constant 16 : i32
      %div3A = arith.divsi %add3A_23, %jit3A : i32
      %sign3A = arith.constant 0 : i32
      %sign3A_24 = arith.cmpi sgt, %add3A_23, %sign3A : i32
      %sign3A_25 = arith.extui %sign3A_24 : i1 to i32
      %sign3A_26 = arith.constant 0 : i32
      %sign3A_27 = arith.cmpi slt, %add3A_23, %sign3A_26 : i32
      %sign3A_28 = arith.extui %sign3A_27 : i1 to i32
      %sign3A_29 = arith.subi %sign3A_25, %sign3A_28 : i32
      %sign3A_30 = arith.constant 0 : i32
      %sign3A_31 = arith.cmpi sgt, %jit3A, %sign3A_30 : i32
      %sign3A_32 = arith.extui %sign3A_31 : i1 to i32
      %sign3A_33 = arith.constant 0 : i32
      %sign3A_34 = arith.cmpi slt, %jit3A, %sign3A_33 : i32
      %sign3A_35 = arith.extui %sign3A_34 : i1 to i32
      %sign3A_36 = arith.subi %sign3A_32, %sign3A_35 : i32
      %ne3A = arith.cmpi ne, %sign3A_29, %sign3A_36 : i32
      %rem3A = arith.remsi %add3A_23, %jit3A : i32
      %ne3A_37 = arith.constant 0 : i32
      %ne3A_38 = arith.cmpi ne, %rem3A, %ne3A_37 : i32
      %and3A = arith.andi %ne3A, %ne3A_38 : i1
      %sub3A = arith.constant 1 : i32
      %sub3A_39 = arith.subi %div3A, %sub3A : i32
      %select_n3A = arith.select %and3A, %sub3A_39, %div3A : i32
      %ne3A_40 = arith.cmpi ne, %select_n3A, %scan3A_22 : i32
      %convert_element_type3A_41 = arith.extui %ne3A_40 : i1 to i32
      %cond3A_42 = arith.constant 0 : i32
      %cond3A_43 = arith.cmpi ne, %convert_element_type3A_41, %cond3A_42 : i32
      scf.if %cond3A_43 {
        "tpu.region"() ({
          %run_scoped3A = tpu.sem_alloc : memref<!tpu.dma_semaphore, #tpu.memory_space<semaphore_mem>>
          %dma_start3A_350 = arith.constant 0 : i32
          %dma_start3A_351 = tpu.memref_slice %arg3[%select_n3A, %dma_start3A_350] : memref<26x16384xi32, #tpu.memory_space<hbm>> -> memref<1x16384xi32, #tpu.memory_space<hbm>>
          %dma_start3A_352 = tpu.memref_squeeze %dma_start3A_351 : memref<1x16384xi32, #tpu.memory_space<hbm>> -> memref<16384xi32, #tpu.memory_space<hbm>>
          %dma_start3A_353 = arith.constant 0 : i32
          %dma_start3A_354 = tpu.memref_slice %arg3[%select_n3A, %dma_start3A_353] : memref<26x16384xi32, #tpu.memory_space<hbm>> -> memref<1x16384xi32, #tpu.memory_space<hbm>>
          %dma_start3A_355 = tpu.memref_squeeze %dma_start3A_354 : memref<1x16384xi32, #tpu.memory_space<hbm>> -> memref<16384xi32, #tpu.memory_space<hbm>>
          tpu.enqueue_dma source(%dma_start3A_355 : memref<16384xi32, #tpu.memory_space<hbm>>) target(%arg7 : memref<16384xi32, #tpu.memory_space<vmem>>) target_semaphore(%run_scoped3A : memref<!tpu.dma_semaphore, #tpu.memory_space<semaphore_mem>>)
          %dma_wait3A_356 = arith.constant 0 : i32
          %dma_wait3A_357 = tpu.memref_slice %arg3[%select_n3A, %dma_wait3A_356] : memref<26x16384xi32, #tpu.memory_space<hbm>> -> memref<1x16384xi32, #tpu.memory_space<hbm>>
          %dma_wait3A_358 = tpu.memref_squeeze %dma_wait3A_357 : memref<1x16384xi32, #tpu.memory_space<hbm>> -> memref<16384xi32, #tpu.memory_space<hbm>>
          %dma_wait3A_359 = arith.constant 0 : i32
          %dma_wait3A_360 = tpu.memref_slice %arg3[%select_n3A, %dma_wait3A_359] : memref<26x16384xi32, #tpu.memory_space<hbm>> -> memref<1x16384xi32, #tpu.memory_space<hbm>>
          %dma_wait3A_361 = tpu.memref_squeeze %dma_wait3A_360 : memref<1x16384xi32, #tpu.memory_space<hbm>> -> memref<16384xi32, #tpu.memory_space<hbm>>
          tpu.wait_dma2 semaphore(%run_scoped3A : memref<!tpu.dma_semaphore, #tpu.memory_space<semaphore_mem>>) src(%dma_wait3A_361 : memref<16384xi32, #tpu.memory_space<hbm>>) dst(%arg7 : memref<16384xi32, #tpu.memory_space<vmem>>)
          tpu.yield
        }) : () -> ()
      } else {
      }
      %dma_wait3A = arith.constant 0 : i32
      %dma_wait3A_44 = tpu.memref_slice %arg2[%add3A_23, %dma_wait3A] : memref<416x100000xf32, #tpu.memory_space<hbm>> -> memref<1x100000xf32, #tpu.memory_space<hbm>>
      %dma_wait3A_45 = tpu.memref_squeeze %dma_wait3A_44 : memref<1x100000xf32, #tpu.memory_space<hbm>> -> memref<100000xf32, #tpu.memory_space<hbm>>
      %dma_wait3A_46 = arith.constant 0 : i32
      %dma_wait3A_47 = tpu.memref_slice %arg2[%add3A_23, %dma_wait3A_46] : memref<416x100000xf32, #tpu.memory_space<hbm>> -> memref<1x100000xf32, #tpu.memory_space<hbm>>
      %dma_wait3A_48 = tpu.memref_squeeze %dma_wait3A_47 : memref<1x100000xf32, #tpu.memory_space<hbm>> -> memref<100000xf32, #tpu.memory_space<hbm>>
      tpu.wait_dma2 semaphore(%arg9 : memref<!tpu.dma_semaphore, #tpu.memory_space<semaphore_mem>>) src(%dma_wait3A_48 : memref<100000xf32, #tpu.memory_space<hbm>>) dst(%arg6 : memref<100000xf32, #tpu.memory_space<vmem>>)
      %scan3A_49 = arith.constant 0 : i32
      %scan3A_50 = arith.constant 0 : i32
      %scan3A_51 = arith.constant 0 : i32
      %scan3A_52 = arith.constant 128 : i32
      %scan3A_53 = arith.addi %scan3A_51, %scan3A_52 : i32
      %scan3A_54 = arith.constant 16 : i32
      %scan3A_55 = scf.for %scan3A_350 = %scan3A_51 to %scan3A_53 step %scan3A_54 iter_args(%scan3A_351 = %scan3A_50) -> (i32)  : i32 {
        %mul3A_352 = arith.constant 16 : i32
        %mul3A_353 = arith.muli %scan3A_350, %mul3A_352 : i32
        %get3A = arith.constant 0 : i32
        %get3A_354 = tpu.memref_slice %arg7[%get3A] : memref<16384xi32, #tpu.memory_space<vmem>> -> memref<2048xi32, #tpu.memory_space<vmem>>
        %get3A_355 = arith.index_cast %mul3A_353 : i32 to index
        %get3A_356 = tpu.vector_load %get3A_354[%get3A_355] {strides = array<i32>} : memref<2048xi32, #tpu.memory_space<vmem>>, vector<16xi32>,
        %gather3A = tpu.vector_load_idx %arg6[%get3A_356] : memref<100000xf32, #tpu.memory_space<vmem>>[vector<16xi32>], vector<16xf32>,
        %swap3A = arith.constant 0 : i32
        %swap3A_357 = tpu.memref_slice %arg8[%scan3A_49, %swap3A] : memref<4x2048xf32, #tpu.memory_space<vmem>> -> memref<1x2048xf32, #tpu.memory_space<vmem>>
        %swap3A_358 = tpu.memref_squeeze %swap3A_357 : memref<1x2048xf32, #tpu.memory_space<vmem>> -> memref<2048xf32, #tpu.memory_space<vmem>>
        %swap3A_359 = arith.index_cast %mul3A_353 : i32 to index
        %swap3A_360 = tpu.vector_load %swap3A_358[%swap3A_359] {strides = array<i32>} : memref<2048xf32, #tpu.memory_space<vmem>>, vector<16xf32>,
        tpu.vector_store %swap3A_358[%swap3A_359], %gather3A {strides = array<i32>} : memref<2048xf32, #tpu.memory_space<vmem>>, vector<16xf32>,
        %scan3A_361 = arith.constant 0 : i32
        %scan3A_362 = arith.constant 1 : i32
        %scan3A_363 = arith.addi %scan3A_350, %scan3A_362 : i32
        %mul3A_364 = arith.constant 16 : i32
        %mul3A_365 = arith.muli %scan3A_363, %mul3A_364 : i32
        %get3A_366 = arith.constant 0 : i32
        %get3A_367 = tpu.memref_slice %arg7[%get3A_366] : memref<16384xi32, #tpu.memory_space<vmem>> -> memref<2048xi32, #tpu.memory_space<vmem>>
        %get3A_368 = arith.index_cast %mul3A_365 : i32 to index
        %get3A_369 = tpu.vector_load %get3A_367[%get3A_368] {strides = array<i32>} : memref<2048xi32, #tpu.memory_space<vmem>>, vector<16xi32>,
        %gather3A_370 = tpu.vector_load_idx %arg6[%get3A_369] : memref<100000xf32, #tpu.memory_space<vmem>>[vector<16xi32>], vector<16xf32>,
        %swap3A_371 = arith.constant 0 : i32
        %swap3A_372 = tpu.memref_slice %arg8[%scan3A_49, %swap3A_371] : memref<4x2048xf32, #tpu.memory_space<vmem>> -> memref<1x2048xf32, #tpu.memory_space<vmem>>
        %swap3A_373 = tpu.memref_squeeze %swap3A_372 : memref<1x2048xf32, #tpu.memory_space<vmem>> -> memref<2048xf32, #tpu.memory_space<vmem>>
        %swap3A_374 = arith.index_cast %mul3A_365 : i32 to index
        %swap3A_375 = tpu.vector_load %swap3A_373[%swap3A_374] {strides = array<i32>} : memref<2048xf32, #tpu.memory_space<vmem>>, vector<16xf32>,
        tpu.vector_store %swap3A_373[%swap3A_374], %gather3A_370 {strides = array<i32>} : memref<2048xf32, #tpu.memory_space<vmem>>, vector<16xf32>,
        %scan3A_376 = arith.constant 0 : i32
        %scan3A_377 = arith.constant 2 : i32
        %scan3A_378 = arith.addi %scan3A_350, %scan3A_377 : i32
        %mul3A_379 = arith.constant 16 : i32
        %mul3A_380 = arith.muli %scan3A_378, %mul3A_379 : i32
        %get3A_381 = arith.constant 0 : i32
        %get3A_382 = tpu.memref_slice %arg7[%get3A_381] : memref<16384xi32, #tpu.memory_space<vmem>> -> memref<2048xi32, #tpu.memory_space<vmem>>
        %get3A_383 = arith.index_cast %mul3A_380 : i32 to index
        %get3A_384 = tpu.vector_load %get3A_382[%get3A_383] {strides = array<i32>} : memref<2048xi32, #tpu.memory_space<vmem>>, vector<16xi32>,
        %gather3A_385 = tpu.vector_load_idx %arg6[%get3A_384] : memref<100000xf32, #tpu.memory_space<vmem>>[vector<16xi32>], vector<16xf32>,
        %swap3A_386 = arith.constant 0 : i32
        %swap3A_387 = tpu.memref_slice %arg8[%scan3A_49, %swap3A_386] : memref<4x2048xf32, #tpu.memory_space<vmem>> -> memref<1x2048xf32, #tpu.memory_space<vmem>>
        %swap3A_388 = tpu.memref_squeeze %swap3A_387 : memref<1x2048xf32, #tpu.memory_space<vmem>> -> memref<2048xf32, #tpu.memory_space<vmem>>
        %swap3A_389 = arith.index_cast %mul3A_380 : i32 to index
        %swap3A_390 = tpu.vector_load %swap3A_388[%swap3A_389] {strides = array<i32>} : memref<2048xf32, #tpu.memory_space<vmem>>, vector<16xf32>,
        tpu.vector_store %swap3A_388[%swap3A_389], %gather3A_385 {strides = array<i32>} : memref<2048xf32, #tpu.memory_space<vmem>>, vector<16xf32>,
        %scan3A_391 = arith.constant 0 : i32
        %scan3A_392 = arith.constant 3 : i32
        %scan3A_393 = arith.addi %scan3A_350, %scan3A_392 : i32
        %mul3A_394 = arith.constant 16 : i32
        %mul3A_395 = arith.muli %scan3A_393, %mul3A_394 : i32
        %get3A_396 = arith.constant 0 : i32
        %get3A_397 = tpu.memref_slice %arg7[%get3A_396] : memref<16384xi32, #tpu.memory_space<vmem>> -> memref<2048xi32, #tpu.memory_space<vmem>>
        %get3A_398 = arith.index_cast %mul3A_395 : i32 to index
        %get3A_399 = tpu.vector_load %get3A_397[%get3A_398] {strides = array<i32>} : memref<2048xi32, #tpu.memory_space<vmem>>, vector<16xi32>,
        %gather3A_400 = tpu.vector_load_idx %arg6[%get3A_399] : memref<100000xf32, #tpu.memory_space<vmem>>[vector<16xi32>], vector<16xf32>,
        %swap3A_401 = arith.constant 0 : i32
        %swap3A_402 = tpu.memref_slice %arg8[%scan3A_49, %swap3A_401] : memref<4x2048xf32, #tpu.memory_space<vmem>> -> memref<1x2048xf32, #tpu.memory_space<vmem>>
        %swap3A_403 = tpu.memref_squeeze %swap3A_402 : memref<1x2048xf32, #tpu.memory_space<vmem>> -> memref<2048xf32, #tpu.memory_space<vmem>>
        %swap3A_404 = arith.index_cast %mul3A_395 : i32 to index
        %swap3A_405 = tpu.vector_load %swap3A_403[%swap3A_404] {strides = array<i32>} : memref<2048xf32, #tpu.memory_space<vmem>>, vector<16xf32>,
        tpu.vector_store %swap3A_403[%swap3A_404], %gather3A_400 {strides = array<i32>} : memref<2048xf32, #tpu.memory_space<vmem>>, vector<16xf32>,
        %scan3A_406 = arith.constant 0 : i32
        %scan3A_407 = arith.constant 4 : i32
        %scan3A_408 = arith.addi %scan3A_350, %scan3A_407 : i32
        %mul3A_409 = arith.constant 16 : i32
        %mul3A_410 = arith.muli %scan3A_408, %mul3A_409 : i32
        %get3A_411 = arith.constant 0 : i32
        %get3A_412 = tpu.memref_slice %arg7[%get3A_411] : memref<16384xi32, #tpu.memory_space<vmem>> -> memref<2048xi32, #tpu.memory_space<vmem>>
        %get3A_413 = arith.index_cast %mul3A_410 : i32 to index
        %get3A_414 = tpu.vector_load %get3A_412[%get3A_413] {strides = array<i32>} : memref<2048xi32, #tpu.memory_space<vmem>>, vector<16xi32>,
        %gather3A_415 = tpu.vector_load_idx %arg6[%get3A_414] : memref<100000xf32, #tpu.memory_space<vmem>>[vector<16xi32>], vector<16xf32>,
        %swap3A_416 = arith.constant 0 : i32
        %swap3A_417 = tpu.memref_slice %arg8[%scan3A_49, %swap3A_416] : memref<4x2048xf32, #tpu.memory_space<vmem>> -> memref<1x2048xf32, #tpu.memory_space<vmem>>
        %swap3A_418 = tpu.memref_squeeze %swap3A_417 : memref<1x2048xf32, #tpu.memory_space<vmem>> -> memref<2048xf32, #tpu.memory_space<vmem>>
        %swap3A_419 = arith.index_cast %mul3A_410 : i32 to index
        %swap3A_420 = tpu.vector_load %swap3A_418[%swap3A_419] {strides = array<i32>} : memref<2048xf32, #tpu.memory_space<vmem>>, vector<16xf32>,
        tpu.vector_store %swap3A_418[%swap3A_419], %gather3A_415 {strides = array<i32>} : memref<2048xf32, #tpu.memory_space<vmem>>, vector<16xf32>,
        %scan3A_421 = arith.constant 0 : i32
        %scan3A_422 = arith.constant 5 : i32
        %scan3A_423 = arith.addi %scan3A_350, %scan3A_422 : i32
        %mul3A_424 = arith.constant 16 : i32
        %mul3A_425 = arith.muli %scan3A_423, %mul3A_424 : i32
        %get3A_426 = arith.constant 0 : i32
        %get3A_427 = tpu.memref_slice %arg7[%get3A_426] : memref<16384xi32, #tpu.memory_space<vmem>> -> memref<2048xi32, #tpu.memory_space<vmem>>
        %get3A_428 = arith.index_cast %mul3A_425 : i32 to index
        %get3A_429 = tpu.vector_load %get3A_427[%get3A_428] {strides = array<i32>} : memref<2048xi32, #tpu.memory_space<vmem>>, vector<16xi32>,
        %gather3A_430 = tpu.vector_load_idx %arg6[%get3A_429] : memref<100000xf32, #tpu.memory_space<vmem>>[vector<16xi32>], vector<16xf32>,
        %swap3A_431 = arith.constant 0 : i32
        %swap3A_432 = tpu.memref_slice %arg8[%scan3A_49, %swap3A_431] : memref<4x2048xf32, #tpu.memory_space<vmem>> -> memref<1x2048xf32, #tpu.memory_space<vmem>>
        %swap3A_433 = tpu.memref_squeeze %swap3A_432 : memref<1x2048xf32, #tpu.memory_space<vmem>> -> memref<2048xf32, #tpu.memory_space<vmem>>
        %swap3A_434 = arith.index_cast %mul3A_425 : i32 to index
        %swap3A_435 = tpu.vector_load %swap3A_433[%swap3A_434] {strides = array<i32>} : memref<2048xf32, #tpu.memory_space<vmem>>, vector<16xf32>,
        tpu.vector_store %swap3A_433[%swap3A_434], %gather3A_430 {strides = array<i32>} : memref<2048xf32, #tpu.memory_space<vmem>>, vector<16xf32>,
        %scan3A_436 = arith.constant 0 : i32
        %scan3A_437 = arith.constant 6 : i32
        %scan3A_438 = arith.addi %scan3A_350, %scan3A_437 : i32
        %mul3A_439 = arith.constant 16 : i32
        %mul3A_440 = arith.muli %scan3A_438, %mul3A_439 : i32
        %get3A_441 = arith.constant 0 : i32
        %get3A_442 = tpu.memref_slice %arg7[%get3A_441] : memref<16384xi32, #tpu.memory_space<vmem>> -> memref<2048xi32, #tpu.memory_space<vmem>>
        %get3A_443 = arith.index_cast %mul3A_440 : i32 to index
        %get3A_444 = tpu.vector_load %get3A_442[%get3A_443] {strides = array<i32>} : memref<2048xi32, #tpu.memory_space<vmem>>, vector<16xi32>,
        %gather3A_445 = tpu.vector_load_idx %arg6[%get3A_444] : memref<100000xf32, #tpu.memory_space<vmem>>[vector<16xi32>], vector<16xf32>,
        %swap3A_446 = arith.constant 0 : i32
        %swap3A_447 = tpu.memref_slice %arg8[%scan3A_49, %swap3A_446] : memref<4x2048xf32, #tpu.memory_space<vmem>> -> memref<1x2048xf32, #tpu.memory_space<vmem>>
        %swap3A_448 = tpu.memref_squeeze %swap3A_447 : memref<1x2048xf32, #tpu.memory_space<vmem>> -> memref<2048xf32, #tpu.memory_space<vmem>>
        %swap3A_449 = arith.index_cast %mul3A_440 : i32 to index
        %swap3A_450 = tpu.vector_load %swap3A_448[%swap3A_449] {strides = array<i32>} : memref<2048xf32, #tpu.memory_space<vmem>>, vector<16xf32>,
        tpu.vector_store %swap3A_448[%swap3A_449], %gather3A_445 {strides = array<i32>} : memref<2048xf32, #tpu.memory_space<vmem>>, vector<16xf32>,
        %scan3A_451 = arith.constant 0 : i32
        %scan3A_452 = arith.constant 7 : i32
        %scan3A_453 = arith.addi %scan3A_350, %scan3A_452 : i32
        %mul3A_454 = arith.constant 16 : i32
        %mul3A_455 = arith.muli %scan3A_453, %mul3A_454 : i32
        %get3A_456 = arith.constant 0 : i32
        %get3A_457 = tpu.memref_slice %arg7[%get3A_456] : memref<16384xi32, #tpu.memory_space<vmem>> -> memref<2048xi32, #tpu.memory_space<vmem>>
        %get3A_458 = arith.index_cast %mul3A_455 : i32 to index
        %get3A_459 = tpu.vector_load %get3A_457[%get3A_458] {strides = array<i32>} : memref<2048xi32, #tpu.memory_space<vmem>>, vector<16xi32>,
        %gather3A_460 = tpu.vector_load_idx %arg6[%get3A_459] : memref<100000xf32, #tpu.memory_space<vmem>>[vector<16xi32>], vector<16xf32>,
        %swap3A_461 = arith.constant 0 : i32
        %swap3A_462 = tpu.memref_slice %arg8[%scan3A_49, %swap3A_461] : memref<4x2048xf32, #tpu.memory_space<vmem>> -> memref<1x2048xf32, #tpu.memory_space<vmem>>
        %swap3A_463 = tpu.memref_squeeze %swap3A_462 : memref<1x2048xf32, #tpu.memory_space<vmem>> -> memref<2048xf32, #tpu.memory_space<vmem>>
        %swap3A_464 = arith.index_cast %mul3A_455 : i32 to index
        %swap3A_465 = tpu.vector_load %swap3A_463[%swap3A_464] {strides = array<i32>} : memref<2048xf32, #tpu.memory_space<vmem>>, vector<16xf32>,
        tpu.vector_store %swap3A_463[%swap3A_464], %gather3A_460 {strides = array<i32>} : memref<2048xf32, #tpu.memory_space<vmem>>, vector<16xf32>,
        %scan3A_466 = arith.constant 0 : i32
        %scan3A_467 = arith.constant 8 : i32
        %scan3A_468 = arith.addi %scan3A_350, %scan3A_467 : i32
        %mul3A_469 = arith.constant 16 : i32
        %mul3A_470 = arith.muli %scan3A_468, %mul3A_469 : i32
        %get3A_471 = arith.constant 0 : i32
        %get3A_472 = tpu.memref_slice %arg7[%get3A_471] : memref<16384xi32, #tpu.memory_space<vmem>> -> memref<2048xi32, #tpu.memory_space<vmem>>
        %get3A_473 = arith.index_cast %mul3A_470 : i32 to index
        %get3A_474 = tpu.vector_load %get3A_472[%get3A_473] {strides = array<i32>} : memref<2048xi32, #tpu.memory_space<vmem>>, vector<16xi32>,
        %gather3A_475 = tpu.vector_load_idx %arg6[%get3A_474] : memref<100000xf32, #tpu.memory_space<vmem>>[vector<16xi32>], vector<16xf32>,
        %swap3A_476 = arith.constant 0 : i32
        %swap3A_477 = tpu.memref_slice %arg8[%scan3A_49, %swap3A_476] : memref<4x2048xf32, #tpu.memory_space<vmem>> -> memref<1x2048xf32, #tpu.memory_space<vmem>>
        %swap3A_478 = tpu.memref_squeeze %swap3A_477 : memref<1x2048xf32, #tpu.memory_space<vmem>> -> memref<2048xf32, #tpu.memory_space<vmem>>
        %swap3A_479 = arith.index_cast %mul3A_470 : i32 to index
        %swap3A_480 = tpu.vector_load %swap3A_478[%swap3A_479] {strides = array<i32>} : memref<2048xf32, #tpu.memory_space<vmem>>, vector<16xf32>,
        tpu.vector_store %swap3A_478[%swap3A_479], %gather3A_475 {strides = array<i32>} : memref<2048xf32, #tpu.memory_space<vmem>>, vector<16xf32>,
        %scan3A_481 = arith.constant 0 : i32
        %scan3A_482 = arith.constant 9 : i32
        %scan3A_483 = arith.addi %scan3A_350, %scan3A_482 : i32
        %mul3A_484 = arith.constant 16 : i32
        %mul3A_485 = arith.muli %scan3A_483, %mul3A_484 : i32
        %get3A_486 = arith.constant 0 : i32
        %get3A_487 = tpu.memref_slice %arg7[%get3A_486] : memref<16384xi32, #tpu.memory_space<vmem>> -> memref<2048xi32, #tpu.memory_space<vmem>>
        %get3A_488 = arith.index_cast %mul3A_485 : i32 to index
        %get3A_489 = tpu.vector_load %get3A_487[%get3A_488] {strides = array<i32>} : memref<2048xi32, #tpu.memory_space<vmem>>, vector<16xi32>,
        %gather3A_490 = tpu.vector_load_idx %arg6[%get3A_489] : memref<100000xf32, #tpu.memory_space<vmem>>[vector<16xi32>], vector<16xf32>,
        %swap3A_491 = arith.constant 0 : i32
        %swap3A_492 = tpu.memref_slice %arg8[%scan3A_49, %swap3A_491] : memref<4x2048xf32, #tpu.memory_space<vmem>> -> memref<1x2048xf32, #tpu.memory_space<vmem>>
        %swap3A_493 = tpu.memref_squeeze %swap3A_492 : memref<1x2048xf32, #tpu.memory_space<vmem>> -> memref<2048xf32, #tpu.memory_space<vmem>>
        %swap3A_494 = arith.index_cast %mul3A_485 : i32 to index
        %swap3A_495 = tpu.vector_load %swap3A_493[%swap3A_494] {strides = array<i32>} : memref<2048xf32, #tpu.memory_space<vmem>>, vector<16xf32>,
        tpu.vector_store %swap3A_493[%swap3A_494], %gather3A_490 {strides = array<i32>} : memref<2048xf32, #tpu.memory_space<vmem>>, vector<16xf32>,
        %scan3A_496 = arith.constant 0 : i32
        %scan3A_497 = arith.constant 10 : i32
        %scan3A_498 = arith.addi %scan3A_350, %scan3A_497 : i32
        %mul3A_499 = arith.constant 16 : i32
        %mul3A_500 = arith.muli %scan3A_498, %mul3A_499 : i32
        %get3A_501 = arith.constant 0 : i32
        %get3A_502 = tpu.memref_slice %arg7[%get3A_501] : memref<16384xi32, #tpu.memory_space<vmem>> -> memref<2048xi32, #tpu.memory_space<vmem>>
        %get3A_503 = arith.index_cast %mul3A_500 : i32 to index
        %get3A_504 = tpu.vector_load %get3A_502[%get3A_503] {strides = array<i32>} : memref<2048xi32, #tpu.memory_space<vmem>>, vector<16xi32>,
        %gather3A_505 = tpu.vector_load_idx %arg6[%get3A_504] : memref<100000xf32, #tpu.memory_space<vmem>>[vector<16xi32>], vector<16xf32>,
        %swap3A_506 = arith.constant 0 : i32
        %swap3A_507 = tpu.memref_slice %arg8[%scan3A_49, %swap3A_506] : memref<4x2048xf32, #tpu.memory_space<vmem>> -> memref<1x2048xf32, #tpu.memory_space<vmem>>
        %swap3A_508 = tpu.memref_squeeze %swap3A_507 : memref<1x2048xf32, #tpu.memory_space<vmem>> -> memref<2048xf32, #tpu.memory_space<vmem>>
        %swap3A_509 = arith.index_cast %mul3A_500 : i32 to index
        %swap3A_510 = tpu.vector_load %swap3A_508[%swap3A_509] {strides = array<i32>} : memref<2048xf32, #tpu.memory_space<vmem>>, vector<16xf32>,
        tpu.vector_store %swap3A_508[%swap3A_509], %gather3A_505 {strides = array<i32>} : memref<2048xf32, #tpu.memory_space<vmem>>, vector<16xf32>,
        %scan3A_511 = arith.constant 0 : i32
        %scan3A_512 = arith.constant 11 : i32
        %scan3A_513 = arith.addi %scan3A_350, %scan3A_512 : i32
        %mul3A_514 = arith.constant 16 : i32
        %mul3A_515 = arith.muli %scan3A_513, %mul3A_514 : i32
        %get3A_516 = arith.constant 0 : i32
        %get3A_517 = tpu.memref_slice %arg7[%get3A_516] : memref<16384xi32, #tpu.memory_space<vmem>> -> memref<2048xi32, #tpu.memory_space<vmem>>
        %get3A_518 = arith.index_cast %mul3A_515 : i32 to index
        %get3A_519 = tpu.vector_load %get3A_517[%get3A_518] {strides = array<i32>} : memref<2048xi32, #tpu.memory_space<vmem>>, vector<16xi32>,
        %gather3A_520 = tpu.vector_load_idx %arg6[%get3A_519] : memref<100000xf32, #tpu.memory_space<vmem>>[vector<16xi32>], vector<16xf32>,
        %swap3A_521 = arith.constant 0 : i32
        %swap3A_522 = tpu.memref_slice %arg8[%scan3A_49, %swap3A_521] : memref<4x2048xf32, #tpu.memory_space<vmem>> -> memref<1x2048xf32, #tpu.memory_space<vmem>>
        %swap3A_523 = tpu.memref_squeeze %swap3A_522 : memref<1x2048xf32, #tpu.memory_space<vmem>> -> memref<2048xf32, #tpu.memory_space<vmem>>
        %swap3A_524 = arith.index_cast %mul3A_515 : i32 to index
        %swap3A_525 = tpu.vector_load %swap3A_523[%swap3A_524] {strides = array<i32>} : memref<2048xf32, #tpu.memory_space<vmem>>, vector<16xf32>,
        tpu.vector_store %swap3A_523[%swap3A_524], %gather3A_520 {strides = array<i32>} : memref<2048xf32, #tpu.memory_space<vmem>>, vector<16xf32>,
        %scan3A_526 = arith.constant 0 : i32
        %scan3A_527 = arith.constant 12 : i32
        %scan3A_528 = arith.addi %scan3A_350, %scan3A_527 : i32
        %mul3A_529 = arith.constant 16 : i32
        %mul3A_530 = arith.muli %scan3A_528, %mul3A_529 : i32
        %get3A_531 = arith.constant 0 : i32
        %get3A_532 = tpu.memref_slice %arg7[%get3A_531] : memref<16384xi32, #tpu.memory_space<vmem>> -> memref<2048xi32, #tpu.memory_space<vmem>>
        %get3A_533 = arith.index_cast %mul3A_530 : i32 to index
        %get3A_534 = tpu.vector_load %get3A_532[%get3A_533] {strides = array<i32>} : memref<2048xi32, #tpu.memory_space<vmem>>, vector<16xi32>,
        %gather3A_535 = tpu.vector_load_idx %arg6[%get3A_534] : memref<100000xf32, #tpu.memory_space<vmem>>[vector<16xi32>], vector<16xf32>,
        %swap3A_536 = arith.constant 0 : i32
        %swap3A_537 = tpu.memref_slice %arg8[%scan3A_49, %swap3A_536] : memref<4x2048xf32, #tpu.memory_space<vmem>> -> memref<1x2048xf32, #tpu.memory_space<vmem>>
        %swap3A_538 = tpu.memref_squeeze %swap3A_537 : memref<1x2048xf32, #tpu.memory_space<vmem>> -> memref<2048xf32, #tpu.memory_space<vmem>>
        %swap3A_539 = arith.index_cast %mul3A_530 : i32 to index
        %swap3A_540 = tpu.vector_load %swap3A_538[%swap3A_539] {strides = array<i32>} : memref<2048xf32, #tpu.memory_space<vmem>>, vector<16xf32>,
        tpu.vector_store %swap3A_538[%swap3A_539], %gather3A_535 {strides = array<i32>} : memref<2048xf32, #tpu.memory_space<vmem>>, vector<16xf32>,
        %scan3A_541 = arith.constant 0 : i32
        %scan3A_542 = arith.constant 13 : i32
        %scan3A_543 = arith.addi %scan3A_350, %scan3A_542 : i32
        %mul3A_544 = arith.constant 16 : i32
        %mul3A_545 = arith.muli %scan3A_543, %mul3A_544 : i32
        %get3A_546 = arith.constant 0 : i32
        %get3A_547 = tpu.memref_slice %arg7[%get3A_546] : memref<16384xi32, #tpu.memory_space<vmem>> -> memref<2048xi32, #tpu.memory_space<vmem>>
        %get3A_548 = arith.index_cast %mul3A_545 : i32 to index
        %get3A_549 = tpu.vector_load %get3A_547[%get3A_548] {strides = array<i32>} : memref<2048xi32, #tpu.memory_space<vmem>>, vector<16xi32>,
        %gather3A_550 = tpu.vector_load_idx %arg6[%get3A_549] : memref<100000xf32, #tpu.memory_space<vmem>>[vector<16xi32>], vector<16xf32>,
        %swap3A_551 = arith.constant 0 : i32
        %swap3A_552 = tpu.memref_slice %arg8[%scan3A_49, %swap3A_551] : memref<4x2048xf32, #tpu.memory_space<vmem>> -> memref<1x2048xf32, #tpu.memory_space<vmem>>
        %swap3A_553 = tpu.memref_squeeze %swap3A_552 : memref<1x2048xf32, #tpu.memory_space<vmem>> -> memref<2048xf32, #tpu.memory_space<vmem>>
        %swap3A_554 = arith.index_cast %mul3A_545 : i32 to index
        %swap3A_555 = tpu.vector_load %swap3A_553[%swap3A_554] {strides = array<i32>} : memref<2048xf32, #tpu.memory_space<vmem>>, vector<16xf32>,
        tpu.vector_store %swap3A_553[%swap3A_554], %gather3A_550 {strides = array<i32>} : memref<2048xf32, #tpu.memory_space<vmem>>, vector<16xf32>,
        %scan3A_556 = arith.constant 0 : i32
        %scan3A_557 = arith.constant 14 : i32
        %scan3A_558 = arith.addi %scan3A_350, %scan3A_557 : i32
        %mul3A_559 = arith.constant 16 : i32
        %mul3A_560 = arith.muli %scan3A_558, %mul3A_559 : i32
        %get3A_561 = arith.constant 0 : i32
        %get3A_562 = tpu.memref_slice %arg7[%get3A_561] : memref<16384xi32, #tpu.memory_space<vmem>> -> memref<2048xi32, #tpu.memory_space<vmem>>
        %get3A_563 = arith.index_cast %mul3A_560 : i32 to index
        %get3A_564 = tpu.vector_load %get3A_562[%get3A_563] {strides = array<i32>} : memref<2048xi32, #tpu.memory_space<vmem>>, vector<16xi32>,
        %gather3A_565 = tpu.vector_load_idx %arg6[%get3A_564] : memref<100000xf32, #tpu.memory_space<vmem>>[vector<16xi32>], vector<16xf32>,
        %swap3A_566 = arith.constant 0 : i32
        %swap3A_567 = tpu.memref_slice %arg8[%scan3A_49, %swap3A_566] : memref<4x2048xf32, #tpu.memory_space<vmem>> -> memref<1x2048xf32, #tpu.memory_space<vmem>>
        %swap3A_568 = tpu.memref_squeeze %swap3A_567 : memref<1x2048xf32, #tpu.memory_space<vmem>> -> memref<2048xf32, #tpu.memory_space<vmem>>
        %swap3A_569 = arith.index_cast %mul3A_560 : i32 to index
        %swap3A_570 = tpu.vector_load %swap3A_568[%swap3A_569] {strides = array<i32>} : memref<2048xf32, #tpu.memory_space<vmem>>, vector<16xf32>,
        tpu.vector_store %swap3A_568[%swap3A_569], %gather3A_565 {strides = array<i32>} : memref<2048xf32, #tpu.memory_space<vmem>>, vector<16xf32>,
        %scan3A_571 = arith.constant 0 : i32
        %scan3A_572 = arith.constant 15 : i32
        %scan3A_573 = arith.addi %scan3A_350, %scan3A_572 : i32
        %mul3A_574 = arith.constant 16 : i32
        %mul3A_575 = arith.muli %scan3A_573, %mul3A_574 : i32
        %get3A_576 = arith.constant 0 : i32
        %get3A_577 = tpu.memref_slice %arg7[%get3A_576] : memref<16384xi32, #tpu.memory_space<vmem>> -> memref<2048xi32, #tpu.memory_space<vmem>>
        %get3A_578 = arith.index_cast %mul3A_575 : i32 to index
        %get3A_579 = tpu.vector_load %get3A_577[%get3A_578] {strides = array<i32>} : memref<2048xi32, #tpu.memory_space<vmem>>, vector<16xi32>,
        %gather3A_580 = tpu.vector_load_idx %arg6[%get3A_579] : memref<100000xf32, #tpu.memory_space<vmem>>[vector<16xi32>], vector<16xf32>,
        %swap3A_581 = arith.constant 0 : i32
        %swap3A_582 = tpu.memref_slice %arg8[%scan3A_49, %swap3A_581] : memref<4x2048xf32, #tpu.memory_space<vmem>> -> memref<1x2048xf32, #tpu.memory_space<vmem>>
        %swap3A_583 = tpu.memref_squeeze %swap3A_582 : memref<1x2048xf32, #tpu.memory_space<vmem>> -> memref<2048xf32, #tpu.memory_space<vmem>>
        %swap3A_584 = arith.index_cast %mul3A_575 : i32 to index
        %swap3A_585 = tpu.vector_load %swap3A_583[%swap3A_584] {strides = array<i32>} : memref<2048xf32, #tpu.memory_space<vmem>>, vector<16xf32>,
        tpu.vector_store %swap3A_583[%swap3A_584], %gather3A_580 {strides = array<i32>} : memref<2048xf32, #tpu.memory_space<vmem>>, vector<16xf32>,
        %scan3A_586 = arith.constant 0 : i32
        scf.yield %scan3A_586 : i32
      }
      %scan3A_56 = arith.constant 128 : i32
      %add3A_57 = arith.constant 13 : i32
      %add3A_58 = arith.addi %add3A_57, %add3A_23 : i32
      %dma_start3A_59 = arith.constant 0 : i32
      %dma_start3A_60 = arith.constant 0 : i32
      %dma_start3A_61 = tpu.memref_slice %arg8[%dma_start3A_59, %dma_start3A_60] : memref<4x2048xf32, #tpu.memory_space<vmem>> -> memref<1x2048xf32, #tpu.memory_space<vmem>>
      %dma_start3A_62 = tpu.memref_squeeze %dma_start3A_61 : memref<1x2048xf32, #tpu.memory_space<vmem>> -> memref<2048xf32, #tpu.memory_space<vmem>>
      %dma_start3A_63 = arith.constant 0 : i32
      %dma_start3A_64 = tpu.memref_slice %arg5[%add3A_58, %dma_start3A_63] : memref<429x16384xf32, #tpu.memory_space<hbm>> -> memref<1x2048xf32, #tpu.memory_space<hbm>>
      %dma_start3A_65 = tpu.memref_squeeze %dma_start3A_64 : memref<1x2048xf32, #tpu.memory_space<hbm>> -> memref<2048xf32, #tpu.memory_space<hbm>>
      %dma_start3A_66 = arith.constant 0 : i32
      %dma_start3A_67 = tpu.memref_slice %arg5[%add3A_58, %dma_start3A_66] : memref<429x16384xf32, #tpu.memory_space<hbm>> -> memref<1x2048xf32, #tpu.memory_space<hbm>>
      %dma_start3A_68 = tpu.memref_squeeze %dma_start3A_67 : memref<1x2048xf32, #tpu.memory_space<hbm>> -> memref<2048xf32, #tpu.memory_space<hbm>>
      %dma_start3A_69 = arith.constant 0 : i32
      %dma_start3A_70 = tpu.memref_slice %arg8[%dma_start3A_59, %dma_start3A_69] : memref<4x2048xf32, #tpu.memory_space<vmem>> -> memref<1x2048xf32, #tpu.memory_space<vmem>>
      %dma_start3A_71 = tpu.memref_squeeze %dma_start3A_70 : memref<1x2048xf32, #tpu.memory_space<vmem>> -> memref<2048xf32, #tpu.memory_space<vmem>>
      tpu.enqueue_dma source(%dma_start3A_71 : memref<2048xf32, #tpu.memory_space<vmem>>) target(%dma_start3A_68 : memref<2048xf32, #tpu.memory_space<hbm>>) target_semaphore(%arg10 : memref<!tpu.dma_semaphore, #tpu.memory_space<semaphore_mem>>)
      %scan3A_72 = arith.constant 1 : i32
      %scan3A_73 = arith.constant 0 : i32
      %scan3A_74 = arith.constant 0 : i32
      %scan3A_75 = arith.constant 128 : i32
      %scan3A_76 = arith.addi %scan3A_74, %scan3A_75 : i32
      %scan3A_77 = arith.constant 16 : i32
      %scan3A_78 = scf.for %scan3A_350 = %scan3A_74 to %scan3A_76 step %scan3A_77 iter_args(%scan3A_351 = %scan3A_73) -> (i32)  : i32 {
        %mul3A_352 = arith.constant 16 : i32
        %mul3A_353 = arith.muli %scan3A_350, %mul3A_352 : i32
        %get3A = arith.constant 2048 : i32
        %get3A_354 = tpu.memref_slice %arg7[%get3A] : memref<16384xi32, #tpu.memory_space<vmem>> -> memref<2048xi32, #tpu.memory_space<vmem>>
        %get3A_355 = arith.index_cast %mul3A_353 : i32 to index
        %get3A_356 = tpu.vector_load %get3A_354[%get3A_355] {strides = array<i32>} : memref<2048xi32, #tpu.memory_space<vmem>>, vector<16xi32>,
        %gather3A = tpu.vector_load_idx %arg6[%get3A_356] : memref<100000xf32, #tpu.memory_space<vmem>>[vector<16xi32>], vector<16xf32>,
        %swap3A = arith.constant 0 : i32
        %swap3A_357 = tpu.memref_slice %arg8[%scan3A_72, %swap3A] : memref<4x2048xf32, #tpu.memory_space<vmem>> -> memref<1x2048xf32, #tpu.memory_space<vmem>>
        %swap3A_358 = tpu.memref_squeeze %swap3A_357 : memref<1x2048xf32, #tpu.memory_space<vmem>> -> memref<2048xf32, #tpu.memory_space<vmem>>
        %swap3A_359 = arith.index_cast %mul3A_353 : i32 to index
        %swap3A_360 = tpu.vector_load %swap3A_358[%swap3A_359] {strides = array<i32>} : memref<2048xf32, #tpu.memory_space<vmem>>, vector<16xf32>,
        tpu.vector_store %swap3A_358[%swap3A_359], %gather3A {strides = array<i32>} : memref<2048xf32, #tpu.memory_space<vmem>>, vector<16xf32>,
        %scan3A_361 = arith.constant 0 : i32
        %scan3A_362 = arith.constant 1 : i32
        %scan3A_363 = arith.addi %scan3A_350, %scan3A_362 : i32
        %mul3A_364 = arith.constant 16 : i32
        %mul3A_365 = arith.muli %scan3A_363, %mul3A_364 : i32
        %get3A_366 = arith.constant 2048 : i32
        %get3A_367 = tpu.memref_slice %arg7[%get3A_366] : memref<16384xi32, #tpu.memory_space<vmem>> -> memref<2048xi32, #tpu.memory_space<vmem>>
        %get3A_368 = arith.index_cast %mul3A_365 : i32 to index
        %get3A_369 = tpu.vector_load %get3A_367[%get3A_368] {strides = array<i32>} : memref<2048xi32, #tpu.memory_space<vmem>>, vector<16xi32>,
        %gather3A_370 = tpu.vector_load_idx %arg6[%get3A_369] : memref<100000xf32, #tpu.memory_space<vmem>>[vector<16xi32>], vector<16xf32>,
        %swap3A_371 = arith.constant 0 : i32
        %swap3A_372 = tpu.memref_slice %arg8[%scan3A_72, %swap3A_371] : memref<4x2048xf32, #tpu.memory_space<vmem>> -> memref<1x2048xf32, #tpu.memory_space<vmem>>
        %swap3A_373 = tpu.memref_squeeze %swap3A_372 : memref<1x2048xf32, #tpu.memory_space<vmem>> -> memref<2048xf32, #tpu.memory_space<vmem>>
        %swap3A_374 = arith.index_cast %mul3A_365 : i32 to index
        %swap3A_375 = tpu.vector_load %swap3A_373[%swap3A_374] {strides = array<i32>} : memref<2048xf32, #tpu.memory_space<vmem>>, vector<16xf32>,
        tpu.vector_store %swap3A_373[%swap3A_374], %gather3A_370 {strides = array<i32>} : memref<2048xf32, #tpu.memory_space<vmem>>, vector<16xf32>,
        %scan3A_376 = arith.constant 0 : i32
        %scan3A_377 = arith.constant 2 : i32
        %scan3A_378 = arith.addi %scan3A_350, %scan3A_377 : i32
        %mul3A_379 = arith.constant 16 : i32
        %mul3A_380 = arith.muli %scan3A_378, %mul3A_379 : i32
        %get3A_381 = arith.constant 2048 : i32
        %get3A_382 = tpu.memref_slice %arg7[%get3A_381] : memref<16384xi32, #tpu.memory_space<vmem>> -> memref<2048xi32, #tpu.memory_space<vmem>>
        %get3A_383 = arith.index_cast %mul3A_380 : i32 to index
        %get3A_384 = tpu.vector_load %get3A_382[%get3A_383] {strides = array<i32>} : memref<2048xi32, #tpu.memory_space<vmem>>, vector<16xi32>,
        %gather3A_385 = tpu.vector_load_idx %arg6[%get3A_384] : memref<100000xf32, #tpu.memory_space<vmem>>[vector<16xi32>], vector<16xf32>,
        %swap3A_386 = arith.constant 0 : i32
        %swap3A_387 = tpu.memref_slice %arg8[%scan3A_72, %swap3A_386] : memref<4x2048xf32, #tpu.memory_space<vmem>> -> memref<1x2048xf32, #tpu.memory_space<vmem>>
        %swap3A_388 = tpu.memref_squeeze %swap3A_387 : memref<1x2048xf32, #tpu.memory_space<vmem>> -> memref<2048xf32, #tpu.memory_space<vmem>>
        %swap3A_389 = arith.index_cast %mul3A_380 : i32 to index
        %swap3A_390 = tpu.vector_load %swap3A_388[%swap3A_389] {strides = array<i32>} : memref<2048xf32, #tpu.memory_space<vmem>>, vector<16xf32>,
        tpu.vector_store %swap3A_388[%swap3A_389], %gather3A_385 {strides = array<i32>} : memref<2048xf32, #tpu.memory_space<vmem>>, vector<16xf32>,
        %scan3A_391 = arith.constant 0 : i32
        %scan3A_392 = arith.constant 3 : i32
        %scan3A_393 = arith.addi %scan3A_350, %scan3A_392 : i32
        %mul3A_394 = arith.constant 16 : i32
        %mul3A_395 = arith.muli %scan3A_393, %mul3A_394 : i32
        %get3A_396 = arith.constant 2048 : i32
        %get3A_397 = tpu.memref_slice %arg7[%get3A_396] : memref<16384xi32, #tpu.memory_space<vmem>> -> memref<2048xi32, #tpu.memory_space<vmem>>
        %get3A_398 = arith.index_cast %mul3A_395 : i32 to index
        %get3A_399 = tpu.vector_load %get3A_397[%get3A_398] {strides = array<i32>} : memref<2048xi32, #tpu.memory_space<vmem>>, vector<16xi32>,
        %gather3A_400 = tpu.vector_load_idx %arg6[%get3A_399] : memref<100000xf32, #tpu.memory_space<vmem>>[vector<16xi32>], vector<16xf32>,
        %swap3A_401 = arith.constant 0 : i32
        %swap3A_402 = tpu.memref_slice %arg8[%scan3A_72, %swap3A_401] : memref<4x2048xf32, #tpu.memory_space<vmem>> -> memref<1x2048xf32, #tpu.memory_space<vmem>>
        %swap3A_403 = tpu.memref_squeeze %swap3A_402 : memref<1x2048xf32, #tpu.memory_space<vmem>> -> memref<2048xf32, #tpu.memory_space<vmem>>
        %swap3A_404 = arith.index_cast %mul3A_395 : i32 to index
        %swap3A_405 = tpu.vector_load %swap3A_403[%swap3A_404] {strides = array<i32>} : memref<2048xf32, #tpu.memory_space<vmem>>, vector<16xf32>,
        tpu.vector_store %swap3A_403[%swap3A_404], %gather3A_400 {strides = array<i32>} : memref<2048xf32, #tpu.memory_space<vmem>>, vector<16xf32>,
        %scan3A_406 = arith.constant 0 : i32
        %scan3A_407 = arith.constant 4 : i32
        %scan3A_408 = arith.addi %scan3A_350, %scan3A_407 : i32
        %mul3A_409 = arith.constant 16 : i32
        %mul3A_410 = arith.muli %scan3A_408, %mul3A_409 : i32
        %get3A_411 = arith.constant 2048 : i32
        %get3A_412 = tpu.memref_slice %arg7[%get3A_411] : memref<16384xi32, #tpu.memory_space<vmem>> -> memref<2048xi32, #tpu.memory_space<vmem>>
        %get3A_413 = arith.index_cast %mul3A_410 : i32 to index
        %get3A_414 = tpu.vector_load %get3A_412[%get3A_413] {strides = array<i32>} : memref<2048xi32, #tpu.memory_space<vmem>>, vector<16xi32>,
        %gather3A_415 = tpu.vector_load_idx %arg6[%get3A_414] : memref<100000xf32, #tpu.memory_space<vmem>>[vector<16xi32>], vector<16xf32>,
        %swap3A_416 = arith.constant 0 : i32
        %swap3A_417 = tpu.memref_slice %arg8[%scan3A_72, %swap3A_416] : memref<4x2048xf32, #tpu.memory_space<vmem>> -> memref<1x2048xf32, #tpu.memory_space<vmem>>
        %swap3A_418 = tpu.memref_squeeze %swap3A_417 : memref<1x2048xf32, #tpu.memory_space<vmem>> -> memref<2048xf32, #tpu.memory_space<vmem>>
        %swap3A_419 = arith.index_cast %mul3A_410 : i32 to index
        %swap3A_420 = tpu.vector_load %swap3A_418[%swap3A_419] {strides = array<i32>} : memref<2048xf32, #tpu.memory_space<vmem>>, vector<16xf32>,
        tpu.vector_store %swap3A_418[%swap3A_419], %gather3A_415 {strides = array<i32>} : memref<2048xf32, #tpu.memory_space<vmem>>, vector<16xf32>,
        %scan3A_421 = arith.constant 0 : i32
        %scan3A_422 = arith.constant 5 : i32
        %scan3A_423 = arith.addi %scan3A_350, %scan3A_422 : i32
        %mul3A_424 = arith.constant 16 : i32
        %mul3A_425 = arith.muli %scan3A_423, %mul3A_424 : i32
        %get3A_426 = arith.constant 2048 : i32
        %get3A_427 = tpu.memref_slice %arg7[%get3A_426] : memref<16384xi32, #tpu.memory_space<vmem>> -> memref<2048xi32, #tpu.memory_space<vmem>>
        %get3A_428 = arith.index_cast %mul3A_425 : i32 to index
        %get3A_429 = tpu.vector_load %get3A_427[%get3A_428] {strides = array<i32>} : memref<2048xi32, #tpu.memory_space<vmem>>, vector<16xi32>,
        %gather3A_430 = tpu.vector_load_idx %arg6[%get3A_429] : memref<100000xf32, #tpu.memory_space<vmem>>[vector<16xi32>], vector<16xf32>,
        %swap3A_431 = arith.constant 0 : i32
        %swap3A_432 = tpu.memref_slice %arg8[%scan3A_72, %swap3A_431] : memref<4x2048xf32, #tpu.memory_space<vmem>> -> memref<1x2048xf32, #tpu.memory_space<vmem>>
        %swap3A_433 = tpu.memref_squeeze %swap3A_432 : memref<1x2048xf32, #tpu.memory_space<vmem>> -> memref<2048xf32, #tpu.memory_space<vmem>>
        %swap3A_434 = arith.index_cast %mul3A_425 : i32 to index
        %swap3A_435 = tpu.vector_load %swap3A_433[%swap3A_434] {strides = array<i32>} : memref<2048xf32, #tpu.memory_space<vmem>>, vector<16xf32>,
        tpu.vector_store %swap3A_433[%swap3A_434], %gather3A_430 {strides = array<i32>} : memref<2048xf32, #tpu.memory_space<vmem>>, vector<16xf32>,
        %scan3A_436 = arith.constant 0 : i32
        %scan3A_437 = arith.constant 6 : i32
        %scan3A_438 = arith.addi %scan3A_350, %scan3A_437 : i32
        %mul3A_439 = arith.constant 16 : i32
        %mul3A_440 = arith.muli %scan3A_438, %mul3A_439 : i32
        %get3A_441 = arith.constant 2048 : i32
        %get3A_442 = tpu.memref_slice %arg7[%get3A_441] : memref<16384xi32, #tpu.memory_space<vmem>> -> memref<2048xi32, #tpu.memory_space<vmem>>
        %get3A_443 = arith.index_cast %mul3A_440 : i32 to index
        %get3A_444 = tpu.vector_load %get3A_442[%get3A_443] {strides = array<i32>} : memref<2048xi32, #tpu.memory_space<vmem>>, vector<16xi32>,
        %gather3A_445 = tpu.vector_load_idx %arg6[%get3A_444] : memref<100000xf32, #tpu.memory_space<vmem>>[vector<16xi32>], vector<16xf32>,
        %swap3A_446 = arith.constant 0 : i32
        %swap3A_447 = tpu.memref_slice %arg8[%scan3A_72, %swap3A_446] : memref<4x2048xf32, #tpu.memory_space<vmem>> -> memref<1x2048xf32, #tpu.memory_space<vmem>>
        %swap3A_448 = tpu.memref_squeeze %swap3A_447 : memref<1x2048xf32, #tpu.memory_space<vmem>> -> memref<2048xf32, #tpu.memory_space<vmem>>
        %swap3A_449 = arith.index_cast %mul3A_440 : i32 to index
        %swap3A_450 = tpu.vector_load %swap3A_448[%swap3A_449] {strides = array<i32>} : memref<2048xf32, #tpu.memory_space<vmem>>, vector<16xf32>,
        tpu.vector_store %swap3A_448[%swap3A_449], %gather3A_445 {strides = array<i32>} : memref<2048xf32, #tpu.memory_space<vmem>>, vector<16xf32>,
        %scan3A_451 = arith.constant 0 : i32
        %scan3A_452 = arith.constant 7 : i32
        %scan3A_453 = arith.addi %scan3A_350, %scan3A_452 : i32
        %mul3A_454 = arith.constant 16 : i32
        %mul3A_455 = arith.muli %scan3A_453, %mul3A_454 : i32
        %get3A_456 = arith.constant 2048 : i32
        %get3A_457 = tpu.memref_slice %arg7[%get3A_456] : memref<16384xi32, #tpu.memory_space<vmem>> -> memref<2048xi32, #tpu.memory_space<vmem>>
        %get3A_458 = arith.index_cast %mul3A_455 : i32 to index
        %get3A_459 = tpu.vector_load %get3A_457[%get3A_458] {strides = array<i32>} : memref<2048xi32, #tpu.memory_space<vmem>>, vector<16xi32>,
        %gather3A_460 = tpu.vector_load_idx %arg6[%get3A_459] : memref<100000xf32, #tpu.memory_space<vmem>>[vector<16xi32>], vector<16xf32>,
        %swap3A_461 = arith.constant 0 : i32
        %swap3A_462 = tpu.memref_slice %arg8[%scan3A_72, %swap3A_461] : memref<4x2048xf32, #tpu.memory_space<vmem>> -> memref<1x2048xf32, #tpu.memory_space<vmem>>
        %swap3A_463 = tpu.memref_squeeze %swap3A_462 : memref<1x2048xf32, #tpu.memory_space<vmem>> -> memref<2048xf32, #tpu.memory_space<vmem>>
        %swap3A_464 = arith.index_cast %mul3A_455 : i32 to index
        %swap3A_465 = tpu.vector_load %swap3A_463[%swap3A_464] {strides = array<i32>} : memref<2048xf32, #tpu.memory_space<vmem>>, vector<16xf32>,
        tpu.vector_store %swap3A_463[%swap3A_464], %gather3A_460 {strides = array<i32>} : memref<2048xf32, #tpu.memory_space<vmem>>, vector<16xf32>,
        %scan3A_466 = arith.constant 0 : i32
        %scan3A_467 = arith.constant 8 : i32
        %scan3A_468 = arith.addi %scan3A_350, %scan3A_467 : i32
        %mul3A_469 = arith.constant 16 : i32
        %mul3A_470 = arith.muli %scan3A_468, %mul3A_469 : i32
        %get3A_471 = arith.constant 2048 : i32
        %get3A_472 = tpu.memref_slice %arg7[%get3A_471] : memref<16384xi32, #tpu.memory_space<vmem>> -> memref<2048xi32, #tpu.memory_space<vmem>>
        %get3A_473 = arith.index_cast %mul3A_470 : i32 to index
        %get3A_474 = tpu.vector_load %get3A_472[%get3A_473] {strides = array<i32>} : memref<2048xi32, #tpu.memory_space<vmem>>, vector<16xi32>,
        %gather3A_475 = tpu.vector_load_idx %arg6[%get3A_474] : memref<100000xf32, #tpu.memory_space<vmem>>[vector<16xi32>], vector<16xf32>,
        %swap3A_476 = arith.constant 0 : i32
        %swap3A_477 = tpu.memref_slice %arg8[%scan3A_72, %swap3A_476] : memref<4x2048xf32, #tpu.memory_space<vmem>> -> memref<1x2048xf32, #tpu.memory_space<vmem>>
        %swap3A_478 = tpu.memref_squeeze %swap3A_477 : memref<1x2048xf32, #tpu.memory_space<vmem>> -> memref<2048xf32, #tpu.memory_space<vmem>>
        %swap3A_479 = arith.index_cast %mul3A_470 : i32 to index
        %swap3A_480 = tpu.vector_load %swap3A_478[%swap3A_479] {strides = array<i32>} : memref<2048xf32, #tpu.memory_space<vmem>>, vector<16xf32>,
        tpu.vector_store %swap3A_478[%swap3A_479], %gather3A_475 {strides = array<i32>} : memref<2048xf32, #tpu.memory_space<vmem>>, vector<16xf32>,
        %scan3A_481 = arith.constant 0 : i32
        %scan3A_482 = arith.constant 9 : i32
        %scan3A_483 = arith.addi %scan3A_350, %scan3A_482 : i32
        %mul3A_484 = arith.constant 16 : i32
        %mul3A_485 = arith.muli %scan3A_483, %mul3A_484 : i32
        %get3A_486 = arith.constant 2048 : i32
        %get3A_487 = tpu.memref_slice %arg7[%get3A_486] : memref<16384xi32, #tpu.memory_space<vmem>> -> memref<2048xi32, #tpu.memory_space<vmem>>
        %get3A_488 = arith.index_cast %mul3A_485 : i32 to index
        %get3A_489 = tpu.vector_load %get3A_487[%get3A_488] {strides = array<i32>} : memref<2048xi32, #tpu.memory_space<vmem>>, vector<16xi32>,
        %gather3A_490 = tpu.vector_load_idx %arg6[%get3A_489] : memref<100000xf32, #tpu.memory_space<vmem>>[vector<16xi32>], vector<16xf32>,
        %swap3A_491 = arith.constant 0 : i32
        %swap3A_492 = tpu.memref_slice %arg8[%scan3A_72, %swap3A_491] : memref<4x2048xf32, #tpu.memory_space<vmem>> -> memref<1x2048xf32, #tpu.memory_space<vmem>>
        %swap3A_493 = tpu.memref_squeeze %swap3A_492 : memref<1x2048xf32, #tpu.memory_space<vmem>> -> memref<2048xf32, #tpu.memory_space<vmem>>
        %swap3A_494 = arith.index_cast %mul3A_485 : i32 to index
        %swap3A_495 = tpu.vector_load %swap3A_493[%swap3A_494] {strides = array<i32>} : memref<2048xf32, #tpu.memory_space<vmem>>, vector<16xf32>,
        tpu.vector_store %swap3A_493[%swap3A_494], %gather3A_490 {strides = array<i32>} : memref<2048xf32, #tpu.memory_space<vmem>>, vector<16xf32>,
        %scan3A_496 = arith.constant 0 : i32
        %scan3A_497 = arith.constant 10 : i32
        %scan3A_498 = arith.addi %scan3A_350, %scan3A_497 : i32
        %mul3A_499 = arith.constant 16 : i32
        %mul3A_500 = arith.muli %scan3A_498, %mul3A_499 : i32
        %get3A_501 = arith.constant 2048 : i32
        %get3A_502 = tpu.memref_slice %arg7[%get3A_501] : memref<16384xi32, #tpu.memory_space<vmem>> -> memref<2048xi32, #tpu.memory_space<vmem>>
        %get3A_503 = arith.index_cast %mul3A_500 : i32 to index
        %get3A_504 = tpu.vector_load %get3A_502[%get3A_503] {strides = array<i32>} : memref<2048xi32, #tpu.memory_space<vmem>>, vector<16xi32>,
        %gather3A_505 = tpu.vector_load_idx %arg6[%get3A_504] : memref<100000xf32, #tpu.memory_space<vmem>>[vector<16xi32>], vector<16xf32>,
        %swap3A_506 = arith.constant 0 : i32
        %swap3A_507 = tpu.memref_slice %arg8[%scan3A_72, %swap3A_506] : memref<4x2048xf32, #tpu.memory_space<vmem>> -> memref<1x2048xf32, #tpu.memory_space<vmem>>
        %swap3A_508 = tpu.memref_squeeze %swap3A_507 : memref<1x2048xf32, #tpu.memory_space<vmem>> -> memref<2048xf32, #tpu.memory_space<vmem>>
        %swap3A_509 = arith.index_cast %mul3A_500 : i32 to index
        %swap3A_510 = tpu.vector_load %swap3A_508[%swap3A_509] {strides = array<i32>} : memref<2048xf32, #tpu.memory_space<vmem>>, vector<16xf32>,
        tpu.vector_store %swap3A_508[%swap3A_509], %gather3A_505 {strides = array<i32>} : memref<2048xf32, #tpu.memory_space<vmem>>, vector<16xf32>,
        %scan3A_511 = arith.constant 0 : i32
        %scan3A_512 = arith.constant 11 : i32
        %scan3A_513 = arith.addi %scan3A_350, %scan3A_512 : i32
        %mul3A_514 = arith.constant 16 : i32
        %mul3A_515 = arith.muli %scan3A_513, %mul3A_514 : i32
        %get3A_516 = arith.constant 2048 : i32
        %get3A_517 = tpu.memref_slice %arg7[%get3A_516] : memref<16384xi32, #tpu.memory_space<vmem>> -> memref<2048xi32, #tpu.memory_space<vmem>>
        %get3A_518 = arith.index_cast %mul3A_515 : i32 to index
        %get3A_519 = tpu.vector_load %get3A_517[%get3A_518] {strides = array<i32>} : memref<2048xi32, #tpu.memory_space<vmem>>, vector<16xi32>,
        %gather3A_520 = tpu.vector_load_idx %arg6[%get3A_519] : memref<100000xf32, #tpu.memory_space<vmem>>[vector<16xi32>], vector<16xf32>,
        %swap3A_521 = arith.constant 0 : i32
        %swap3A_522 = tpu.memref_slice %arg8[%scan3A_72, %swap3A_521] : memref<4x2048xf32, #tpu.memory_space<vmem>> -> memref<1x2048xf32, #tpu.memory_space<vmem>>
        %swap3A_523 = tpu.memref_squeeze %swap3A_522 : memref<1x2048xf32, #tpu.memory_space<vmem>> -> memref<2048xf32, #tpu.memory_space<vmem>>
        %swap3A_524 = arith.index_cast %mul3A_515 : i32 to index
        %swap3A_525 = tpu.vector_load %swap3A_523[%swap3A_524] {strides = array<i32>} : memref<2048xf32, #tpu.memory_space<vmem>>, vector<16xf32>,
        tpu.vector_store %swap3A_523[%swap3A_524], %gather3A_520 {strides = array<i32>} : memref<2048xf32, #tpu.memory_space<vmem>>, vector<16xf32>,
        %scan3A_526 = arith.constant 0 : i32
        %scan3A_527 = arith.constant 12 : i32
        %scan3A_528 = arith.addi %scan3A_350, %scan3A_527 : i32
        %mul3A_529 = arith.constant 16 : i32
        %mul3A_530 = arith.muli %scan3A_528, %mul3A_529 : i32
        %get3A_531 = arith.constant 2048 : i32
        %get3A_532 = tpu.memref_slice %arg7[%get3A_531] : memref<16384xi32, #tpu.memory_space<vmem>> -> memref<2048xi32, #tpu.memory_space<vmem>>
        %get3A_533 = arith.index_cast %mul3A_530 : i32 to index
        %get3A_534 = tpu.vector_load %get3A_532[%get3A_533] {strides = array<i32>} : memref<2048xi32, #tpu.memory_space<vmem>>, vector<16xi32>,
        %gather3A_535 = tpu.vector_load_idx %arg6[%get3A_534] : memref<100000xf32, #tpu.memory_space<vmem>>[vector<16xi32>], vector<16xf32>,
        %swap3A_536 = arith.constant 0 : i32
        %swap3A_537 = tpu.memref_slice %arg8[%scan3A_72, %swap3A_536] : memref<4x2048xf32, #tpu.memory_space<vmem>> -> memref<1x2048xf32, #tpu.memory_space<vmem>>
        %swap3A_538 = tpu.memref_squeeze %swap3A_537 : memref<1x2048xf32, #tpu.memory_space<vmem>> -> memref<2048xf32, #tpu.memory_space<vmem>>
        %swap3A_539 = arith.index_cast %mul3A_530 : i32 to index
        %swap3A_540 = tpu.vector_load %swap3A_538[%swap3A_539] {strides = array<i32>} : memref<2048xf32, #tpu.memory_space<vmem>>, vector<16xf32>,
        tpu.vector_store %swap3A_538[%swap3A_539], %gather3A_535 {strides = array<i32>} : memref<2048xf32, #tpu.memory_space<vmem>>, vector<16xf32>,
        %scan3A_541 = arith.constant 0 : i32
        %scan3A_542 = arith.constant 13 : i32
        %scan3A_543 = arith.addi %scan3A_350, %scan3A_542 : i32
        %mul3A_544 = arith.constant 16 : i32
        %mul3A_545 = arith.muli %scan3A_543, %mul3A_544 : i32
        %get3A_546 = arith.constant 2048 : i32
        %get3A_547 = tpu.memref_slice %arg7[%get3A_546] : memref<16384xi32, #tpu.memory_space<vmem>> -> memref<2048xi32, #tpu.memory_space<vmem>>
        %get3A_548 = arith.index_cast %mul3A_545 : i32 to index
        %get3A_549 = tpu.vector_load %get3A_547[%get3A_548] {strides = array<i32>} : memref<2048xi32, #tpu.memory_space<vmem>>, vector<16xi32>,
        %gather3A_550 = tpu.vector_load_idx %arg6[%get3A_549] : memref<100000xf32, #tpu.memory_space<vmem>>[vector<16xi32>], vector<16xf32>,
        %swap3A_551 = arith.constant 0 : i32
        %swap3A_552 = tpu.memref_slice %arg8[%scan3A_72, %swap3A_551] : memref<4x2048xf32, #tpu.memory_space<vmem>> -> memref<1x2048xf32, #tpu.memory_space<vmem>>
        %swap3A_553 = tpu.memref_squeeze %swap3A_552 : memref<1x2048xf32, #tpu.memory_space<vmem>> -> memref<2048xf32, #tpu.memory_space<vmem>>
        %swap3A_554 = arith.index_cast %mul3A_545 : i32 to index
        %swap3A_555 = tpu.vector_load %swap3A_553[%swap3A_554] {strides = array<i32>} : memref<2048xf32, #tpu.memory_space<vmem>>, vector<16xf32>,
        tpu.vector_store %swap3A_553[%swap3A_554], %gather3A_550 {strides = array<i32>} : memref<2048xf32, #tpu.memory_space<vmem>>, vector<16xf32>,
        %scan3A_556 = arith.constant 0 : i32
        %scan3A_557 = arith.constant 14 : i32
        %scan3A_558 = arith.addi %scan3A_350, %scan3A_557 : i32
        %mul3A_559 = arith.constant 16 : i32
        %mul3A_560 = arith.muli %scan3A_558, %mul3A_559 : i32
        %get3A_561 = arith.constant 2048 : i32
        %get3A_562 = tpu.memref_slice %arg7[%get3A_561] : memref<16384xi32, #tpu.memory_space<vmem>> -> memref<2048xi32, #tpu.memory_space<vmem>>
        %get3A_563 = arith.index_cast %mul3A_560 : i32 to index
        %get3A_564 = tpu.vector_load %get3A_562[%get3A_563] {strides = array<i32>} : memref<2048xi32, #tpu.memory_space<vmem>>, vector<16xi32>,
        %gather3A_565 = tpu.vector_load_idx %arg6[%get3A_564] : memref<100000xf32, #tpu.memory_space<vmem>>[vector<16xi32>], vector<16xf32>,
        %swap3A_566 = arith.constant 0 : i32
        %swap3A_567 = tpu.memref_slice %arg8[%scan3A_72, %swap3A_566] : memref<4x2048xf32, #tpu.memory_space<vmem>> -> memref<1x2048xf32, #tpu.memory_space<vmem>>
        %swap3A_568 = tpu.memref_squeeze %swap3A_567 : memref<1x2048xf32, #tpu.memory_space<vmem>> -> memref<2048xf32, #tpu.memory_space<vmem>>
        %swap3A_569 = arith.index_cast %mul3A_560 : i32 to index
        %swap3A_570 = tpu.vector_load %swap3A_568[%swap3A_569] {strides = array<i32>} : memref<2048xf32, #tpu.memory_space<vmem>>, vector<16xf32>,
        tpu.vector_store %swap3A_568[%swap3A_569], %gather3A_565 {strides = array<i32>} : memref<2048xf32, #tpu.memory_space<vmem>>, vector<16xf32>,
        %scan3A_571 = arith.constant 0 : i32
        %scan3A_572 = arith.constant 15 : i32
        %scan3A_573 = arith.addi %scan3A_350, %scan3A_572 : i32
        %mul3A_574 = arith.constant 16 : i32
        %mul3A_575 = arith.muli %scan3A_573, %mul3A_574 : i32
        %get3A_576 = arith.constant 2048 : i32
        %get3A_577 = tpu.memref_slice %arg7[%get3A_576] : memref<16384xi32, #tpu.memory_space<vmem>> -> memref<2048xi32, #tpu.memory_space<vmem>>
        %get3A_578 = arith.index_cast %mul3A_575 : i32 to index
        %get3A_579 = tpu.vector_load %get3A_577[%get3A_578] {strides = array<i32>} : memref<2048xi32, #tpu.memory_space<vmem>>, vector<16xi32>,
        %gather3A_580 = tpu.vector_load_idx %arg6[%get3A_579] : memref<100000xf32, #tpu.memory_space<vmem>>[vector<16xi32>], vector<16xf32>,
        %swap3A_581 = arith.constant 0 : i32
        %swap3A_582 = tpu.memref_slice %arg8[%scan3A_72, %swap3A_581] : memref<4x2048xf32, #tpu.memory_space<vmem>> -> memref<1x2048xf32, #tpu.memory_space<vmem>>
        %swap3A_583 = tpu.memref_squeeze %swap3A_582 : memref<1x2048xf32, #tpu.memory_space<vmem>> -> memref<2048xf32, #tpu.memory_space<vmem>>
        %swap3A_584 = arith.index_cast %mul3A_575 : i32 to index
        %swap3A_585 = tpu.vector_load %swap3A_583[%swap3A_584] {strides = array<i32>} : memref<2048xf32, #tpu.memory_space<vmem>>, vector<16xf32>,
        tpu.vector_store %swap3A_583[%swap3A_584], %gather3A_580 {strides = array<i32>} : memref<2048xf32, #tpu.memory_space<vmem>>, vector<16xf32>,
        %scan3A_586 = arith.constant 0 : i32
        scf.yield %scan3A_586 : i32
      }
      %scan3A_79 = arith.constant 128 : i32
      %add3A_80 = arith.constant 13 : i32
      %add3A_81 = arith.addi %add3A_80, %add3A_23 : i32
      %dma_start3A_82 = arith.constant 1 : i32
      %dma_start3A_83 = arith.constant 0 : i32
      %dma_start3A_84 = tpu.memref_slice %arg8[%dma_start3A_82, %dma_start3A_83] : memref<4x2048xf32, #tpu.memory_space<vmem>> -> memref<1x2048xf32, #tpu.memory_space<vmem>>
      %dma_start3A_85 = tpu.memref_squeeze %dma_start3A_84 : memref<1x2048xf32, #tpu.memory_space<vmem>> -> memref<2048xf32, #tpu.memory_space<vmem>>
      %dma_start3A_86 = arith.constant 2048 : i32
      %dma_start3A_87 = tpu.memref_slice %arg5[%add3A_81, %dma_start3A_86] : memref<429x16384xf32, #tpu.memory_space<hbm>> -> memref<1x2048xf32, #tpu.memory_space<hbm>>
      %dma_start3A_88 = tpu.memref_squeeze %dma_start3A_87 : memref<1x2048xf32, #tpu.memory_space<hbm>> -> memref<2048xf32, #tpu.memory_space<hbm>>
      %dma_start3A_89 = arith.constant 2048 : i32
      %dma_start3A_90 = tpu.memref_slice %arg5[%add3A_81, %dma_start3A_89] : memref<429x16384xf32, #tpu.memory_space<hbm>> -> memref<1x2048xf32, #tpu.memory_space<hbm>>
      %dma_start3A_91 = tpu.memref_squeeze %dma_start3A_90 : memref<1x2048xf32, #tpu.memory_space<hbm>> -> memref<2048xf32, #tpu.memory_space<hbm>>
      %dma_start3A_92 = arith.constant 0 : i32
      %dma_start3A_93 = tpu.memref_slice %arg8[%dma_start3A_82, %dma_start3A_92] : memref<4x2048xf32, #tpu.memory_space<vmem>> -> memref<1x2048xf32, #tpu.memory_space<vmem>>
      %dma_start3A_94 = tpu.memref_squeeze %dma_start3A_93 : memref<1x2048xf32, #tpu.memory_space<vmem>> -> memref<2048xf32, #tpu.memory_space<vmem>>
      tpu.enqueue_dma source(%dma_start3A_94 : memref<2048xf32, #tpu.memory_space<vmem>>) target(%dma_start3A_91 : memref<2048xf32, #tpu.memory_space<hbm>>) target_semaphore(%arg10 : memref<!tpu.dma_semaphore, #tpu.memory_space<semaphore_mem>>)
      %scan3A_95 = arith.constant 2 : i32
      %scan3A_96 = arith.constant 0 : i32
      %scan3A_97 = arith.constant 0 : i32
      %scan3A_98 = arith.constant 128 : i32
      %scan3A_99 = arith.addi %scan3A_97, %scan3A_98 : i32
      %scan3A_100 = arith.constant 16 : i32
      %scan3A_101 = scf.for %scan3A_350 = %scan3A_97 to %scan3A_99 step %scan3A_100 iter_args(%scan3A_351 = %scan3A_96) -> (i32)  : i32 {
        %mul3A_352 = arith.constant 16 : i32
        %mul3A_353 = arith.muli %scan3A_350, %mul3A_352 : i32
        %get3A = arith.constant 4096 : i32
        %get3A_354 = tpu.memref_slice %arg7[%get3A] : memref<16384xi32, #tpu.memory_space<vmem>> -> memref<2048xi32, #tpu.memory_space<vmem>>
        %get3A_355 = arith.index_cast %mul3A_353 : i32 to index
        %get3A_356 = tpu.vector_load %get3A_354[%get3A_355] {strides = array<i32>} : memref<2048xi32, #tpu.memory_space<vmem>>, vector<16xi32>,
        %gather3A = tpu.vector_load_idx %arg6[%get3A_356] : memref<100000xf32, #tpu.memory_space<vmem>>[vector<16xi32>], vector<16xf32>,
        %swap3A = arith.constant 0 : i32
        %swap3A_357 = tpu.memref_slice %arg8[%scan3A_95, %swap3A] : memref<4x2048xf32, #tpu.memory_space<vmem>> -> memref<1x2048xf32, #tpu.memory_space<vmem>>
        %swap3A_358 = tpu.memref_squeeze %swap3A_357 : memref<1x2048xf32, #tpu.memory_space<vmem>> -> memref<2048xf32, #tpu.memory_space<vmem>>
        %swap3A_359 = arith.index_cast %mul3A_353 : i32 to index
        %swap3A_360 = tpu.vector_load %swap3A_358[%swap3A_359] {strides = array<i32>} : memref<2048xf32, #tpu.memory_space<vmem>>, vector<16xf32>,
        tpu.vector_store %swap3A_358[%swap3A_359], %gather3A {strides = array<i32>} : memref<2048xf32, #tpu.memory_space<vmem>>, vector<16xf32>,
        %scan3A_361 = arith.constant 0 : i32
        %scan3A_362 = arith.constant 1 : i32
        %scan3A_363 = arith.addi %scan3A_350, %scan3A_362 : i32
        %mul3A_364 = arith.constant 16 : i32
        %mul3A_365 = arith.muli %scan3A_363, %mul3A_364 : i32
        %get3A_366 = arith.constant 4096 : i32
        %get3A_367 = tpu.memref_slice %arg7[%get3A_366] : memref<16384xi32, #tpu.memory_space<vmem>> -> memref<2048xi32, #tpu.memory_space<vmem>>
        %get3A_368 = arith.index_cast %mul3A_365 : i32 to index
        %get3A_369 = tpu.vector_load %get3A_367[%get3A_368] {strides = array<i32>} : memref<2048xi32, #tpu.memory_space<vmem>>, vector<16xi32>,
        %gather3A_370 = tpu.vector_load_idx %arg6[%get3A_369] : memref<100000xf32, #tpu.memory_space<vmem>>[vector<16xi32>], vector<16xf32>,
        %swap3A_371 = arith.constant 0 : i32
        %swap3A_372 = tpu.memref_slice %arg8[%scan3A_95, %swap3A_371] : memref<4x2048xf32, #tpu.memory_space<vmem>> -> memref<1x2048xf32, #tpu.memory_space<vmem>>
        %swap3A_373 = tpu.memref_squeeze %swap3A_372 : memref<1x2048xf32, #tpu.memory_space<vmem>> -> memref<2048xf32, #tpu.memory_space<vmem>>
        %swap3A_374 = arith.index_cast %mul3A_365 : i32 to index
        %swap3A_375 = tpu.vector_load %swap3A_373[%swap3A_374] {strides = array<i32>} : memref<2048xf32, #tpu.memory_space<vmem>>, vector<16xf32>,
        tpu.vector_store %swap3A_373[%swap3A_374], %gather3A_370 {strides = array<i32>} : memref<2048xf32, #tpu.memory_space<vmem>>, vector<16xf32>,
        %scan3A_376 = arith.constant 0 : i32
        %scan3A_377 = arith.constant 2 : i32
        %scan3A_378 = arith.addi %scan3A_350, %scan3A_377 : i32
        %mul3A_379 = arith.constant 16 : i32
        %mul3A_380 = arith.muli %scan3A_378, %mul3A_379 : i32
        %get3A_381 = arith.constant 4096 : i32
        %get3A_382 = tpu.memref_slice %arg7[%get3A_381] : memref<16384xi32, #tpu.memory_space<vmem>> -> memref<2048xi32, #tpu.memory_space<vmem>>
        %get3A_383 = arith.index_cast %mul3A_380 : i32 to index
        %get3A_384 = tpu.vector_load %get3A_382[%get3A_383] {strides = array<i32>} : memref<2048xi32, #tpu.memory_space<vmem>>, vector<16xi32>,
        %gather3A_385 = tpu.vector_load_idx %arg6[%get3A_384] : memref<100000xf32, #tpu.memory_space<vmem>>[vector<16xi32>], vector<16xf32>,
        %swap3A_386 = arith.constant 0 : i32
        %swap3A_387 = tpu.memref_slice %arg8[%scan3A_95, %swap3A_386] : memref<4x2048xf32, #tpu.memory_space<vmem>> -> memref<1x2048xf32, #tpu.memory_space<vmem>>
        %swap3A_388 = tpu.memref_squeeze %swap3A_387 : memref<1x2048xf32, #tpu.memory_space<vmem>> -> memref<2048xf32, #tpu.memory_space<vmem>>
        %swap3A_389 = arith.index_cast %mul3A_380 : i32 to index
        %swap3A_390 = tpu.vector_load %swap3A_388[%swap3A_389] {strides = array<i32>} : memref<2048xf32, #tpu.memory_space<vmem>>, vector<16xf32>,
        tpu.vector_store %swap3A_388[%swap3A_389], %gather3A_385 {strides = array<i32>} : memref<2048xf32, #tpu.memory_space<vmem>>, vector<16xf32>,
        %scan3A_391 = arith.constant 0 : i32
        %scan3A_392 = arith.constant 3 : i32
        %scan3A_393 = arith.addi %scan3A_350, %scan3A_392 : i32
        %mul3A_394 = arith.constant 16 : i32
        %mul3A_395 = arith.muli %scan3A_393, %mul3A_394 : i32
        %get3A_396 = arith.constant 4096 : i32
        %get3A_397 = tpu.memref_slice %arg7[%get3A_396] : memref<16384xi32, #tpu.memory_space<vmem>> -> memref<2048xi32, #tpu.memory_space<vmem>>
        %get3A_398 = arith.index_cast %mul3A_395 : i32 to index
        %get3A_399 = tpu.vector_load %get3A_397[%get3A_398] {strides = array<i32>} : memref<2048xi32, #tpu.memory_space<vmem>>, vector<16xi32>,
        %gather3A_400 = tpu.vector_load_idx %arg6[%get3A_399] : memref<100000xf32, #tpu.memory_space<vmem>>[vector<16xi32>], vector<16xf32>,
        %swap3A_401 = arith.constant 0 : i32
        %swap3A_402 = tpu.memref_slice %arg8[%scan3A_95, %swap3A_401] : memref<4x2048xf32, #tpu.memory_space<vmem>> -> memref<1x2048xf32, #tpu.memory_space<vmem>>
        %swap3A_403 = tpu.memref_squeeze %swap3A_402 : memref<1x2048xf32, #tpu.memory_space<vmem>> -> memref<2048xf32, #tpu.memory_space<vmem>>
        %swap3A_404 = arith.index_cast %mul3A_395 : i32 to index
        %swap3A_405 = tpu.vector_load %swap3A_403[%swap3A_404] {strides = array<i32>} : memref<2048xf32, #tpu.memory_space<vmem>>, vector<16xf32>,
        tpu.vector_store %swap3A_403[%swap3A_404], %gather3A_400 {strides = array<i32>} : memref<2048xf32, #tpu.memory_space<vmem>>, vector<16xf32>,
        %scan3A_406 = arith.constant 0 : i32
        %scan3A_407 = arith.constant 4 : i32
        %scan3A_408 = arith.addi %scan3A_350, %scan3A_407 : i32
        %mul3A_409 = arith.constant 16 : i32
        %mul3A_410 = arith.muli %scan3A_408, %mul3A_409 : i32
        %get3A_411 = arith.constant 4096 : i32
        %get3A_412 = tpu.memref_slice %arg7[%get3A_411] : memref<16384xi32, #tpu.memory_space<vmem>> -> memref<2048xi32, #tpu.memory_space<vmem>>
        %get3A_413 = arith.index_cast %mul3A_410 : i32 to index
        %get3A_414 = tpu.vector_load %get3A_412[%get3A_413] {strides = array<i32>} : memref<2048xi32, #tpu.memory_space<vmem>>, vector<16xi32>,
        %gather3A_415 = tpu.vector_load_idx %arg6[%get3A_414] : memref<100000xf32, #tpu.memory_space<vmem>>[vector<16xi32>], vector<16xf32>,
        %swap3A_416 = arith.constant 0 : i32
        %swap3A_417 = tpu.memref_slice %arg8[%scan3A_95, %swap3A_416] : memref<4x2048xf32, #tpu.memory_space<vmem>> -> memref<1x2048xf32, #tpu.memory_space<vmem>>
        %swap3A_418 = tpu.memref_squeeze %swap3A_417 : memref<1x2048xf32, #tpu.memory_space<vmem>> -> memref<2048xf32, #tpu.memory_space<vmem>>
        %swap3A_419 = arith.index_cast %mul3A_410 : i32 to index
        %swap3A_420 = tpu.vector_load %swap3A_418[%swap3A_419] {strides = array<i32>} : memref<2048xf32, #tpu.memory_space<vmem>>, vector<16xf32>,
        tpu.vector_store %swap3A_418[%swap3A_419], %gather3A_415 {strides = array<i32>} : memref<2048xf32, #tpu.memory_space<vmem>>, vector<16xf32>,
        %scan3A_421 = arith.constant 0 : i32
        %scan3A_422 = arith.constant 5 : i32
        %scan3A_423 = arith.addi %scan3A_350, %scan3A_422 : i32
        %mul3A_424 = arith.constant 16 : i32
        %mul3A_425 = arith.muli %scan3A_423, %mul3A_424 : i32
        %get3A_426 = arith.constant 4096 : i32
        %get3A_427 = tpu.memref_slice %arg7[%get3A_426] : memref<16384xi32, #tpu.memory_space<vmem>> -> memref<2048xi32, #tpu.memory_space<vmem>>
        %get3A_428 = arith.index_cast %mul3A_425 : i32 to index
        %get3A_429 = tpu.vector_load %get3A_427[%get3A_428] {strides = array<i32>} : memref<2048xi32, #tpu.memory_space<vmem>>, vector<16xi32>,
        %gather3A_430 = tpu.vector_load_idx %arg6[%get3A_429] : memref<100000xf32, #tpu.memory_space<vmem>>[vector<16xi32>], vector<16xf32>,
        %swap3A_431 = arith.constant 0 : i32
        %swap3A_432 = tpu.memref_slice %arg8[%scan3A_95, %swap3A_431] : memref<4x2048xf32, #tpu.memory_space<vmem>> -> memref<1x2048xf32, #tpu.memory_space<vmem>>
        %swap3A_433 = tpu.memref_squeeze %swap3A_432 : memref<1x2048xf32, #tpu.memory_space<vmem>> -> memref<2048xf32, #tpu.memory_space<vmem>>
        %swap3A_434 = arith.index_cast %mul3A_425 : i32 to index
        %swap3A_435 = tpu.vector_load %swap3A_433[%swap3A_434] {strides = array<i32>} : memref<2048xf32, #tpu.memory_space<vmem>>, vector<16xf32>,
        tpu.vector_store %swap3A_433[%swap3A_434], %gather3A_430 {strides = array<i32>} : memref<2048xf32, #tpu.memory_space<vmem>>, vector<16xf32>,
        %scan3A_436 = arith.constant 0 : i32
        %scan3A_437 = arith.constant 6 : i32
        %scan3A_438 = arith.addi %scan3A_350, %scan3A_437 : i32
        %mul3A_439 = arith.constant 16 : i32
        %mul3A_440 = arith.muli %scan3A_438, %mul3A_439 : i32
        %get3A_441 = arith.constant 4096 : i32
        %get3A_442 = tpu.memref_slice %arg7[%get3A_441] : memref<16384xi32, #tpu.memory_space<vmem>> -> memref<2048xi32, #tpu.memory_space<vmem>>
        %get3A_443 = arith.index_cast %mul3A_440 : i32 to index
        %get3A_444 = tpu.vector_load %get3A_442[%get3A_443] {strides = array<i32>} : memref<2048xi32, #tpu.memory_space<vmem>>, vector<16xi32>,
        %gather3A_445 = tpu.vector_load_idx %arg6[%get3A_444] : memref<100000xf32, #tpu.memory_space<vmem>>[vector<16xi32>], vector<16xf32>,
        %swap3A_446 = arith.constant 0 : i32
        %swap3A_447 = tpu.memref_slice %arg8[%scan3A_95, %swap3A_446] : memref<4x2048xf32, #tpu.memory_space<vmem>> -> memref<1x2048xf32, #tpu.memory_space<vmem>>
        %swap3A_448 = tpu.memref_squeeze %swap3A_447 : memref<1x2048xf32, #tpu.memory_space<vmem>> -> memref<2048xf32, #tpu.memory_space<vmem>>
        %swap3A_449 = arith.index_cast %mul3A_440 : i32 to index
        %swap3A_450 = tpu.vector_load %swap3A_448[%swap3A_449] {strides = array<i32>} : memref<2048xf32, #tpu.memory_space<vmem>>, vector<16xf32>,
        tpu.vector_store %swap3A_448[%swap3A_449], %gather3A_445 {strides = array<i32>} : memref<2048xf32, #tpu.memory_space<vmem>>, vector<16xf32>,
        %scan3A_451 = arith.constant 0 : i32
        %scan3A_452 = arith.constant 7 : i32
        %scan3A_453 = arith.addi %scan3A_350, %scan3A_452 : i32
        %mul3A_454 = arith.constant 16 : i32
        %mul3A_455 = arith.muli %scan3A_453, %mul3A_454 : i32
        %get3A_456 = arith.constant 4096 : i32
        %get3A_457 = tpu.memref_slice %arg7[%get3A_456] : memref<16384xi32, #tpu.memory_space<vmem>> -> memref<2048xi32, #tpu.memory_space<vmem>>
        %get3A_458 = arith.index_cast %mul3A_455 : i32 to index
        %get3A_459 = tpu.vector_load %get3A_457[%get3A_458] {strides = array<i32>} : memref<2048xi32, #tpu.memory_space<vmem>>, vector<16xi32>,
        %gather3A_460 = tpu.vector_load_idx %arg6[%get3A_459] : memref<100000xf32, #tpu.memory_space<vmem>>[vector<16xi32>], vector<16xf32>,
        %swap3A_461 = arith.constant 0 : i32
        %swap3A_462 = tpu.memref_slice %arg8[%scan3A_95, %swap3A_461] : memref<4x2048xf32, #tpu.memory_space<vmem>> -> memref<1x2048xf32, #tpu.memory_space<vmem>>
        %swap3A_463 = tpu.memref_squeeze %swap3A_462 : memref<1x2048xf32, #tpu.memory_space<vmem>> -> memref<2048xf32, #tpu.memory_space<vmem>>
        %swap3A_464 = arith.index_cast %mul3A_455 : i32 to index
        %swap3A_465 = tpu.vector_load %swap3A_463[%swap3A_464] {strides = array<i32>} : memref<2048xf32, #tpu.memory_space<vmem>>, vector<16xf32>,
        tpu.vector_store %swap3A_463[%swap3A_464], %gather3A_460 {strides = array<i32>} : memref<2048xf32, #tpu.memory_space<vmem>>, vector<16xf32>,
        %scan3A_466 = arith.constant 0 : i32
        %scan3A_467 = arith.constant 8 : i32
        %scan3A_468 = arith.addi %scan3A_350, %scan3A_467 : i32
        %mul3A_469 = arith.constant 16 : i32
        %mul3A_470 = arith.muli %scan3A_468, %mul3A_469 : i32
        %get3A_471 = arith.constant 4096 : i32
        %get3A_472 = tpu.memref_slice %arg7[%get3A_471] : memref<16384xi32, #tpu.memory_space<vmem>> -> memref<2048xi32, #tpu.memory_space<vmem>>
        %get3A_473 = arith.index_cast %mul3A_470 : i32 to index
        %get3A_474 = tpu.vector_load %get3A_472[%get3A_473] {strides = array<i32>} : memref<2048xi32, #tpu.memory_space<vmem>>, vector<16xi32>,
        %gather3A_475 = tpu.vector_load_idx %arg6[%get3A_474] : memref<100000xf32, #tpu.memory_space<vmem>>[vector<16xi32>], vector<16xf32>,
        %swap3A_476 = arith.constant 0 : i32
        %swap3A_477 = tpu.memref_slice %arg8[%scan3A_95, %swap3A_476] : memref<4x2048xf32, #tpu.memory_space<vmem>> -> memref<1x2048xf32, #tpu.memory_space<vmem>>
        %swap3A_478 = tpu.memref_squeeze %swap3A_477 : memref<1x2048xf32, #tpu.memory_space<vmem>> -> memref<2048xf32, #tpu.memory_space<vmem>>
        %swap3A_479 = arith.index_cast %mul3A_470 : i32 to index
        %swap3A_480 = tpu.vector_load %swap3A_478[%swap3A_479] {strides = array<i32>} : memref<2048xf32, #tpu.memory_space<vmem>>, vector<16xf32>,
        tpu.vector_store %swap3A_478[%swap3A_479], %gather3A_475 {strides = array<i32>} : memref<2048xf32, #tpu.memory_space<vmem>>, vector<16xf32>,
        %scan3A_481 = arith.constant 0 : i32
        %scan3A_482 = arith.constant 9 : i32
        %scan3A_483 = arith.addi %scan3A_350, %scan3A_482 : i32
        %mul3A_484 = arith.constant 16 : i32
        %mul3A_485 = arith.muli %scan3A_483, %mul3A_484 : i32
        %get3A_486 = arith.constant 4096 : i32
        %get3A_487 = tpu.memref_slice %arg7[%get3A_486] : memref<16384xi32, #tpu.memory_space<vmem>> -> memref<2048xi32, #tpu.memory_space<vmem>>
        %get3A_488 = arith.index_cast %mul3A_485 : i32 to index
        %get3A_489 = tpu.vector_load %get3A_487[%get3A_488] {strides = array<i32>} : memref<2048xi32, #tpu.memory_space<vmem>>, vector<16xi32>,
        %gather3A_490 = tpu.vector_load_idx %arg6[%get3A_489] : memref<100000xf32, #tpu.memory_space<vmem>>[vector<16xi32>], vector<16xf32>,
        %swap3A_491 = arith.constant 0 : i32
        %swap3A_492 = tpu.memref_slice %arg8[%scan3A_95, %swap3A_491] : memref<4x2048xf32, #tpu.memory_space<vmem>> -> memref<1x2048xf32, #tpu.memory_space<vmem>>
        %swap3A_493 = tpu.memref_squeeze %swap3A_492 : memref<1x2048xf32, #tpu.memory_space<vmem>> -> memref<2048xf32, #tpu.memory_space<vmem>>
        %swap3A_494 = arith.index_cast %mul3A_485 : i32 to index
        %swap3A_495 = tpu.vector_load %swap3A_493[%swap3A_494] {strides = array<i32>} : memref<2048xf32, #tpu.memory_space<vmem>>, vector<16xf32>,
        tpu.vector_store %swap3A_493[%swap3A_494], %gather3A_490 {strides = array<i32>} : memref<2048xf32, #tpu.memory_space<vmem>>, vector<16xf32>,
        %scan3A_496 = arith.constant 0 : i32
        %scan3A_497 = arith.constant 10 : i32
        %scan3A_498 = arith.addi %scan3A_350, %scan3A_497 : i32
        %mul3A_499 = arith.constant 16 : i32
        %mul3A_500 = arith.muli %scan3A_498, %mul3A_499 : i32
        %get3A_501 = arith.constant 4096 : i32
        %get3A_502 = tpu.memref_slice %arg7[%get3A_501] : memref<16384xi32, #tpu.memory_space<vmem>> -> memref<2048xi32, #tpu.memory_space<vmem>>
        %get3A_503 = arith.index_cast %mul3A_500 : i32 to index
        %get3A_504 = tpu.vector_load %get3A_502[%get3A_503] {strides = array<i32>} : memref<2048xi32, #tpu.memory_space<vmem>>, vector<16xi32>,
        %gather3A_505 = tpu.vector_load_idx %arg6[%get3A_504] : memref<100000xf32, #tpu.memory_space<vmem>>[vector<16xi32>], vector<16xf32>,
        %swap3A_506 = arith.constant 0 : i32
        %swap3A_507 = tpu.memref_slice %arg8[%scan3A_95, %swap3A_506] : memref<4x2048xf32, #tpu.memory_space<vmem>> -> memref<1x2048xf32, #tpu.memory_space<vmem>>
        %swap3A_508 = tpu.memref_squeeze %swap3A_507 : memref<1x2048xf32, #tpu.memory_space<vmem>> -> memref<2048xf32, #tpu.memory_space<vmem>>
        %swap3A_509 = arith.index_cast %mul3A_500 : i32 to index
        %swap3A_510 = tpu.vector_load %swap3A_508[%swap3A_509] {strides = array<i32>} : memref<2048xf32, #tpu.memory_space<vmem>>, vector<16xf32>,
        tpu.vector_store %swap3A_508[%swap3A_509], %gather3A_505 {strides = array<i32>} : memref<2048xf32, #tpu.memory_space<vmem>>, vector<16xf32>,
        %scan3A_511 = arith.constant 0 : i32
        %scan3A_512 = arith.constant 11 : i32
        %scan3A_513 = arith.addi %scan3A_350, %scan3A_512 : i32
        %mul3A_514 = arith.constant 16 : i32
        %mul3A_515 = arith.muli %scan3A_513, %mul3A_514 : i32
        %get3A_516 = arith.constant 4096 : i32
        %get3A_517 = tpu.memref_slice %arg7[%get3A_516] : memref<16384xi32, #tpu.memory_space<vmem>> -> memref<2048xi32, #tpu.memory_space<vmem>>
        %get3A_518 = arith.index_cast %mul3A_515 : i32 to index
        %get3A_519 = tpu.vector_load %get3A_517[%get3A_518] {strides = array<i32>} : memref<2048xi32, #tpu.memory_space<vmem>>, vector<16xi32>,
        %gather3A_520 = tpu.vector_load_idx %arg6[%get3A_519] : memref<100000xf32, #tpu.memory_space<vmem>>[vector<16xi32>], vector<16xf32>,
        %swap3A_521 = arith.constant 0 : i32
        %swap3A_522 = tpu.memref_slice %arg8[%scan3A_95, %swap3A_521] : memref<4x2048xf32, #tpu.memory_space<vmem>> -> memref<1x2048xf32, #tpu.memory_space<vmem>>
        %swap3A_523 = tpu.memref_squeeze %swap3A_522 : memref<1x2048xf32, #tpu.memory_space<vmem>> -> memref<2048xf32, #tpu.memory_space<vmem>>
        %swap3A_524 = arith.index_cast %mul3A_515 : i32 to index
        %swap3A_525 = tpu.vector_load %swap3A_523[%swap3A_524] {strides = array<i32>} : memref<2048xf32, #tpu.memory_space<vmem>>, vector<16xf32>,
        tpu.vector_store %swap3A_523[%swap3A_524], %gather3A_520 {strides = array<i32>} : memref<2048xf32, #tpu.memory_space<vmem>>, vector<16xf32>,
        %scan3A_526 = arith.constant 0 : i32
        %scan3A_527 = arith.constant 12 : i32
        %scan3A_528 = arith.addi %scan3A_350, %scan3A_527 : i32
        %mul3A_529 = arith.constant 16 : i32
        %mul3A_530 = arith.muli %scan3A_528, %mul3A_529 : i32
        %get3A_531 = arith.constant 4096 : i32
        %get3A_532 = tpu.memref_slice %arg7[%get3A_531] : memref<16384xi32, #tpu.memory_space<vmem>> -> memref<2048xi32, #tpu.memory_space<vmem>>
        %get3A_533 = arith.index_cast %mul3A_530 : i32 to index
        %get3A_534 = tpu.vector_load %get3A_532[%get3A_533] {strides = array<i32>} : memref<2048xi32, #tpu.memory_space<vmem>>, vector<16xi32>,
        %gather3A_535 = tpu.vector_load_idx %arg6[%get3A_534] : memref<100000xf32, #tpu.memory_space<vmem>>[vector<16xi32>], vector<16xf32>,
        %swap3A_536 = arith.constant 0 : i32
        %swap3A_537 = tpu.memref_slice %arg8[%scan3A_95, %swap3A_536] : memref<4x2048xf32, #tpu.memory_space<vmem>> -> memref<1x2048xf32, #tpu.memory_space<vmem>>
        %swap3A_538 = tpu.memref_squeeze %swap3A_537 : memref<1x2048xf32, #tpu.memory_space<vmem>> -> memref<2048xf32, #tpu.memory_space<vmem>>
        %swap3A_539 = arith.index_cast %mul3A_530 : i32 to index
        %swap3A_540 = tpu.vector_load %swap3A_538[%swap3A_539] {strides = array<i32>} : memref<2048xf32, #tpu.memory_space<vmem>>, vector<16xf32>,
        tpu.vector_store %swap3A_538[%swap3A_539], %gather3A_535 {strides = array<i32>} : memref<2048xf32, #tpu.memory_space<vmem>>, vector<16xf32>,
        %scan3A_541 = arith.constant 0 : i32
        %scan3A_542 = arith.constant 13 : i32
        %scan3A_543 = arith.addi %scan3A_350, %scan3A_542 : i32
        %mul3A_544 = arith.constant 16 : i32
        %mul3A_545 = arith.muli %scan3A_543, %mul3A_544 : i32
        %get3A_546 = arith.constant 4096 : i32
        %get3A_547 = tpu.memref_slice %arg7[%get3A_546] : memref<16384xi32, #tpu.memory_space<vmem>> -> memref<2048xi32, #tpu.memory_space<vmem>>
        %get3A_548 = arith.index_cast %mul3A_545 : i32 to index
        %get3A_549 = tpu.vector_load %get3A_547[%get3A_548] {strides = array<i32>} : memref<2048xi32, #tpu.memory_space<vmem>>, vector<16xi32>,
        %gather3A_550 = tpu.vector_load_idx %arg6[%get3A_549] : memref<100000xf32, #tpu.memory_space<vmem>>[vector<16xi32>], vector<16xf32>,
        %swap3A_551 = arith.constant 0 : i32
        %swap3A_552 = tpu.memref_slice %arg8[%scan3A_95, %swap3A_551] : memref<4x2048xf32, #tpu.memory_space<vmem>> -> memref<1x2048xf32, #tpu.memory_space<vmem>>
        %swap3A_553 = tpu.memref_squeeze %swap3A_552 : memref<1x2048xf32, #tpu.memory_space<vmem>> -> memref<2048xf32, #tpu.memory_space<vmem>>
        %swap3A_554 = arith.index_cast %mul3A_545 : i32 to index
        %swap3A_555 = tpu.vector_load %swap3A_553[%swap3A_554] {strides = array<i32>} : memref<2048xf32, #tpu.memory_space<vmem>>, vector<16xf32>,
        tpu.vector_store %swap3A_553[%swap3A_554], %gather3A_550 {strides = array<i32>} : memref<2048xf32, #tpu.memory_space<vmem>>, vector<16xf32>,
        %scan3A_556 = arith.constant 0 : i32
        %scan3A_557 = arith.constant 14 : i32
        %scan3A_558 = arith.addi %scan3A_350, %scan3A_557 : i32
        %mul3A_559 = arith.constant 16 : i32
        %mul3A_560 = arith.muli %scan3A_558, %mul3A_559 : i32
        %get3A_561 = arith.constant 4096 : i32
        %get3A_562 = tpu.memref_slice %arg7[%get3A_561] : memref<16384xi32, #tpu.memory_space<vmem>> -> memref<2048xi32, #tpu.memory_space<vmem>>
        %get3A_563 = arith.index_cast %mul3A_560 : i32 to index
        %get3A_564 = tpu.vector_load %get3A_562[%get3A_563] {strides = array<i32>} : memref<2048xi32, #tpu.memory_space<vmem>>, vector<16xi32>,
        %gather3A_565 = tpu.vector_load_idx %arg6[%get3A_564] : memref<100000xf32, #tpu.memory_space<vmem>>[vector<16xi32>], vector<16xf32>,
        %swap3A_566 = arith.constant 0 : i32
        %swap3A_567 = tpu.memref_slice %arg8[%scan3A_95, %swap3A_566] : memref<4x2048xf32, #tpu.memory_space<vmem>> -> memref<1x2048xf32, #tpu.memory_space<vmem>>
        %swap3A_568 = tpu.memref_squeeze %swap3A_567 : memref<1x2048xf32, #tpu.memory_space<vmem>> -> memref<2048xf32, #tpu.memory_space<vmem>>
        %swap3A_569 = arith.index_cast %mul3A_560 : i32 to index
        %swap3A_570 = tpu.vector_load %swap3A_568[%swap3A_569] {strides = array<i32>} : memref<2048xf32, #tpu.memory_space<vmem>>, vector<16xf32>,
        tpu.vector_store %swap3A_568[%swap3A_569], %gather3A_565 {strides = array<i32>} : memref<2048xf32, #tpu.memory_space<vmem>>, vector<16xf32>,
        %scan3A_571 = arith.constant 0 : i32
        %scan3A_572 = arith.constant 15 : i32
        %scan3A_573 = arith.addi %scan3A_350, %scan3A_572 : i32
        %mul3A_574 = arith.constant 16 : i32
        %mul3A_575 = arith.muli %scan3A_573, %mul3A_574 : i32
        %get3A_576 = arith.constant 4096 : i32
        %get3A_577 = tpu.memref_slice %arg7[%get3A_576] : memref<16384xi32, #tpu.memory_space<vmem>> -> memref<2048xi32, #tpu.memory_space<vmem>>
        %get3A_578 = arith.index_cast %mul3A_575 : i32 to index
        %get3A_579 = tpu.vector_load %get3A_577[%get3A_578] {strides = array<i32>} : memref<2048xi32, #tpu.memory_space<vmem>>, vector<16xi32>,
        %gather3A_580 = tpu.vector_load_idx %arg6[%get3A_579] : memref<100000xf32, #tpu.memory_space<vmem>>[vector<16xi32>], vector<16xf32>,
        %swap3A_581 = arith.constant 0 : i32
        %swap3A_582 = tpu.memref_slice %arg8[%scan3A_95, %swap3A_581] : memref<4x2048xf32, #tpu.memory_space<vmem>> -> memref<1x2048xf32, #tpu.memory_space<vmem>>
        %swap3A_583 = tpu.memref_squeeze %swap3A_582 : memref<1x2048xf32, #tpu.memory_space<vmem>> -> memref<2048xf32, #tpu.memory_space<vmem>>
        %swap3A_584 = arith.index_cast %mul3A_575 : i32 to index
        %swap3A_585 = tpu.vector_load %swap3A_583[%swap3A_584] {strides = array<i32>} : memref<2048xf32, #tpu.memory_space<vmem>>, vector<16xf32>,
        tpu.vector_store %swap3A_583[%swap3A_584], %gather3A_580 {strides = array<i32>} : memref<2048xf32, #tpu.memory_space<vmem>>, vector<16xf32>,
        %scan3A_586 = arith.constant 0 : i32
        scf.yield %scan3A_586 : i32
      }
      %scan3A_102 = arith.constant 128 : i32
      %add3A_103 = arith.constant 13 : i32
      %add3A_104 = arith.addi %add3A_103, %add3A_23 : i32
      %dma_start3A_105 = arith.constant 2 : i32
      %dma_start3A_106 = arith.constant 0 : i32
      %dma_start3A_107 = tpu.memref_slice %arg8[%dma_start3A_105, %dma_start3A_106] : memref<4x2048xf32, #tpu.memory_space<vmem>> -> memref<1x2048xf32, #tpu.memory_space<vmem>>
      %dma_start3A_108 = tpu.memref_squeeze %dma_start3A_107 : memref<1x2048xf32, #tpu.memory_space<vmem>> -> memref<2048xf32, #tpu.memory_space<vmem>>
      %dma_start3A_109 = arith.constant 4096 : i32
      %dma_start3A_110 = tpu.memref_slice %arg5[%add3A_104, %dma_start3A_109] : memref<429x16384xf32, #tpu.memory_space<hbm>> -> memref<1x2048xf32, #tpu.memory_space<hbm>>
      %dma_start3A_111 = tpu.memref_squeeze %dma_start3A_110 : memref<1x2048xf32, #tpu.memory_space<hbm>> -> memref<2048xf32, #tpu.memory_space<hbm>>
      %dma_start3A_112 = arith.constant 4096 : i32
      %dma_start3A_113 = tpu.memref_slice %arg5[%add3A_104, %dma_start3A_112] : memref<429x16384xf32, #tpu.memory_space<hbm>> -> memref<1x2048xf32, #tpu.memory_space<hbm>>
      %dma_start3A_114 = tpu.memref_squeeze %dma_start3A_113 : memref<1x2048xf32, #tpu.memory_space<hbm>> -> memref<2048xf32, #tpu.memory_space<hbm>>
      %dma_start3A_115 = arith.constant 0 : i32
      %dma_start3A_116 = tpu.memref_slice %arg8[%dma_start3A_105, %dma_start3A_115] : memref<4x2048xf32, #tpu.memory_space<vmem>> -> memref<1x2048xf32, #tpu.memory_space<vmem>>
      %dma_start3A_117 = tpu.memref_squeeze %dma_start3A_116 : memref<1x2048xf32, #tpu.memory_space<vmem>> -> memref<2048xf32, #tpu.memory_space<vmem>>
      tpu.enqueue_dma source(%dma_start3A_117 : memref<2048xf32, #tpu.memory_space<vmem>>) target(%dma_start3A_114 : memref<2048xf32, #tpu.memory_space<hbm>>) target_semaphore(%arg10 : memref<!tpu.dma_semaphore, #tpu.memory_space<semaphore_mem>>)
      %scan3A_118 = arith.constant 3 : i32
      %scan3A_119 = arith.constant 0 : i32
      %scan3A_120 = arith.constant 0 : i32
      %scan3A_121 = arith.constant 128 : i32
      %scan3A_122 = arith.addi %scan3A_120, %scan3A_121 : i32
      %scan3A_123 = arith.constant 16 : i32
      %scan3A_124 = scf.for %scan3A_350 = %scan3A_120 to %scan3A_122 step %scan3A_123 iter_args(%scan3A_351 = %scan3A_119) -> (i32)  : i32 {
        %mul3A_352 = arith.constant 16 : i32
        %mul3A_353 = arith.muli %scan3A_350, %mul3A_352 : i32
        %get3A = arith.constant 6144 : i32
        %get3A_354 = tpu.memref_slice %arg7[%get3A] : memref<16384xi32, #tpu.memory_space<vmem>> -> memref<2048xi32, #tpu.memory_space<vmem>>
        %get3A_355 = arith.index_cast %mul3A_353 : i32 to index
        %get3A_356 = tpu.vector_load %get3A_354[%get3A_355] {strides = array<i32>} : memref<2048xi32, #tpu.memory_space<vmem>>, vector<16xi32>,
        %gather3A = tpu.vector_load_idx %arg6[%get3A_356] : memref<100000xf32, #tpu.memory_space<vmem>>[vector<16xi32>], vector<16xf32>,
        %swap3A = arith.constant 0 : i32
        %swap3A_357 = tpu.memref_slice %arg8[%scan3A_118, %swap3A] : memref<4x2048xf32, #tpu.memory_space<vmem>> -> memref<1x2048xf32, #tpu.memory_space<vmem>>
        %swap3A_358 = tpu.memref_squeeze %swap3A_357 : memref<1x2048xf32, #tpu.memory_space<vmem>> -> memref<2048xf32, #tpu.memory_space<vmem>>
        %swap3A_359 = arith.index_cast %mul3A_353 : i32 to index
        %swap3A_360 = tpu.vector_load %swap3A_358[%swap3A_359] {strides = array<i32>} : memref<2048xf32, #tpu.memory_space<vmem>>, vector<16xf32>,
        tpu.vector_store %swap3A_358[%swap3A_359], %gather3A {strides = array<i32>} : memref<2048xf32, #tpu.memory_space<vmem>>, vector<16xf32>,
        %scan3A_361 = arith.constant 0 : i32
        %scan3A_362 = arith.constant 1 : i32
        %scan3A_363 = arith.addi %scan3A_350, %scan3A_362 : i32
        %mul3A_364 = arith.constant 16 : i32
        %mul3A_365 = arith.muli %scan3A_363, %mul3A_364 : i32
        %get3A_366 = arith.constant 6144 : i32
        %get3A_367 = tpu.memref_slice %arg7[%get3A_366] : memref<16384xi32, #tpu.memory_space<vmem>> -> memref<2048xi32, #tpu.memory_space<vmem>>
        %get3A_368 = arith.index_cast %mul3A_365 : i32 to index
        %get3A_369 = tpu.vector_load %get3A_367[%get3A_368] {strides = array<i32>} : memref<2048xi32, #tpu.memory_space<vmem>>, vector<16xi32>,
        %gather3A_370 = tpu.vector_load_idx %arg6[%get3A_369] : memref<100000xf32, #tpu.memory_space<vmem>>[vector<16xi32>], vector<16xf32>,
        %swap3A_371 = arith.constant 0 : i32
        %swap3A_372 = tpu.memref_slice %arg8[%scan3A_118, %swap3A_371] : memref<4x2048xf32, #tpu.memory_space<vmem>> -> memref<1x2048xf32, #tpu.memory_space<vmem>>
        %swap3A_373 = tpu.memref_squeeze %swap3A_372 : memref<1x2048xf32, #tpu.memory_space<vmem>> -> memref<2048xf32, #tpu.memory_space<vmem>>
        %swap3A_374 = arith.index_cast %mul3A_365 : i32 to index
        %swap3A_375 = tpu.vector_load %swap3A_373[%swap3A_374] {strides = array<i32>} : memref<2048xf32, #tpu.memory_space<vmem>>, vector<16xf32>,
        tpu.vector_store %swap3A_373[%swap3A_374], %gather3A_370 {strides = array<i32>} : memref<2048xf32, #tpu.memory_space<vmem>>, vector<16xf32>,
        %scan3A_376 = arith.constant 0 : i32
        %scan3A_377 = arith.constant 2 : i32
        %scan3A_378 = arith.addi %scan3A_350, %scan3A_377 : i32
        %mul3A_379 = arith.constant 16 : i32
        %mul3A_380 = arith.muli %scan3A_378, %mul3A_379 : i32
        %get3A_381 = arith.constant 6144 : i32
        %get3A_382 = tpu.memref_slice %arg7[%get3A_381] : memref<16384xi32, #tpu.memory_space<vmem>> -> memref<2048xi32, #tpu.memory_space<vmem>>
        %get3A_383 = arith.index_cast %mul3A_380 : i32 to index
        %get3A_384 = tpu.vector_load %get3A_382[%get3A_383] {strides = array<i32>} : memref<2048xi32, #tpu.memory_space<vmem>>, vector<16xi32>,
        %gather3A_385 = tpu.vector_load_idx %arg6[%get3A_384] : memref<100000xf32, #tpu.memory_space<vmem>>[vector<16xi32>], vector<16xf32>,
        %swap3A_386 = arith.constant 0 : i32
        %swap3A_387 = tpu.memref_slice %arg8[%scan3A_118, %swap3A_386] : memref<4x2048xf32, #tpu.memory_space<vmem>> -> memref<1x2048xf32, #tpu.memory_space<vmem>>
        %swap3A_388 = tpu.memref_squeeze %swap3A_387 : memref<1x2048xf32, #tpu.memory_space<vmem>> -> memref<2048xf32, #tpu.memory_space<vmem>>
        %swap3A_389 = arith.index_cast %mul3A_380 : i32 to index
        %swap3A_390 = tpu.vector_load %swap3A_388[%swap3A_389] {strides = array<i32>} : memref<2048xf32, #tpu.memory_space<vmem>>, vector<16xf32>,
        tpu.vector_store %swap3A_388[%swap3A_389], %gather3A_385 {strides = array<i32>} : memref<2048xf32, #tpu.memory_space<vmem>>, vector<16xf32>,
        %scan3A_391 = arith.constant 0 : i32
        %scan3A_392 = arith.constant 3 : i32
        %scan3A_393 = arith.addi %scan3A_350, %scan3A_392 : i32
        %mul3A_394 = arith.constant 16 : i32
        %mul3A_395 = arith.muli %scan3A_393, %mul3A_394 : i32
        %get3A_396 = arith.constant 6144 : i32
        %get3A_397 = tpu.memref_slice %arg7[%get3A_396] : memref<16384xi32, #tpu.memory_space<vmem>> -> memref<2048xi32, #tpu.memory_space<vmem>>
        %get3A_398 = arith.index_cast %mul3A_395 : i32 to index
        %get3A_399 = tpu.vector_load %get3A_397[%get3A_398] {strides = array<i32>} : memref<2048xi32, #tpu.memory_space<vmem>>, vector<16xi32>,
        %gather3A_400 = tpu.vector_load_idx %arg6[%get3A_399] : memref<100000xf32, #tpu.memory_space<vmem>>[vector<16xi32>], vector<16xf32>,
        %swap3A_401 = arith.constant 0 : i32
        %swap3A_402 = tpu.memref_slice %arg8[%scan3A_118, %swap3A_401] : memref<4x2048xf32, #tpu.memory_space<vmem>> -> memref<1x2048xf32, #tpu.memory_space<vmem>>
        %swap3A_403 = tpu.memref_squeeze %swap3A_402 : memref<1x2048xf32, #tpu.memory_space<vmem>> -> memref<2048xf32, #tpu.memory_space<vmem>>
        %swap3A_404 = arith.index_cast %mul3A_395 : i32 to index
        %swap3A_405 = tpu.vector_load %swap3A_403[%swap3A_404] {strides = array<i32>} : memref<2048xf32, #tpu.memory_space<vmem>>, vector<16xf32>,
        tpu.vector_store %swap3A_403[%swap3A_404], %gather3A_400 {strides = array<i32>} : memref<2048xf32, #tpu.memory_space<vmem>>, vector<16xf32>,
        %scan3A_406 = arith.constant 0 : i32
        %scan3A_407 = arith.constant 4 : i32
        %scan3A_408 = arith.addi %scan3A_350, %scan3A_407 : i32
        %mul3A_409 = arith.constant 16 : i32
        %mul3A_410 = arith.muli %scan3A_408, %mul3A_409 : i32
        %get3A_411 = arith.constant 6144 : i32
        %get3A_412 = tpu.memref_slice %arg7[%get3A_411] : memref<16384xi32, #tpu.memory_space<vmem>> -> memref<2048xi32, #tpu.memory_space<vmem>>
        %get3A_413 = arith.index_cast %mul3A_410 : i32 to index
        %get3A_414 = tpu.vector_load %get3A_412[%get3A_413] {strides = array<i32>} : memref<2048xi32, #tpu.memory_space<vmem>>, vector<16xi32>,
        %gather3A_415 = tpu.vector_load_idx %arg6[%get3A_414] : memref<100000xf32, #tpu.memory_space<vmem>>[vector<16xi32>], vector<16xf32>,
        %swap3A_416 = arith.constant 0 : i32
        %swap3A_417 = tpu.memref_slice %arg8[%scan3A_118, %swap3A_416] : memref<4x2048xf32, #tpu.memory_space<vmem>> -> memref<1x2048xf32, #tpu.memory_space<vmem>>
        %swap3A_418 = tpu.memref_squeeze %swap3A_417 : memref<1x2048xf32, #tpu.memory_space<vmem>> -> memref<2048xf32, #tpu.memory_space<vmem>>
        %swap3A_419 = arith.index_cast %mul3A_410 : i32 to index
        %swap3A_420 = tpu.vector_load %swap3A_418[%swap3A_419] {strides = array<i32>} : memref<2048xf32, #tpu.memory_space<vmem>>, vector<16xf32>,
        tpu.vector_store %swap3A_418[%swap3A_419], %gather3A_415 {strides = array<i32>} : memref<2048xf32, #tpu.memory_space<vmem>>, vector<16xf32>,
        %scan3A_421 = arith.constant 0 : i32
        %scan3A_422 = arith.constant 5 : i32
        %scan3A_423 = arith.addi %scan3A_350, %scan3A_422 : i32
        %mul3A_424 = arith.constant 16 : i32
        %mul3A_425 = arith.muli %scan3A_423, %mul3A_424 : i32
        %get3A_426 = arith.constant 6144 : i32
        %get3A_427 = tpu.memref_slice %arg7[%get3A_426] : memref<16384xi32, #tpu.memory_space<vmem>> -> memref<2048xi32, #tpu.memory_space<vmem>>
        %get3A_428 = arith.index_cast %mul3A_425 : i32 to index
        %get3A_429 = tpu.vector_load %get3A_427[%get3A_428] {strides = array<i32>} : memref<2048xi32, #tpu.memory_space<vmem>>, vector<16xi32>,
        %gather3A_430 = tpu.vector_load_idx %arg6[%get3A_429] : memref<100000xf32, #tpu.memory_space<vmem>>[vector<16xi32>], vector<16xf32>,
        %swap3A_431 = arith.constant 0 : i32
        %swap3A_432 = tpu.memref_slice %arg8[%scan3A_118, %swap3A_431] : memref<4x2048xf32, #tpu.memory_space<vmem>> -> memref<1x2048xf32, #tpu.memory_space<vmem>>
        %swap3A_433 = tpu.memref_squeeze %swap3A_432 : memref<1x2048xf32, #tpu.memory_space<vmem>> -> memref<2048xf32, #tpu.memory_space<vmem>>
        %swap3A_434 = arith.index_cast %mul3A_425 : i32 to index
        %swap3A_435 = tpu.vector_load %swap3A_433[%swap3A_434] {strides = array<i32>} : memref<2048xf32, #tpu.memory_space<vmem>>, vector<16xf32>,
        tpu.vector_store %swap3A_433[%swap3A_434], %gather3A_430 {strides = array<i32>} : memref<2048xf32, #tpu.memory_space<vmem>>, vector<16xf32>,
        %scan3A_436 = arith.constant 0 : i32
        %scan3A_437 = arith.constant 6 : i32
        %scan3A_438 = arith.addi %scan3A_350, %scan3A_437 : i32
        %mul3A_439 = arith.constant 16 : i32
        %mul3A_440 = arith.muli %scan3A_438, %mul3A_439 : i32
        %get3A_441 = arith.constant 6144 : i32
        %get3A_442 = tpu.memref_slice %arg7[%get3A_441] : memref<16384xi32, #tpu.memory_space<vmem>> -> memref<2048xi32, #tpu.memory_space<vmem>>
        %get3A_443 = arith.index_cast %mul3A_440 : i32 to index
        %get3A_444 = tpu.vector_load %get3A_442[%get3A_443] {strides = array<i32>} : memref<2048xi32, #tpu.memory_space<vmem>>, vector<16xi32>,
        %gather3A_445 = tpu.vector_load_idx %arg6[%get3A_444] : memref<100000xf32, #tpu.memory_space<vmem>>[vector<16xi32>], vector<16xf32>,
        %swap3A_446 = arith.constant 0 : i32
        %swap3A_447 = tpu.memref_slice %arg8[%scan3A_118, %swap3A_446] : memref<4x2048xf32, #tpu.memory_space<vmem>> -> memref<1x2048xf32, #tpu.memory_space<vmem>>
        %swap3A_448 = tpu.memref_squeeze %swap3A_447 : memref<1x2048xf32, #tpu.memory_space<vmem>> -> memref<2048xf32, #tpu.memory_space<vmem>>
        %swap3A_449 = arith.index_cast %mul3A_440 : i32 to index
        %swap3A_450 = tpu.vector_load %swap3A_448[%swap3A_449] {strides = array<i32>} : memref<2048xf32, #tpu.memory_space<vmem>>, vector<16xf32>,
        tpu.vector_store %swap3A_448[%swap3A_449], %gather3A_445 {strides = array<i32>} : memref<2048xf32, #tpu.memory_space<vmem>>, vector<16xf32>,
        %scan3A_451 = arith.constant 0 : i32
        %scan3A_452 = arith.constant 7 : i32
        %scan3A_453 = arith.addi %scan3A_350, %scan3A_452 : i32
        %mul3A_454 = arith.constant 16 : i32
        %mul3A_455 = arith.muli %scan3A_453, %mul3A_454 : i32
        %get3A_456 = arith.constant 6144 : i32
        %get3A_457 = tpu.memref_slice %arg7[%get3A_456] : memref<16384xi32, #tpu.memory_space<vmem>> -> memref<2048xi32, #tpu.memory_space<vmem>>
        %get3A_458 = arith.index_cast %mul3A_455 : i32 to index
        %get3A_459 = tpu.vector_load %get3A_457[%get3A_458] {strides = array<i32>} : memref<2048xi32, #tpu.memory_space<vmem>>, vector<16xi32>,
        %gather3A_460 = tpu.vector_load_idx %arg6[%get3A_459] : memref<100000xf32, #tpu.memory_space<vmem>>[vector<16xi32>], vector<16xf32>,
        %swap3A_461 = arith.constant 0 : i32
        %swap3A_462 = tpu.memref_slice %arg8[%scan3A_118, %swap3A_461] : memref<4x2048xf32, #tpu.memory_space<vmem>> -> memref<1x2048xf32, #tpu.memory_space<vmem>>
        %swap3A_463 = tpu.memref_squeeze %swap3A_462 : memref<1x2048xf32, #tpu.memory_space<vmem>> -> memref<2048xf32, #tpu.memory_space<vmem>>
        %swap3A_464 = arith.index_cast %mul3A_455 : i32 to index
        %swap3A_465 = tpu.vector_load %swap3A_463[%swap3A_464] {strides = array<i32>} : memref<2048xf32, #tpu.memory_space<vmem>>, vector<16xf32>,
        tpu.vector_store %swap3A_463[%swap3A_464], %gather3A_460 {strides = array<i32>} : memref<2048xf32, #tpu.memory_space<vmem>>, vector<16xf32>,
        %scan3A_466 = arith.constant 0 : i32
        %scan3A_467 = arith.constant 8 : i32
        %scan3A_468 = arith.addi %scan3A_350, %scan3A_467 : i32
        %mul3A_469 = arith.constant 16 : i32
        %mul3A_470 = arith.muli %scan3A_468, %mul3A_469 : i32
        %get3A_471 = arith.constant 6144 : i32
        %get3A_472 = tpu.memref_slice %arg7[%get3A_471] : memref<16384xi32, #tpu.memory_space<vmem>> -> memref<2048xi32, #tpu.memory_space<vmem>>
        %get3A_473 = arith.index_cast %mul3A_470 : i32 to index
        %get3A_474 = tpu.vector_load %get3A_472[%get3A_473] {strides = array<i32>} : memref<2048xi32, #tpu.memory_space<vmem>>, vector<16xi32>,
        %gather3A_475 = tpu.vector_load_idx %arg6[%get3A_474] : memref<100000xf32, #tpu.memory_space<vmem>>[vector<16xi32>], vector<16xf32>,
        %swap3A_476 = arith.constant 0 : i32
        %swap3A_477 = tpu.memref_slice %arg8[%scan3A_118, %swap3A_476] : memref<4x2048xf32, #tpu.memory_space<vmem>> -> memref<1x2048xf32, #tpu.memory_space<vmem>>
        %swap3A_478 = tpu.memref_squeeze %swap3A_477 : memref<1x2048xf32, #tpu.memory_space<vmem>> -> memref<2048xf32, #tpu.memory_space<vmem>>
        %swap3A_479 = arith.index_cast %mul3A_470 : i32 to index
        %swap3A_480 = tpu.vector_load %swap3A_478[%swap3A_479] {strides = array<i32>} : memref<2048xf32, #tpu.memory_space<vmem>>, vector<16xf32>,
        tpu.vector_store %swap3A_478[%swap3A_479], %gather3A_475 {strides = array<i32>} : memref<2048xf32, #tpu.memory_space<vmem>>, vector<16xf32>,
        %scan3A_481 = arith.constant 0 : i32
        %scan3A_482 = arith.constant 9 : i32
        %scan3A_483 = arith.addi %scan3A_350, %scan3A_482 : i32
        %mul3A_484 = arith.constant 16 : i32
        %mul3A_485 = arith.muli %scan3A_483, %mul3A_484 : i32
        %get3A_486 = arith.constant 6144 : i32
        %get3A_487 = tpu.memref_slice %arg7[%get3A_486] : memref<16384xi32, #tpu.memory_space<vmem>> -> memref<2048xi32, #tpu.memory_space<vmem>>
        %get3A_488 = arith.index_cast %mul3A_485 : i32 to index
        %get3A_489 = tpu.vector_load %get3A_487[%get3A_488] {strides = array<i32>} : memref<2048xi32, #tpu.memory_space<vmem>>, vector<16xi32>,
        %gather3A_490 = tpu.vector_load_idx %arg6[%get3A_489] : memref<100000xf32, #tpu.memory_space<vmem>>[vector<16xi32>], vector<16xf32>,
        %swap3A_491 = arith.constant 0 : i32
        %swap3A_492 = tpu.memref_slice %arg8[%scan3A_118, %swap3A_491] : memref<4x2048xf32, #tpu.memory_space<vmem>> -> memref<1x2048xf32, #tpu.memory_space<vmem>>
        %swap3A_493 = tpu.memref_squeeze %swap3A_492 : memref<1x2048xf32, #tpu.memory_space<vmem>> -> memref<2048xf32, #tpu.memory_space<vmem>>
        %swap3A_494 = arith.index_cast %mul3A_485 : i32 to index
        %swap3A_495 = tpu.vector_load %swap3A_493[%swap3A_494] {strides = array<i32>} : memref<2048xf32, #tpu.memory_space<vmem>>, vector<16xf32>,
        tpu.vector_store %swap3A_493[%swap3A_494], %gather3A_490 {strides = array<i32>} : memref<2048xf32, #tpu.memory_space<vmem>>, vector<16xf32>,
        %scan3A_496 = arith.constant 0 : i32
        %scan3A_497 = arith.constant 10 : i32
        %scan3A_498 = arith.addi %scan3A_350, %scan3A_497 : i32
        %mul3A_499 = arith.constant 16 : i32
        %mul3A_500 = arith.muli %scan3A_498, %mul3A_499 : i32
        %get3A_501 = arith.constant 6144 : i32
        %get3A_502 = tpu.memref_slice %arg7[%get3A_501] : memref<16384xi32, #tpu.memory_space<vmem>> -> memref<2048xi32, #tpu.memory_space<vmem>>
        %get3A_503 = arith.index_cast %mul3A_500 : i32 to index
        %get3A_504 = tpu.vector_load %get3A_502[%get3A_503] {strides = array<i32>} : memref<2048xi32, #tpu.memory_space<vmem>>, vector<16xi32>,
        %gather3A_505 = tpu.vector_load_idx %arg6[%get3A_504] : memref<100000xf32, #tpu.memory_space<vmem>>[vector<16xi32>], vector<16xf32>,
        %swap3A_506 = arith.constant 0 : i32
        %swap3A_507 = tpu.memref_slice %arg8[%scan3A_118, %swap3A_506] : memref<4x2048xf32, #tpu.memory_space<vmem>> -> memref<1x2048xf32, #tpu.memory_space<vmem>>
        %swap3A_508 = tpu.memref_squeeze %swap3A_507 : memref<1x2048xf32, #tpu.memory_space<vmem>> -> memref<2048xf32, #tpu.memory_space<vmem>>
        %swap3A_509 = arith.index_cast %mul3A_500 : i32 to index
        %swap3A_510 = tpu.vector_load %swap3A_508[%swap3A_509] {strides = array<i32>} : memref<2048xf32, #tpu.memory_space<vmem>>, vector<16xf32>,
        tpu.vector_store %swap3A_508[%swap3A_509], %gather3A_505 {strides = array<i32>} : memref<2048xf32, #tpu.memory_space<vmem>>, vector<16xf32>,
        %scan3A_511 = arith.constant 0 : i32
        %scan3A_512 = arith.constant 11 : i32
        %scan3A_513 = arith.addi %scan3A_350, %scan3A_512 : i32
        %mul3A_514 = arith.constant 16 : i32
        %mul3A_515 = arith.muli %scan3A_513, %mul3A_514 : i32
        %get3A_516 = arith.constant 6144 : i32
        %get3A_517 = tpu.memref_slice %arg7[%get3A_516] : memref<16384xi32, #tpu.memory_space<vmem>> -> memref<2048xi32, #tpu.memory_space<vmem>>
        %get3A_518 = arith.index_cast %mul3A_515 : i32 to index
        %get3A_519 = tpu.vector_load %get3A_517[%get3A_518] {strides = array<i32>} : memref<2048xi32, #tpu.memory_space<vmem>>, vector<16xi32>,
        %gather3A_520 = tpu.vector_load_idx %arg6[%get3A_519] : memref<100000xf32, #tpu.memory_space<vmem>>[vector<16xi32>], vector<16xf32>,
        %swap3A_521 = arith.constant 0 : i32
        %swap3A_522 = tpu.memref_slice %arg8[%scan3A_118, %swap3A_521] : memref<4x2048xf32, #tpu.memory_space<vmem>> -> memref<1x2048xf32, #tpu.memory_space<vmem>>
        %swap3A_523 = tpu.memref_squeeze %swap3A_522 : memref<1x2048xf32, #tpu.memory_space<vmem>> -> memref<2048xf32, #tpu.memory_space<vmem>>
        %swap3A_524 = arith.index_cast %mul3A_515 : i32 to index
        %swap3A_525 = tpu.vector_load %swap3A_523[%swap3A_524] {strides = array<i32>} : memref<2048xf32, #tpu.memory_space<vmem>>, vector<16xf32>,
        tpu.vector_store %swap3A_523[%swap3A_524], %gather3A_520 {strides = array<i32>} : memref<2048xf32, #tpu.memory_space<vmem>>, vector<16xf32>,
        %scan3A_526 = arith.constant 0 : i32
        %scan3A_527 = arith.constant 12 : i32
        %scan3A_528 = arith.addi %scan3A_350, %scan3A_527 : i32
        %mul3A_529 = arith.constant 16 : i32
        %mul3A_530 = arith.muli %scan3A_528, %mul3A_529 : i32
        %get3A_531 = arith.constant 6144 : i32
        %get3A_532 = tpu.memref_slice %arg7[%get3A_531] : memref<16384xi32, #tpu.memory_space<vmem>> -> memref<2048xi32, #tpu.memory_space<vmem>>
        %get3A_533 = arith.index_cast %mul3A_530 : i32 to index
        %get3A_534 = tpu.vector_load %get3A_532[%get3A_533] {strides = array<i32>} : memref<2048xi32, #tpu.memory_space<vmem>>, vector<16xi32>,
        %gather3A_535 = tpu.vector_load_idx %arg6[%get3A_534] : memref<100000xf32, #tpu.memory_space<vmem>>[vector<16xi32>], vector<16xf32>,
        %swap3A_536 = arith.constant 0 : i32
        %swap3A_537 = tpu.memref_slice %arg8[%scan3A_118, %swap3A_536] : memref<4x2048xf32, #tpu.memory_space<vmem>> -> memref<1x2048xf32, #tpu.memory_space<vmem>>
        %swap3A_538 = tpu.memref_squeeze %swap3A_537 : memref<1x2048xf32, #tpu.memory_space<vmem>> -> memref<2048xf32, #tpu.memory_space<vmem>>
        %swap3A_539 = arith.index_cast %mul3A_530 : i32 to index
        %swap3A_540 = tpu.vector_load %swap3A_538[%swap3A_539] {strides = array<i32>} : memref<2048xf32, #tpu.memory_space<vmem>>, vector<16xf32>,
        tpu.vector_store %swap3A_538[%swap3A_539], %gather3A_535 {strides = array<i32>} : memref<2048xf32, #tpu.memory_space<vmem>>, vector<16xf32>,
        %scan3A_541 = arith.constant 0 : i32
        %scan3A_542 = arith.constant 13 : i32
        %scan3A_543 = arith.addi %scan3A_350, %scan3A_542 : i32
        %mul3A_544 = arith.constant 16 : i32
        %mul3A_545 = arith.muli %scan3A_543, %mul3A_544 : i32
        %get3A_546 = arith.constant 6144 : i32
        %get3A_547 = tpu.memref_slice %arg7[%get3A_546] : memref<16384xi32, #tpu.memory_space<vmem>> -> memref<2048xi32, #tpu.memory_space<vmem>>
        %get3A_548 = arith.index_cast %mul3A_545 : i32 to index
        %get3A_549 = tpu.vector_load %get3A_547[%get3A_548] {strides = array<i32>} : memref<2048xi32, #tpu.memory_space<vmem>>, vector<16xi32>,
        %gather3A_550 = tpu.vector_load_idx %arg6[%get3A_549] : memref<100000xf32, #tpu.memory_space<vmem>>[vector<16xi32>], vector<16xf32>,
        %swap3A_551 = arith.constant 0 : i32
        %swap3A_552 = tpu.memref_slice %arg8[%scan3A_118, %swap3A_551] : memref<4x2048xf32, #tpu.memory_space<vmem>> -> memref<1x2048xf32, #tpu.memory_space<vmem>>
        %swap3A_553 = tpu.memref_squeeze %swap3A_552 : memref<1x2048xf32, #tpu.memory_space<vmem>> -> memref<2048xf32, #tpu.memory_space<vmem>>
        %swap3A_554 = arith.index_cast %mul3A_545 : i32 to index
        %swap3A_555 = tpu.vector_load %swap3A_553[%swap3A_554] {strides = array<i32>} : memref<2048xf32, #tpu.memory_space<vmem>>, vector<16xf32>,
        tpu.vector_store %swap3A_553[%swap3A_554], %gather3A_550 {strides = array<i32>} : memref<2048xf32, #tpu.memory_space<vmem>>, vector<16xf32>,
        %scan3A_556 = arith.constant 0 : i32
        %scan3A_557 = arith.constant 14 : i32
        %scan3A_558 = arith.addi %scan3A_350, %scan3A_557 : i32
        %mul3A_559 = arith.constant 16 : i32
        %mul3A_560 = arith.muli %scan3A_558, %mul3A_559 : i32
        %get3A_561 = arith.constant 6144 : i32
        %get3A_562 = tpu.memref_slice %arg7[%get3A_561] : memref<16384xi32, #tpu.memory_space<vmem>> -> memref<2048xi32, #tpu.memory_space<vmem>>
        %get3A_563 = arith.index_cast %mul3A_560 : i32 to index
        %get3A_564 = tpu.vector_load %get3A_562[%get3A_563] {strides = array<i32>} : memref<2048xi32, #tpu.memory_space<vmem>>, vector<16xi32>,
        %gather3A_565 = tpu.vector_load_idx %arg6[%get3A_564] : memref<100000xf32, #tpu.memory_space<vmem>>[vector<16xi32>], vector<16xf32>,
        %swap3A_566 = arith.constant 0 : i32
        %swap3A_567 = tpu.memref_slice %arg8[%scan3A_118, %swap3A_566] : memref<4x2048xf32, #tpu.memory_space<vmem>> -> memref<1x2048xf32, #tpu.memory_space<vmem>>
        %swap3A_568 = tpu.memref_squeeze %swap3A_567 : memref<1x2048xf32, #tpu.memory_space<vmem>> -> memref<2048xf32, #tpu.memory_space<vmem>>
        %swap3A_569 = arith.index_cast %mul3A_560 : i32 to index
        %swap3A_570 = tpu.vector_load %swap3A_568[%swap3A_569] {strides = array<i32>} : memref<2048xf32, #tpu.memory_space<vmem>>, vector<16xf32>,
        tpu.vector_store %swap3A_568[%swap3A_569], %gather3A_565 {strides = array<i32>} : memref<2048xf32, #tpu.memory_space<vmem>>, vector<16xf32>,
        %scan3A_571 = arith.constant 0 : i32
        %scan3A_572 = arith.constant 15 : i32
        %scan3A_573 = arith.addi %scan3A_350, %scan3A_572 : i32
        %mul3A_574 = arith.constant 16 : i32
        %mul3A_575 = arith.muli %scan3A_573, %mul3A_574 : i32
        %get3A_576 = arith.constant 6144 : i32
        %get3A_577 = tpu.memref_slice %arg7[%get3A_576] : memref<16384xi32, #tpu.memory_space<vmem>> -> memref<2048xi32, #tpu.memory_space<vmem>>
        %get3A_578 = arith.index_cast %mul3A_575 : i32 to index
        %get3A_579 = tpu.vector_load %get3A_577[%get3A_578] {strides = array<i32>} : memref<2048xi32, #tpu.memory_space<vmem>>, vector<16xi32>,
        %gather3A_580 = tpu.vector_load_idx %arg6[%get3A_579] : memref<100000xf32, #tpu.memory_space<vmem>>[vector<16xi32>], vector<16xf32>,
        %swap3A_581 = arith.constant 0 : i32
        %swap3A_582 = tpu.memref_slice %arg8[%scan3A_118, %swap3A_581] : memref<4x2048xf32, #tpu.memory_space<vmem>> -> memref<1x2048xf32, #tpu.memory_space<vmem>>
        %swap3A_583 = tpu.memref_squeeze %swap3A_582 : memref<1x2048xf32, #tpu.memory_space<vmem>> -> memref<2048xf32, #tpu.memory_space<vmem>>
        %swap3A_584 = arith.index_cast %mul3A_575 : i32 to index
        %swap3A_585 = tpu.vector_load %swap3A_583[%swap3A_584] {strides = array<i32>} : memref<2048xf32, #tpu.memory_space<vmem>>, vector<16xf32>,
        tpu.vector_store %swap3A_583[%swap3A_584], %gather3A_580 {strides = array<i32>} : memref<2048xf32, #tpu.memory_space<vmem>>, vector<16xf32>,
        %scan3A_586 = arith.constant 0 : i32
        scf.yield %scan3A_586 : i32
      }
      %scan3A_125 = arith.constant 128 : i32
      %add3A_126 = arith.constant 13 : i32
      %add3A_127 = arith.addi %add3A_126, %add3A_23 : i32
      %dma_start3A_128 = arith.constant 3 : i32
      %dma_start3A_129 = arith.constant 0 : i32
      %dma_start3A_130 = tpu.memref_slice %arg8[%dma_start3A_128, %dma_start3A_129] : memref<4x2048xf32, #tpu.memory_space<vmem>> -> memref<1x2048xf32, #tpu.memory_space<vmem>>
      %dma_start3A_131 = tpu.memref_squeeze %dma_start3A_130 : memref<1x2048xf32, #tpu.memory_space<vmem>> -> memref<2048xf32, #tpu.memory_space<vmem>>
      %dma_start3A_132 = arith.constant 6144 : i32
      %dma_start3A_133 = tpu.memref_slice %arg5[%add3A_127, %dma_start3A_132] : memref<429x16384xf32, #tpu.memory_space<hbm>> -> memref<1x2048xf32, #tpu.memory_space<hbm>>
      %dma_start3A_134 = tpu.memref_squeeze %dma_start3A_133 : memref<1x2048xf32, #tpu.memory_space<hbm>> -> memref<2048xf32, #tpu.memory_space<hbm>>
      %dma_start3A_135 = arith.constant 6144 : i32
      %dma_start3A_136 = tpu.memref_slice %arg5[%add3A_127, %dma_start3A_135] : memref<429x16384xf32, #tpu.memory_space<hbm>> -> memref<1x2048xf32, #tpu.memory_space<hbm>>
      %dma_start3A_137 = tpu.memref_squeeze %dma_start3A_136 : memref<1x2048xf32, #tpu.memory_space<hbm>> -> memref<2048xf32, #tpu.memory_space<hbm>>
      %dma_start3A_138 = arith.constant 0 : i32
      %dma_start3A_139 = tpu.memref_slice %arg8[%dma_start3A_128, %dma_start3A_138] : memref<4x2048xf32, #tpu.memory_space<vmem>> -> memref<1x2048xf32, #tpu.memory_space<vmem>>
      %dma_start3A_140 = tpu.memref_squeeze %dma_start3A_139 : memref<1x2048xf32, #tpu.memory_space<vmem>> -> memref<2048xf32, #tpu.memory_space<vmem>>
      tpu.enqueue_dma source(%dma_start3A_140 : memref<2048xf32, #tpu.memory_space<vmem>>) target(%dma_start3A_137 : memref<2048xf32, #tpu.memory_space<hbm>>) target_semaphore(%arg10 : memref<!tpu.dma_semaphore, #tpu.memory_space<semaphore_mem>>)
      %dma_wait3A_141 = arith.constant 0 : i32
      %dma_wait3A_142 = arith.constant 0 : i32
      %dma_wait3A_143 = arith.constant 0 : i32
      %dma_wait3A_144 = tpu.memref_slice %arg8[%dma_wait3A_141, %dma_wait3A_143] : memref<4x2048xf32, #tpu.memory_space<vmem>> -> memref<1x2048xf32, #tpu.memory_space<vmem>>
      %dma_wait3A_145 = tpu.memref_squeeze %dma_wait3A_144 : memref<1x2048xf32, #tpu.memory_space<vmem>> -> memref<2048xf32, #tpu.memory_space<vmem>>
      %dma_wait3A_146 = arith.constant 0 : i32
      %dma_wait3A_147 = tpu.memref_slice %arg5[%dma_wait3A_142, %dma_wait3A_146] : memref<429x16384xf32, #tpu.memory_space<hbm>> -> memref<1x2048xf32, #tpu.memory_space<hbm>>
      %dma_wait3A_148 = tpu.memref_squeeze %dma_wait3A_147 : memref<1x2048xf32, #tpu.memory_space<hbm>> -> memref<2048xf32, #tpu.memory_space<hbm>>
      %dma_wait3A_149 = arith.constant 0 : i32
      %dma_wait3A_150 = tpu.memref_slice %arg5[%dma_wait3A_142, %dma_wait3A_149] : memref<429x16384xf32, #tpu.memory_space<hbm>> -> memref<1x2048xf32, #tpu.memory_space<hbm>>
      %dma_wait3A_151 = tpu.memref_squeeze %dma_wait3A_150 : memref<1x2048xf32, #tpu.memory_space<hbm>> -> memref<2048xf32, #tpu.memory_space<hbm>>
      %dma_wait3A_152 = arith.constant 0 : i32
      %dma_wait3A_153 = tpu.memref_slice %arg8[%dma_wait3A_141, %dma_wait3A_152] : memref<4x2048xf32, #tpu.memory_space<vmem>> -> memref<1x2048xf32, #tpu.memory_space<vmem>>
      %dma_wait3A_154 = tpu.memref_squeeze %dma_wait3A_153 : memref<1x2048xf32, #tpu.memory_space<vmem>> -> memref<2048xf32, #tpu.memory_space<vmem>>
      tpu.wait_dma2 semaphore(%arg10 : memref<!tpu.dma_semaphore, #tpu.memory_space<semaphore_mem>>) src(%dma_wait3A_154 : memref<2048xf32, #tpu.memory_space<vmem>>) dst(%dma_wait3A_151 : memref<2048xf32, #tpu.memory_space<hbm>>)
      %scan3A_155 = arith.constant 0 : i32
      %scan3A_156 = arith.constant 0 : i32
      %scan3A_157 = arith.constant 0 : i32
      %scan3A_158 = arith.constant 128 : i32
      %scan3A_159 = arith.addi %scan3A_157, %scan3A_158 : i32
      %scan3A_160 = arith.constant 16 : i32
      %scan3A_161 = scf.for %scan3A_350 = %scan3A_157 to %scan3A_159 step %scan3A_160 iter_args(%scan3A_351 = %scan3A_156) -> (i32)  : i32 {
        %mul3A_352 = arith.constant 16 : i32
        %mul3A_353 = arith.muli %scan3A_350, %mul3A_352 : i32
        %get3A = arith.constant 8192 : i32
        %get3A_354 = tpu.memref_slice %arg7[%get3A] : memref<16384xi32, #tpu.memory_space<vmem>> -> memref<2048xi32, #tpu.memory_space<vmem>>
        %get3A_355 = arith.index_cast %mul3A_353 : i32 to index
        %get3A_356 = tpu.vector_load %get3A_354[%get3A_355] {strides = array<i32>} : memref<2048xi32, #tpu.memory_space<vmem>>, vector<16xi32>,
        %gather3A = tpu.vector_load_idx %arg6[%get3A_356] : memref<100000xf32, #tpu.memory_space<vmem>>[vector<16xi32>], vector<16xf32>,
        %swap3A = arith.constant 0 : i32
        %swap3A_357 = tpu.memref_slice %arg8[%scan3A_155, %swap3A] : memref<4x2048xf32, #tpu.memory_space<vmem>> -> memref<1x2048xf32, #tpu.memory_space<vmem>>
        %swap3A_358 = tpu.memref_squeeze %swap3A_357 : memref<1x2048xf32, #tpu.memory_space<vmem>> -> memref<2048xf32, #tpu.memory_space<vmem>>
        %swap3A_359 = arith.index_cast %mul3A_353 : i32 to index
        %swap3A_360 = tpu.vector_load %swap3A_358[%swap3A_359] {strides = array<i32>} : memref<2048xf32, #tpu.memory_space<vmem>>, vector<16xf32>,
        tpu.vector_store %swap3A_358[%swap3A_359], %gather3A {strides = array<i32>} : memref<2048xf32, #tpu.memory_space<vmem>>, vector<16xf32>,
        %scan3A_361 = arith.constant 0 : i32
        %scan3A_362 = arith.constant 1 : i32
        %scan3A_363 = arith.addi %scan3A_350, %scan3A_362 : i32
        %mul3A_364 = arith.constant 16 : i32
        %mul3A_365 = arith.muli %scan3A_363, %mul3A_364 : i32
        %get3A_366 = arith.constant 8192 : i32
        %get3A_367 = tpu.memref_slice %arg7[%get3A_366] : memref<16384xi32, #tpu.memory_space<vmem>> -> memref<2048xi32, #tpu.memory_space<vmem>>
        %get3A_368 = arith.index_cast %mul3A_365 : i32 to index
        %get3A_369 = tpu.vector_load %get3A_367[%get3A_368] {strides = array<i32>} : memref<2048xi32, #tpu.memory_space<vmem>>, vector<16xi32>,
        %gather3A_370 = tpu.vector_load_idx %arg6[%get3A_369] : memref<100000xf32, #tpu.memory_space<vmem>>[vector<16xi32>], vector<16xf32>,
        %swap3A_371 = arith.constant 0 : i32
        %swap3A_372 = tpu.memref_slice %arg8[%scan3A_155, %swap3A_371] : memref<4x2048xf32, #tpu.memory_space<vmem>> -> memref<1x2048xf32, #tpu.memory_space<vmem>>
        %swap3A_373 = tpu.memref_squeeze %swap3A_372 : memref<1x2048xf32, #tpu.memory_space<vmem>> -> memref<2048xf32, #tpu.memory_space<vmem>>
        %swap3A_374 = arith.index_cast %mul3A_365 : i32 to index
        %swap3A_375 = tpu.vector_load %swap3A_373[%swap3A_374] {strides = array<i32>} : memref<2048xf32, #tpu.memory_space<vmem>>, vector<16xf32>,
        tpu.vector_store %swap3A_373[%swap3A_374], %gather3A_370 {strides = array<i32>} : memref<2048xf32, #tpu.memory_space<vmem>>, vector<16xf32>,
        %scan3A_376 = arith.constant 0 : i32
        %scan3A_377 = arith.constant 2 : i32
        %scan3A_378 = arith.addi %scan3A_350, %scan3A_377 : i32
        %mul3A_379 = arith.constant 16 : i32
        %mul3A_380 = arith.muli %scan3A_378, %mul3A_379 : i32
        %get3A_381 = arith.constant 8192 : i32
        %get3A_382 = tpu.memref_slice %arg7[%get3A_381] : memref<16384xi32, #tpu.memory_space<vmem>> -> memref<2048xi32, #tpu.memory_space<vmem>>
        %get3A_383 = arith.index_cast %mul3A_380 : i32 to index
        %get3A_384 = tpu.vector_load %get3A_382[%get3A_383] {strides = array<i32>} : memref<2048xi32, #tpu.memory_space<vmem>>, vector<16xi32>,
        %gather3A_385 = tpu.vector_load_idx %arg6[%get3A_384] : memref<100000xf32, #tpu.memory_space<vmem>>[vector<16xi32>], vector<16xf32>,
        %swap3A_386 = arith.constant 0 : i32
        %swap3A_387 = tpu.memref_slice %arg8[%scan3A_155, %swap3A_386] : memref<4x2048xf32, #tpu.memory_space<vmem>> -> memref<1x2048xf32, #tpu.memory_space<vmem>>
        %swap3A_388 = tpu.memref_squeeze %swap3A_387 : memref<1x2048xf32, #tpu.memory_space<vmem>> -> memref<2048xf32, #tpu.memory_space<vmem>>
        %swap3A_389 = arith.index_cast %mul3A_380 : i32 to index
        %swap3A_390 = tpu.vector_load %swap3A_388[%swap3A_389] {strides = array<i32>} : memref<2048xf32, #tpu.memory_space<vmem>>, vector<16xf32>,
        tpu.vector_store %swap3A_388[%swap3A_389], %gather3A_385 {strides = array<i32>} : memref<2048xf32, #tpu.memory_space<vmem>>, vector<16xf32>,
        %scan3A_391 = arith.constant 0 : i32
        %scan3A_392 = arith.constant 3 : i32
        %scan3A_393 = arith.addi %scan3A_350, %scan3A_392 : i32
        %mul3A_394 = arith.constant 16 : i32
        %mul3A_395 = arith.muli %scan3A_393, %mul3A_394 : i32
        %get3A_396 = arith.constant 8192 : i32
        %get3A_397 = tpu.memref_slice %arg7[%get3A_396] : memref<16384xi32, #tpu.memory_space<vmem>> -> memref<2048xi32, #tpu.memory_space<vmem>>
        %get3A_398 = arith.index_cast %mul3A_395 : i32 to index
        %get3A_399 = tpu.vector_load %get3A_397[%get3A_398] {strides = array<i32>} : memref<2048xi32, #tpu.memory_space<vmem>>, vector<16xi32>,
        %gather3A_400 = tpu.vector_load_idx %arg6[%get3A_399] : memref<100000xf32, #tpu.memory_space<vmem>>[vector<16xi32>], vector<16xf32>,
        %swap3A_401 = arith.constant 0 : i32
        %swap3A_402 = tpu.memref_slice %arg8[%scan3A_155, %swap3A_401] : memref<4x2048xf32, #tpu.memory_space<vmem>> -> memref<1x2048xf32, #tpu.memory_space<vmem>>
        %swap3A_403 = tpu.memref_squeeze %swap3A_402 : memref<1x2048xf32, #tpu.memory_space<vmem>> -> memref<2048xf32, #tpu.memory_space<vmem>>
        %swap3A_404 = arith.index_cast %mul3A_395 : i32 to index
        %swap3A_405 = tpu.vector_load %swap3A_403[%swap3A_404] {strides = array<i32>} : memref<2048xf32, #tpu.memory_space<vmem>>, vector<16xf32>,
        tpu.vector_store %swap3A_403[%swap3A_404], %gather3A_400 {strides = array<i32>} : memref<2048xf32, #tpu.memory_space<vmem>>, vector<16xf32>,
        %scan3A_406 = arith.constant 0 : i32
        %scan3A_407 = arith.constant 4 : i32
        %scan3A_408 = arith.addi %scan3A_350, %scan3A_407 : i32
        %mul3A_409 = arith.constant 16 : i32
        %mul3A_410 = arith.muli %scan3A_408, %mul3A_409 : i32
        %get3A_411 = arith.constant 8192 : i32
        %get3A_412 = tpu.memref_slice %arg7[%get3A_411] : memref<16384xi32, #tpu.memory_space<vmem>> -> memref<2048xi32, #tpu.memory_space<vmem>>
        %get3A_413 = arith.index_cast %mul3A_410 : i32 to index
        %get3A_414 = tpu.vector_load %get3A_412[%get3A_413] {strides = array<i32>} : memref<2048xi32, #tpu.memory_space<vmem>>, vector<16xi32>,
        %gather3A_415 = tpu.vector_load_idx %arg6[%get3A_414] : memref<100000xf32, #tpu.memory_space<vmem>>[vector<16xi32>], vector<16xf32>,
        %swap3A_416 = arith.constant 0 : i32
        %swap3A_417 = tpu.memref_slice %arg8[%scan3A_155, %swap3A_416] : memref<4x2048xf32, #tpu.memory_space<vmem>> -> memref<1x2048xf32, #tpu.memory_space<vmem>>
        %swap3A_418 = tpu.memref_squeeze %swap3A_417 : memref<1x2048xf32, #tpu.memory_space<vmem>> -> memref<2048xf32, #tpu.memory_space<vmem>>
        %swap3A_419 = arith.index_cast %mul3A_410 : i32 to index
        %swap3A_420 = tpu.vector_load %swap3A_418[%swap3A_419] {strides = array<i32>} : memref<2048xf32, #tpu.memory_space<vmem>>, vector<16xf32>,
        tpu.vector_store %swap3A_418[%swap3A_419], %gather3A_415 {strides = array<i32>} : memref<2048xf32, #tpu.memory_space<vmem>>, vector<16xf32>,
        %scan3A_421 = arith.constant 0 : i32
        %scan3A_422 = arith.constant 5 : i32
        %scan3A_423 = arith.addi %scan3A_350, %scan3A_422 : i32
        %mul3A_424 = arith.constant 16 : i32
        %mul3A_425 = arith.muli %scan3A_423, %mul3A_424 : i32
        %get3A_426 = arith.constant 8192 : i32
        %get3A_427 = tpu.memref_slice %arg7[%get3A_426] : memref<16384xi32, #tpu.memory_space<vmem>> -> memref<2048xi32, #tpu.memory_space<vmem>>
        %get3A_428 = arith.index_cast %mul3A_425 : i32 to index
        %get3A_429 = tpu.vector_load %get3A_427[%get3A_428] {strides = array<i32>} : memref<2048xi32, #tpu.memory_space<vmem>>, vector<16xi32>,
        %gather3A_430 = tpu.vector_load_idx %arg6[%get3A_429] : memref<100000xf32, #tpu.memory_space<vmem>>[vector<16xi32>], vector<16xf32>,
        %swap3A_431 = arith.constant 0 : i32
        %swap3A_432 = tpu.memref_slice %arg8[%scan3A_155, %swap3A_431] : memref<4x2048xf32, #tpu.memory_space<vmem>> -> memref<1x2048xf32, #tpu.memory_space<vmem>>
        %swap3A_433 = tpu.memref_squeeze %swap3A_432 : memref<1x2048xf32, #tpu.memory_space<vmem>> -> memref<2048xf32, #tpu.memory_space<vmem>>
        %swap3A_434 = arith.index_cast %mul3A_425 : i32 to index
        %swap3A_435 = tpu.vector_load %swap3A_433[%swap3A_434] {strides = array<i32>} : memref<2048xf32, #tpu.memory_space<vmem>>, vector<16xf32>,
        tpu.vector_store %swap3A_433[%swap3A_434], %gather3A_430 {strides = array<i32>} : memref<2048xf32, #tpu.memory_space<vmem>>, vector<16xf32>,
        %scan3A_436 = arith.constant 0 : i32
        %scan3A_437 = arith.constant 6 : i32
        %scan3A_438 = arith.addi %scan3A_350, %scan3A_437 : i32
        %mul3A_439 = arith.constant 16 : i32
        %mul3A_440 = arith.muli %scan3A_438, %mul3A_439 : i32
        %get3A_441 = arith.constant 8192 : i32
        %get3A_442 = tpu.memref_slice %arg7[%get3A_441] : memref<16384xi32, #tpu.memory_space<vmem>> -> memref<2048xi32, #tpu.memory_space<vmem>>
        %get3A_443 = arith.index_cast %mul3A_440 : i32 to index
        %get3A_444 = tpu.vector_load %get3A_442[%get3A_443] {strides = array<i32>} : memref<2048xi32, #tpu.memory_space<vmem>>, vector<16xi32>,
        %gather3A_445 = tpu.vector_load_idx %arg6[%get3A_444] : memref<100000xf32, #tpu.memory_space<vmem>>[vector<16xi32>], vector<16xf32>,
        %swap3A_446 = arith.constant 0 : i32
        %swap3A_447 = tpu.memref_slice %arg8[%scan3A_155, %swap3A_446] : memref<4x2048xf32, #tpu.memory_space<vmem>> -> memref<1x2048xf32, #tpu.memory_space<vmem>>
        %swap3A_448 = tpu.memref_squeeze %swap3A_447 : memref<1x2048xf32, #tpu.memory_space<vmem>> -> memref<2048xf32, #tpu.memory_space<vmem>>
        %swap3A_449 = arith.index_cast %mul3A_440 : i32 to index
        %swap3A_450 = tpu.vector_load %swap3A_448[%swap3A_449] {strides = array<i32>} : memref<2048xf32, #tpu.memory_space<vmem>>, vector<16xf32>,
        tpu.vector_store %swap3A_448[%swap3A_449], %gather3A_445 {strides = array<i32>} : memref<2048xf32, #tpu.memory_space<vmem>>, vector<16xf32>,
        %scan3A_451 = arith.constant 0 : i32
        %scan3A_452 = arith.constant 7 : i32
        %scan3A_453 = arith.addi %scan3A_350, %scan3A_452 : i32
        %mul3A_454 = arith.constant 16 : i32
        %mul3A_455 = arith.muli %scan3A_453, %mul3A_454 : i32
        %get3A_456 = arith.constant 8192 : i32
        %get3A_457 = tpu.memref_slice %arg7[%get3A_456] : memref<16384xi32, #tpu.memory_space<vmem>> -> memref<2048xi32, #tpu.memory_space<vmem>>
        %get3A_458 = arith.index_cast %mul3A_455 : i32 to index
        %get3A_459 = tpu.vector_load %get3A_457[%get3A_458] {strides = array<i32>} : memref<2048xi32, #tpu.memory_space<vmem>>, vector<16xi32>,
        %gather3A_460 = tpu.vector_load_idx %arg6[%get3A_459] : memref<100000xf32, #tpu.memory_space<vmem>>[vector<16xi32>], vector<16xf32>,
        %swap3A_461 = arith.constant 0 : i32
        %swap3A_462 = tpu.memref_slice %arg8[%scan3A_155, %swap3A_461] : memref<4x2048xf32, #tpu.memory_space<vmem>> -> memref<1x2048xf32, #tpu.memory_space<vmem>>
        %swap3A_463 = tpu.memref_squeeze %swap3A_462 : memref<1x2048xf32, #tpu.memory_space<vmem>> -> memref<2048xf32, #tpu.memory_space<vmem>>
        %swap3A_464 = arith.index_cast %mul3A_455 : i32 to index
        %swap3A_465 = tpu.vector_load %swap3A_463[%swap3A_464] {strides = array<i32>} : memref<2048xf32, #tpu.memory_space<vmem>>, vector<16xf32>,
        tpu.vector_store %swap3A_463[%swap3A_464], %gather3A_460 {strides = array<i32>} : memref<2048xf32, #tpu.memory_space<vmem>>, vector<16xf32>,
        %scan3A_466 = arith.constant 0 : i32
        %scan3A_467 = arith.constant 8 : i32
        %scan3A_468 = arith.addi %scan3A_350, %scan3A_467 : i32
        %mul3A_469 = arith.constant 16 : i32
        %mul3A_470 = arith.muli %scan3A_468, %mul3A_469 : i32
        %get3A_471 = arith.constant 8192 : i32
        %get3A_472 = tpu.memref_slice %arg7[%get3A_471] : memref<16384xi32, #tpu.memory_space<vmem>> -> memref<2048xi32, #tpu.memory_space<vmem>>
        %get3A_473 = arith.index_cast %mul3A_470 : i32 to index
        %get3A_474 = tpu.vector_load %get3A_472[%get3A_473] {strides = array<i32>} : memref<2048xi32, #tpu.memory_space<vmem>>, vector<16xi32>,
        %gather3A_475 = tpu.vector_load_idx %arg6[%get3A_474] : memref<100000xf32, #tpu.memory_space<vmem>>[vector<16xi32>], vector<16xf32>,
        %swap3A_476 = arith.constant 0 : i32
        %swap3A_477 = tpu.memref_slice %arg8[%scan3A_155, %swap3A_476] : memref<4x2048xf32, #tpu.memory_space<vmem>> -> memref<1x2048xf32, #tpu.memory_space<vmem>>
        %swap3A_478 = tpu.memref_squeeze %swap3A_477 : memref<1x2048xf32, #tpu.memory_space<vmem>> -> memref<2048xf32, #tpu.memory_space<vmem>>
        %swap3A_479 = arith.index_cast %mul3A_470 : i32 to index
        %swap3A_480 = tpu.vector_load %swap3A_478[%swap3A_479] {strides = array<i32>} : memref<2048xf32, #tpu.memory_space<vmem>>, vector<16xf32>,
        tpu.vector_store %swap3A_478[%swap3A_479], %gather3A_475 {strides = array<i32>} : memref<2048xf32, #tpu.memory_space<vmem>>, vector<16xf32>,
        %scan3A_481 = arith.constant 0 : i32
        %scan3A_482 = arith.constant 9 : i32
        %scan3A_483 = arith.addi %scan3A_350, %scan3A_482 : i32
        %mul3A_484 = arith.constant 16 : i32
        %mul3A_485 = arith.muli %scan3A_483, %mul3A_484 : i32
        %get3A_486 = arith.constant 8192 : i32
        %get3A_487 = tpu.memref_slice %arg7[%get3A_486] : memref<16384xi32, #tpu.memory_space<vmem>> -> memref<2048xi32, #tpu.memory_space<vmem>>
        %get3A_488 = arith.index_cast %mul3A_485 : i32 to index
        %get3A_489 = tpu.vector_load %get3A_487[%get3A_488] {strides = array<i32>} : memref<2048xi32, #tpu.memory_space<vmem>>, vector<16xi32>,
        %gather3A_490 = tpu.vector_load_idx %arg6[%get3A_489] : memref<100000xf32, #tpu.memory_space<vmem>>[vector<16xi32>], vector<16xf32>,
        %swap3A_491 = arith.constant 0 : i32
        %swap3A_492 = tpu.memref_slice %arg8[%scan3A_155, %swap3A_491] : memref<4x2048xf32, #tpu.memory_space<vmem>> -> memref<1x2048xf32, #tpu.memory_space<vmem>>
        %swap3A_493 = tpu.memref_squeeze %swap3A_492 : memref<1x2048xf32, #tpu.memory_space<vmem>> -> memref<2048xf32, #tpu.memory_space<vmem>>
        %swap3A_494 = arith.index_cast %mul3A_485 : i32 to index
        %swap3A_495 = tpu.vector_load %swap3A_493[%swap3A_494] {strides = array<i32>} : memref<2048xf32, #tpu.memory_space<vmem>>, vector<16xf32>,
        tpu.vector_store %swap3A_493[%swap3A_494], %gather3A_490 {strides = array<i32>} : memref<2048xf32, #tpu.memory_space<vmem>>, vector<16xf32>,
        %scan3A_496 = arith.constant 0 : i32
        %scan3A_497 = arith.constant 10 : i32
        %scan3A_498 = arith.addi %scan3A_350, %scan3A_497 : i32
        %mul3A_499 = arith.constant 16 : i32
        %mul3A_500 = arith.muli %scan3A_498, %mul3A_499 : i32
        %get3A_501 = arith.constant 8192 : i32
        %get3A_502 = tpu.memref_slice %arg7[%get3A_501] : memref<16384xi32, #tpu.memory_space<vmem>> -> memref<2048xi32, #tpu.memory_space<vmem>>
        %get3A_503 = arith.index_cast %mul3A_500 : i32 to index
        %get3A_504 = tpu.vector_load %get3A_502[%get3A_503] {strides = array<i32>} : memref<2048xi32, #tpu.memory_space<vmem>>, vector<16xi32>,
        %gather3A_505 = tpu.vector_load_idx %arg6[%get3A_504] : memref<100000xf32, #tpu.memory_space<vmem>>[vector<16xi32>], vector<16xf32>,
        %swap3A_506 = arith.constant 0 : i32
        %swap3A_507 = tpu.memref_slice %arg8[%scan3A_155, %swap3A_506] : memref<4x2048xf32, #tpu.memory_space<vmem>> -> memref<1x2048xf32, #tpu.memory_space<vmem>>
        %swap3A_508 = tpu.memref_squeeze %swap3A_507 : memref<1x2048xf32, #tpu.memory_space<vmem>> -> memref<2048xf32, #tpu.memory_space<vmem>>
        %swap3A_509 = arith.index_cast %mul3A_500 : i32 to index
        %swap3A_510 = tpu.vector_load %swap3A_508[%swap3A_509] {strides = array<i32>} : memref<2048xf32, #tpu.memory_space<vmem>>, vector<16xf32>,
        tpu.vector_store %swap3A_508[%swap3A_509], %gather3A_505 {strides = array<i32>} : memref<2048xf32, #tpu.memory_space<vmem>>, vector<16xf32>,
        %scan3A_511 = arith.constant 0 : i32
        %scan3A_512 = arith.constant 11 : i32
        %scan3A_513 = arith.addi %scan3A_350, %scan3A_512 : i32
        %mul3A_514 = arith.constant 16 : i32
        %mul3A_515 = arith.muli %scan3A_513, %mul3A_514 : i32
        %get3A_516 = arith.constant 8192 : i32
        %get3A_517 = tpu.memref_slice %arg7[%get3A_516] : memref<16384xi32, #tpu.memory_space<vmem>> -> memref<2048xi32, #tpu.memory_space<vmem>>
        %get3A_518 = arith.index_cast %mul3A_515 : i32 to index
        %get3A_519 = tpu.vector_load %get3A_517[%get3A_518] {strides = array<i32>} : memref<2048xi32, #tpu.memory_space<vmem>>, vector<16xi32>,
        %gather3A_520 = tpu.vector_load_idx %arg6[%get3A_519] : memref<100000xf32, #tpu.memory_space<vmem>>[vector<16xi32>], vector<16xf32>,
        %swap3A_521 = arith.constant 0 : i32
        %swap3A_522 = tpu.memref_slice %arg8[%scan3A_155, %swap3A_521] : memref<4x2048xf32, #tpu.memory_space<vmem>> -> memref<1x2048xf32, #tpu.memory_space<vmem>>
        %swap3A_523 = tpu.memref_squeeze %swap3A_522 : memref<1x2048xf32, #tpu.memory_space<vmem>> -> memref<2048xf32, #tpu.memory_space<vmem>>
        %swap3A_524 = arith.index_cast %mul3A_515 : i32 to index
        %swap3A_525 = tpu.vector_load %swap3A_523[%swap3A_524] {strides = array<i32>} : memref<2048xf32, #tpu.memory_space<vmem>>, vector<16xf32>,
        tpu.vector_store %swap3A_523[%swap3A_524], %gather3A_520 {strides = array<i32>} : memref<2048xf32, #tpu.memory_space<vmem>>, vector<16xf32>,
        %scan3A_526 = arith.constant 0 : i32
        %scan3A_527 = arith.constant 12 : i32
        %scan3A_528 = arith.addi %scan3A_350, %scan3A_527 : i32
        %mul3A_529 = arith.constant 16 : i32
        %mul3A_530 = arith.muli %scan3A_528, %mul3A_529 : i32
        %get3A_531 = arith.constant 8192 : i32
        %get3A_532 = tpu.memref_slice %arg7[%get3A_531] : memref<16384xi32, #tpu.memory_space<vmem>> -> memref<2048xi32, #tpu.memory_space<vmem>>
        %get3A_533 = arith.index_cast %mul3A_530 : i32 to index
        %get3A_534 = tpu.vector_load %get3A_532[%get3A_533] {strides = array<i32>} : memref<2048xi32, #tpu.memory_space<vmem>>, vector<16xi32>,
        %gather3A_535 = tpu.vector_load_idx %arg6[%get3A_534] : memref<100000xf32, #tpu.memory_space<vmem>>[vector<16xi32>], vector<16xf32>,
        %swap3A_536 = arith.constant 0 : i32
        %swap3A_537 = tpu.memref_slice %arg8[%scan3A_155, %swap3A_536] : memref<4x2048xf32, #tpu.memory_space<vmem>> -> memref<1x2048xf32, #tpu.memory_space<vmem>>
        %swap3A_538 = tpu.memref_squeeze %swap3A_537 : memref<1x2048xf32, #tpu.memory_space<vmem>> -> memref<2048xf32, #tpu.memory_space<vmem>>
        %swap3A_539 = arith.index_cast %mul3A_530 : i32 to index
        %swap3A_540 = tpu.vector_load %swap3A_538[%swap3A_539] {strides = array<i32>} : memref<2048xf32, #tpu.memory_space<vmem>>, vector<16xf32>,
        tpu.vector_store %swap3A_538[%swap3A_539], %gather3A_535 {strides = array<i32>} : memref<2048xf32, #tpu.memory_space<vmem>>, vector<16xf32>,
        %scan3A_541 = arith.constant 0 : i32
        %scan3A_542 = arith.constant 13 : i32
        %scan3A_543 = arith.addi %scan3A_350, %scan3A_542 : i32
        %mul3A_544 = arith.constant 16 : i32
        %mul3A_545 = arith.muli %scan3A_543, %mul3A_544 : i32
        %get3A_546 = arith.constant 8192 : i32
        %get3A_547 = tpu.memref_slice %arg7[%get3A_546] : memref<16384xi32, #tpu.memory_space<vmem>> -> memref<2048xi32, #tpu.memory_space<vmem>>
        %get3A_548 = arith.index_cast %mul3A_545 : i32 to index
        %get3A_549 = tpu.vector_load %get3A_547[%get3A_548] {strides = array<i32>} : memref<2048xi32, #tpu.memory_space<vmem>>, vector<16xi32>,
        %gather3A_550 = tpu.vector_load_idx %arg6[%get3A_549] : memref<100000xf32, #tpu.memory_space<vmem>>[vector<16xi32>], vector<16xf32>,
        %swap3A_551 = arith.constant 0 : i32
        %swap3A_552 = tpu.memref_slice %arg8[%scan3A_155, %swap3A_551] : memref<4x2048xf32, #tpu.memory_space<vmem>> -> memref<1x2048xf32, #tpu.memory_space<vmem>>
        %swap3A_553 = tpu.memref_squeeze %swap3A_552 : memref<1x2048xf32, #tpu.memory_space<vmem>> -> memref<2048xf32, #tpu.memory_space<vmem>>
        %swap3A_554 = arith.index_cast %mul3A_545 : i32 to index
        %swap3A_555 = tpu.vector_load %swap3A_553[%swap3A_554] {strides = array<i32>} : memref<2048xf32, #tpu.memory_space<vmem>>, vector<16xf32>,
        tpu.vector_store %swap3A_553[%swap3A_554], %gather3A_550 {strides = array<i32>} : memref<2048xf32, #tpu.memory_space<vmem>>, vector<16xf32>,
        %scan3A_556 = arith.constant 0 : i32
        %scan3A_557 = arith.constant 14 : i32
        %scan3A_558 = arith.addi %scan3A_350, %scan3A_557 : i32
        %mul3A_559 = arith.constant 16 : i32
        %mul3A_560 = arith.muli %scan3A_558, %mul3A_559 : i32
        %get3A_561 = arith.constant 8192 : i32
        %get3A_562 = tpu.memref_slice %arg7[%get3A_561] : memref<16384xi32, #tpu.memory_space<vmem>> -> memref<2048xi32, #tpu.memory_space<vmem>>
        %get3A_563 = arith.index_cast %mul3A_560 : i32 to index
        %get3A_564 = tpu.vector_load %get3A_562[%get3A_563] {strides = array<i32>} : memref<2048xi32, #tpu.memory_space<vmem>>, vector<16xi32>,
        %gather3A_565 = tpu.vector_load_idx %arg6[%get3A_564] : memref<100000xf32, #tpu.memory_space<vmem>>[vector<16xi32>], vector<16xf32>,
        %swap3A_566 = arith.constant 0 : i32
        %swap3A_567 = tpu.memref_slice %arg8[%scan3A_155, %swap3A_566] : memref<4x2048xf32, #tpu.memory_space<vmem>> -> memref<1x2048xf32, #tpu.memory_space<vmem>>
        %swap3A_568 = tpu.memref_squeeze %swap3A_567 : memref<1x2048xf32, #tpu.memory_space<vmem>> -> memref<2048xf32, #tpu.memory_space<vmem>>
        %swap3A_569 = arith.index_cast %mul3A_560 : i32 to index
        %swap3A_570 = tpu.vector_load %swap3A_568[%swap3A_569] {strides = array<i32>} : memref<2048xf32, #tpu.memory_space<vmem>>, vector<16xf32>,
        tpu.vector_store %swap3A_568[%swap3A_569], %gather3A_565 {strides = array<i32>} : memref<2048xf32, #tpu.memory_space<vmem>>, vector<16xf32>,
        %scan3A_571 = arith.constant 0 : i32
        %scan3A_572 = arith.constant 15 : i32
        %scan3A_573 = arith.addi %scan3A_350, %scan3A_572 : i32
        %mul3A_574 = arith.constant 16 : i32
        %mul3A_575 = arith.muli %scan3A_573, %mul3A_574 : i32
        %get3A_576 = arith.constant 8192 : i32
        %get3A_577 = tpu.memref_slice %arg7[%get3A_576] : memref<16384xi32, #tpu.memory_space<vmem>> -> memref<2048xi32, #tpu.memory_space<vmem>>
        %get3A_578 = arith.index_cast %mul3A_575 : i32 to index
        %get3A_579 = tpu.vector_load %get3A_577[%get3A_578] {strides = array<i32>} : memref<2048xi32, #tpu.memory_space<vmem>>, vector<16xi32>,
        %gather3A_580 = tpu.vector_load_idx %arg6[%get3A_579] : memref<100000xf32, #tpu.memory_space<vmem>>[vector<16xi32>], vector<16xf32>,
        %swap3A_581 = arith.constant 0 : i32
        %swap3A_582 = tpu.memref_slice %arg8[%scan3A_155, %swap3A_581] : memref<4x2048xf32, #tpu.memory_space<vmem>> -> memref<1x2048xf32, #tpu.memory_space<vmem>>
        %swap3A_583 = tpu.memref_squeeze %swap3A_582 : memref<1x2048xf32, #tpu.memory_space<vmem>> -> memref<2048xf32, #tpu.memory_space<vmem>>
        %swap3A_584 = arith.index_cast %mul3A_575 : i32 to index
        %swap3A_585 = tpu.vector_load %swap3A_583[%swap3A_584] {strides = array<i32>} : memref<2048xf32, #tpu.memory_space<vmem>>, vector<16xf32>,
        tpu.vector_store %swap3A_583[%swap3A_584], %gather3A_580 {strides = array<i32>} : memref<2048xf32, #tpu.memory_space<vmem>>, vector<16xf32>,
        %scan3A_586 = arith.constant 0 : i32
        scf.yield %scan3A_586 : i32
      }
      %scan3A_162 = arith.constant 128 : i32
      %add3A_163 = arith.constant 13 : i32
      %add3A_164 = arith.addi %add3A_163, %add3A_23 : i32
      %dma_start3A_165 = arith.constant 0 : i32
      %dma_start3A_166 = arith.constant 0 : i32
      %dma_start3A_167 = tpu.memref_slice %arg8[%dma_start3A_165, %dma_start3A_166] : memref<4x2048xf32, #tpu.memory_space<vmem>> -> memref<1x2048xf32, #tpu.memory_space<vmem>>
      %dma_start3A_168 = tpu.memref_squeeze %dma_start3A_167 : memref<1x2048xf32, #tpu.memory_space<vmem>> -> memref<2048xf32, #tpu.memory_space<vmem>>
      %dma_start3A_169 = arith.constant 8192 : i32
      %dma_start3A_170 = tpu.memref_slice %arg5[%add3A_164, %dma_start3A_169] : memref<429x16384xf32, #tpu.memory_space<hbm>> -> memref<1x2048xf32, #tpu.memory_space<hbm>>
      %dma_start3A_171 = tpu.memref_squeeze %dma_start3A_170 : memref<1x2048xf32, #tpu.memory_space<hbm>> -> memref<2048xf32, #tpu.memory_space<hbm>>
      %dma_start3A_172 = arith.constant 8192 : i32
      %dma_start3A_173 = tpu.memref_slice %arg5[%add3A_164, %dma_start3A_172] : memref<429x16384xf32, #tpu.memory_space<hbm>> -> memref<1x2048xf32, #tpu.memory_space<hbm>>
      %dma_start3A_174 = tpu.memref_squeeze %dma_start3A_173 : memref<1x2048xf32, #tpu.memory_space<hbm>> -> memref<2048xf32, #tpu.memory_space<hbm>>
      %dma_start3A_175 = arith.constant 0 : i32
      %dma_start3A_176 = tpu.memref_slice %arg8[%dma_start3A_165, %dma_start3A_175] : memref<4x2048xf32, #tpu.memory_space<vmem>> -> memref<1x2048xf32, #tpu.memory_space<vmem>>
      %dma_start3A_177 = tpu.memref_squeeze %dma_start3A_176 : memref<1x2048xf32, #tpu.memory_space<vmem>> -> memref<2048xf32, #tpu.memory_space<vmem>>
      tpu.enqueue_dma source(%dma_start3A_177 : memref<2048xf32, #tpu.memory_space<vmem>>) target(%dma_start3A_174 : memref<2048xf32, #tpu.memory_space<hbm>>) target_semaphore(%arg10 : memref<!tpu.dma_semaphore, #tpu.memory_space<semaphore_mem>>)
      %dma_wait3A_178 = arith.constant 1 : i32
      %dma_wait3A_179 = arith.constant 0 : i32
      %dma_wait3A_180 = arith.constant 0 : i32
      %dma_wait3A_181 = tpu.memref_slice %arg8[%dma_wait3A_178, %dma_wait3A_180] : memref<4x2048xf32, #tpu.memory_space<vmem>> -> memref<1x2048xf32, #tpu.memory_space<vmem>>
      %dma_wait3A_182 = tpu.memref_squeeze %dma_wait3A_181 : memref<1x2048xf32, #tpu.memory_space<vmem>> -> memref<2048xf32, #tpu.memory_space<vmem>>
      %dma_wait3A_183 = arith.constant 0 : i32
      %dma_wait3A_184 = tpu.memref_slice %arg5[%dma_wait3A_179, %dma_wait3A_183] : memref<429x16384xf32, #tpu.memory_space<hbm>> -> memref<1x2048xf32, #tpu.memory_space<hbm>>
      %dma_wait3A_185 = tpu.memref_squeeze %dma_wait3A_184 : memref<1x2048xf32, #tpu.memory_space<hbm>> -> memref<2048xf32, #tpu.memory_space<hbm>>
      %dma_wait3A_186 = arith.constant 0 : i32
      %dma_wait3A_187 = tpu.memref_slice %arg5[%dma_wait3A_179, %dma_wait3A_186] : memref<429x16384xf32, #tpu.memory_space<hbm>> -> memref<1x2048xf32, #tpu.memory_space<hbm>>
      %dma_wait3A_188 = tpu.memref_squeeze %dma_wait3A_187 : memref<1x2048xf32, #tpu.memory_space<hbm>> -> memref<2048xf32, #tpu.memory_space<hbm>>
      %dma_wait3A_189 = arith.constant 0 : i32
      %dma_wait3A_190 = tpu.memref_slice %arg8[%dma_wait3A_178, %dma_wait3A_189] : memref<4x2048xf32, #tpu.memory_space<vmem>> -> memref<1x2048xf32, #tpu.memory_space<vmem>>
      %dma_wait3A_191 = tpu.memref_squeeze %dma_wait3A_190 : memref<1x2048xf32, #tpu.memory_space<vmem>> -> memref<2048xf32, #tpu.memory_space<vmem>>
      tpu.wait_dma2 semaphore(%arg10 : memref<!tpu.dma_semaphore, #tpu.memory_space<semaphore_mem>>) src(%dma_wait3A_191 : memref<2048xf32, #tpu.memory_space<vmem>>) dst(%dma_wait3A_188 : memref<2048xf32, #tpu.memory_space<hbm>>)
      %scan3A_192 = arith.constant 1 : i32
      %scan3A_193 = arith.constant 0 : i32
      %scan3A_194 = arith.constant 0 : i32
      %scan3A_195 = arith.constant 128 : i32
      %scan3A_196 = arith.addi %scan3A_194, %scan3A_195 : i32
      %scan3A_197 = arith.constant 16 : i32
      %scan3A_198 = scf.for %scan3A_350 = %scan3A_194 to %scan3A_196 step %scan3A_197 iter_args(%scan3A_351 = %scan3A_193) -> (i32)  : i32 {
        %mul3A_352 = arith.constant 16 : i32
        %mul3A_353 = arith.muli %scan3A_350, %mul3A_352 : i32
        %get3A = arith.constant 10240 : i32
        %get3A_354 = tpu.memref_slice %arg7[%get3A] : memref<16384xi32, #tpu.memory_space<vmem>> -> memref<2048xi32, #tpu.memory_space<vmem>>
        %get3A_355 = arith.index_cast %mul3A_353 : i32 to index
        %get3A_356 = tpu.vector_load %get3A_354[%get3A_355] {strides = array<i32>} : memref<2048xi32, #tpu.memory_space<vmem>>, vector<16xi32>,
        %gather3A = tpu.vector_load_idx %arg6[%get3A_356] : memref<100000xf32, #tpu.memory_space<vmem>>[vector<16xi32>], vector<16xf32>,
        %swap3A = arith.constant 0 : i32
        %swap3A_357 = tpu.memref_slice %arg8[%scan3A_192, %swap3A] : memref<4x2048xf32, #tpu.memory_space<vmem>> -> memref<1x2048xf32, #tpu.memory_space<vmem>>
        %swap3A_358 = tpu.memref_squeeze %swap3A_357 : memref<1x2048xf32, #tpu.memory_space<vmem>> -> memref<2048xf32, #tpu.memory_space<vmem>>
        %swap3A_359 = arith.index_cast %mul3A_353 : i32 to index
        %swap3A_360 = tpu.vector_load %swap3A_358[%swap3A_359] {strides = array<i32>} : memref<2048xf32, #tpu.memory_space<vmem>>, vector<16xf32>,
        tpu.vector_store %swap3A_358[%swap3A_359], %gather3A {strides = array<i32>} : memref<2048xf32, #tpu.memory_space<vmem>>, vector<16xf32>,
        %scan3A_361 = arith.constant 0 : i32
        %scan3A_362 = arith.constant 1 : i32
        %scan3A_363 = arith.addi %scan3A_350, %scan3A_362 : i32
        %mul3A_364 = arith.constant 16 : i32
        %mul3A_365 = arith.muli %scan3A_363, %mul3A_364 : i32
        %get3A_366 = arith.constant 10240 : i32
        %get3A_367 = tpu.memref_slice %arg7[%get3A_366] : memref<16384xi32, #tpu.memory_space<vmem>> -> memref<2048xi32, #tpu.memory_space<vmem>>
        %get3A_368 = arith.index_cast %mul3A_365 : i32 to index
        %get3A_369 = tpu.vector_load %get3A_367[%get3A_368] {strides = array<i32>} : memref<2048xi32, #tpu.memory_space<vmem>>, vector<16xi32>,
        %gather3A_370 = tpu.vector_load_idx %arg6[%get3A_369] : memref<100000xf32, #tpu.memory_space<vmem>>[vector<16xi32>], vector<16xf32>,
        %swap3A_371 = arith.constant 0 : i32
        %swap3A_372 = tpu.memref_slice %arg8[%scan3A_192, %swap3A_371] : memref<4x2048xf32, #tpu.memory_space<vmem>> -> memref<1x2048xf32, #tpu.memory_space<vmem>>
        %swap3A_373 = tpu.memref_squeeze %swap3A_372 : memref<1x2048xf32, #tpu.memory_space<vmem>> -> memref<2048xf32, #tpu.memory_space<vmem>>
        %swap3A_374 = arith.index_cast %mul3A_365 : i32 to index
        %swap3A_375 = tpu.vector_load %swap3A_373[%swap3A_374] {strides = array<i32>} : memref<2048xf32, #tpu.memory_space<vmem>>, vector<16xf32>,
        tpu.vector_store %swap3A_373[%swap3A_374], %gather3A_370 {strides = array<i32>} : memref<2048xf32, #tpu.memory_space<vmem>>, vector<16xf32>,
        %scan3A_376 = arith.constant 0 : i32
        %scan3A_377 = arith.constant 2 : i32
        %scan3A_378 = arith.addi %scan3A_350, %scan3A_377 : i32
        %mul3A_379 = arith.constant 16 : i32
        %mul3A_380 = arith.muli %scan3A_378, %mul3A_379 : i32
        %get3A_381 = arith.constant 10240 : i32
        %get3A_382 = tpu.memref_slice %arg7[%get3A_381] : memref<16384xi32, #tpu.memory_space<vmem>> -> memref<2048xi32, #tpu.memory_space<vmem>>
        %get3A_383 = arith.index_cast %mul3A_380 : i32 to index
        %get3A_384 = tpu.vector_load %get3A_382[%get3A_383] {strides = array<i32>} : memref<2048xi32, #tpu.memory_space<vmem>>, vector<16xi32>,
        %gather3A_385 = tpu.vector_load_idx %arg6[%get3A_384] : memref<100000xf32, #tpu.memory_space<vmem>>[vector<16xi32>], vector<16xf32>,
        %swap3A_386 = arith.constant 0 : i32
        %swap3A_387 = tpu.memref_slice %arg8[%scan3A_192, %swap3A_386] : memref<4x2048xf32, #tpu.memory_space<vmem>> -> memref<1x2048xf32, #tpu.memory_space<vmem>>
        %swap3A_388 = tpu.memref_squeeze %swap3A_387 : memref<1x2048xf32, #tpu.memory_space<vmem>> -> memref<2048xf32, #tpu.memory_space<vmem>>
        %swap3A_389 = arith.index_cast %mul3A_380 : i32 to index
        %swap3A_390 = tpu.vector_load %swap3A_388[%swap3A_389] {strides = array<i32>} : memref<2048xf32, #tpu.memory_space<vmem>>, vector<16xf32>,
        tpu.vector_store %swap3A_388[%swap3A_389], %gather3A_385 {strides = array<i32>} : memref<2048xf32, #tpu.memory_space<vmem>>, vector<16xf32>,
        %scan3A_391 = arith.constant 0 : i32
        %scan3A_392 = arith.constant 3 : i32
        %scan3A_393 = arith.addi %scan3A_350, %scan3A_392 : i32
        %mul3A_394 = arith.constant 16 : i32
        %mul3A_395 = arith.muli %scan3A_393, %mul3A_394 : i32
        %get3A_396 = arith.constant 10240 : i32
        %get3A_397 = tpu.memref_slice %arg7[%get3A_396] : memref<16384xi32, #tpu.memory_space<vmem>> -> memref<2048xi32, #tpu.memory_space<vmem>>
        %get3A_398 = arith.index_cast %mul3A_395 : i32 to index
        %get3A_399 = tpu.vector_load %get3A_397[%get3A_398] {strides = array<i32>} : memref<2048xi32, #tpu.memory_space<vmem>>, vector<16xi32>,
        %gather3A_400 = tpu.vector_load_idx %arg6[%get3A_399] : memref<100000xf32, #tpu.memory_space<vmem>>[vector<16xi32>], vector<16xf32>,
        %swap3A_401 = arith.constant 0 : i32
        %swap3A_402 = tpu.memref_slice %arg8[%scan3A_192, %swap3A_401] : memref<4x2048xf32, #tpu.memory_space<vmem>> -> memref<1x2048xf32, #tpu.memory_space<vmem>>
        %swap3A_403 = tpu.memref_squeeze %swap3A_402 : memref<1x2048xf32, #tpu.memory_space<vmem>> -> memref<2048xf32, #tpu.memory_space<vmem>>
        %swap3A_404 = arith.index_cast %mul3A_395 : i32 to index
        %swap3A_405 = tpu.vector_load %swap3A_403[%swap3A_404] {strides = array<i32>} : memref<2048xf32, #tpu.memory_space<vmem>>, vector<16xf32>,
        tpu.vector_store %swap3A_403[%swap3A_404], %gather3A_400 {strides = array<i32>} : memref<2048xf32, #tpu.memory_space<vmem>>, vector<16xf32>,
        %scan3A_406 = arith.constant 0 : i32
        %scan3A_407 = arith.constant 4 : i32
        %scan3A_408 = arith.addi %scan3A_350, %scan3A_407 : i32
        %mul3A_409 = arith.constant 16 : i32
        %mul3A_410 = arith.muli %scan3A_408, %mul3A_409 : i32
        %get3A_411 = arith.constant 10240 : i32
        %get3A_412 = tpu.memref_slice %arg7[%get3A_411] : memref<16384xi32, #tpu.memory_space<vmem>> -> memref<2048xi32, #tpu.memory_space<vmem>>
        %get3A_413 = arith.index_cast %mul3A_410 : i32 to index
        %get3A_414 = tpu.vector_load %get3A_412[%get3A_413] {strides = array<i32>} : memref<2048xi32, #tpu.memory_space<vmem>>, vector<16xi32>,
        %gather3A_415 = tpu.vector_load_idx %arg6[%get3A_414] : memref<100000xf32, #tpu.memory_space<vmem>>[vector<16xi32>], vector<16xf32>,
        %swap3A_416 = arith.constant 0 : i32
        %swap3A_417 = tpu.memref_slice %arg8[%scan3A_192, %swap3A_416] : memref<4x2048xf32, #tpu.memory_space<vmem>> -> memref<1x2048xf32, #tpu.memory_space<vmem>>
        %swap3A_418 = tpu.memref_squeeze %swap3A_417 : memref<1x2048xf32, #tpu.memory_space<vmem>> -> memref<2048xf32, #tpu.memory_space<vmem>>
        %swap3A_419 = arith.index_cast %mul3A_410 : i32 to index
        %swap3A_420 = tpu.vector_load %swap3A_418[%swap3A_419] {strides = array<i32>} : memref<2048xf32, #tpu.memory_space<vmem>>, vector<16xf32>,
        tpu.vector_store %swap3A_418[%swap3A_419], %gather3A_415 {strides = array<i32>} : memref<2048xf32, #tpu.memory_space<vmem>>, vector<16xf32>,
        %scan3A_421 = arith.constant 0 : i32
        %scan3A_422 = arith.constant 5 : i32
        %scan3A_423 = arith.addi %scan3A_350, %scan3A_422 : i32
        %mul3A_424 = arith.constant 16 : i32
        %mul3A_425 = arith.muli %scan3A_423, %mul3A_424 : i32
        %get3A_426 = arith.constant 10240 : i32
        %get3A_427 = tpu.memref_slice %arg7[%get3A_426] : memref<16384xi32, #tpu.memory_space<vmem>> -> memref<2048xi32, #tpu.memory_space<vmem>>
        %get3A_428 = arith.index_cast %mul3A_425 : i32 to index
        %get3A_429 = tpu.vector_load %get3A_427[%get3A_428] {strides = array<i32>} : memref<2048xi32, #tpu.memory_space<vmem>>, vector<16xi32>,
        %gather3A_430 = tpu.vector_load_idx %arg6[%get3A_429] : memref<100000xf32, #tpu.memory_space<vmem>>[vector<16xi32>], vector<16xf32>,
        %swap3A_431 = arith.constant 0 : i32
        %swap3A_432 = tpu.memref_slice %arg8[%scan3A_192, %swap3A_431] : memref<4x2048xf32, #tpu.memory_space<vmem>> -> memref<1x2048xf32, #tpu.memory_space<vmem>>
        %swap3A_433 = tpu.memref_squeeze %swap3A_432 : memref<1x2048xf32, #tpu.memory_space<vmem>> -> memref<2048xf32, #tpu.memory_space<vmem>>
        %swap3A_434 = arith.index_cast %mul3A_425 : i32 to index
        %swap3A_435 = tpu.vector_load %swap3A_433[%swap3A_434] {strides = array<i32>} : memref<2048xf32, #tpu.memory_space<vmem>>, vector<16xf32>,
        tpu.vector_store %swap3A_433[%swap3A_434], %gather3A_430 {strides = array<i32>} : memref<2048xf32, #tpu.memory_space<vmem>>, vector<16xf32>,
        %scan3A_436 = arith.constant 0 : i32
        %scan3A_437 = arith.constant 6 : i32
        %scan3A_438 = arith.addi %scan3A_350, %scan3A_437 : i32
        %mul3A_439 = arith.constant 16 : i32
        %mul3A_440 = arith.muli %scan3A_438, %mul3A_439 : i32
        %get3A_441 = arith.constant 10240 : i32
        %get3A_442 = tpu.memref_slice %arg7[%get3A_441] : memref<16384xi32, #tpu.memory_space<vmem>> -> memref<2048xi32, #tpu.memory_space<vmem>>
        %get3A_443 = arith.index_cast %mul3A_440 : i32 to index
        %get3A_444 = tpu.vector_load %get3A_442[%get3A_443] {strides = array<i32>} : memref<2048xi32, #tpu.memory_space<vmem>>, vector<16xi32>,
        %gather3A_445 = tpu.vector_load_idx %arg6[%get3A_444] : memref<100000xf32, #tpu.memory_space<vmem>>[vector<16xi32>], vector<16xf32>,
        %swap3A_446 = arith.constant 0 : i32
        %swap3A_447 = tpu.memref_slice %arg8[%scan3A_192, %swap3A_446] : memref<4x2048xf32, #tpu.memory_space<vmem>> -> memref<1x2048xf32, #tpu.memory_space<vmem>>
        %swap3A_448 = tpu.memref_squeeze %swap3A_447 : memref<1x2048xf32, #tpu.memory_space<vmem>> -> memref<2048xf32, #tpu.memory_space<vmem>>
        %swap3A_449 = arith.index_cast %mul3A_440 : i32 to index
        %swap3A_450 = tpu.vector_load %swap3A_448[%swap3A_449] {strides = array<i32>} : memref<2048xf32, #tpu.memory_space<vmem>>, vector<16xf32>,
        tpu.vector_store %swap3A_448[%swap3A_449], %gather3A_445 {strides = array<i32>} : memref<2048xf32, #tpu.memory_space<vmem>>, vector<16xf32>,
        %scan3A_451 = arith.constant 0 : i32
        %scan3A_452 = arith.constant 7 : i32
        %scan3A_453 = arith.addi %scan3A_350, %scan3A_452 : i32
        %mul3A_454 = arith.constant 16 : i32
        %mul3A_455 = arith.muli %scan3A_453, %mul3A_454 : i32
        %get3A_456 = arith.constant 10240 : i32
        %get3A_457 = tpu.memref_slice %arg7[%get3A_456] : memref<16384xi32, #tpu.memory_space<vmem>> -> memref<2048xi32, #tpu.memory_space<vmem>>
        %get3A_458 = arith.index_cast %mul3A_455 : i32 to index
        %get3A_459 = tpu.vector_load %get3A_457[%get3A_458] {strides = array<i32>} : memref<2048xi32, #tpu.memory_space<vmem>>, vector<16xi32>,
        %gather3A_460 = tpu.vector_load_idx %arg6[%get3A_459] : memref<100000xf32, #tpu.memory_space<vmem>>[vector<16xi32>], vector<16xf32>,
        %swap3A_461 = arith.constant 0 : i32
        %swap3A_462 = tpu.memref_slice %arg8[%scan3A_192, %swap3A_461] : memref<4x2048xf32, #tpu.memory_space<vmem>> -> memref<1x2048xf32, #tpu.memory_space<vmem>>
        %swap3A_463 = tpu.memref_squeeze %swap3A_462 : memref<1x2048xf32, #tpu.memory_space<vmem>> -> memref<2048xf32, #tpu.memory_space<vmem>>
        %swap3A_464 = arith.index_cast %mul3A_455 : i32 to index
        %swap3A_465 = tpu.vector_load %swap3A_463[%swap3A_464] {strides = array<i32>} : memref<2048xf32, #tpu.memory_space<vmem>>, vector<16xf32>,
        tpu.vector_store %swap3A_463[%swap3A_464], %gather3A_460 {strides = array<i32>} : memref<2048xf32, #tpu.memory_space<vmem>>, vector<16xf32>,
        %scan3A_466 = arith.constant 0 : i32
        %scan3A_467 = arith.constant 8 : i32
        %scan3A_468 = arith.addi %scan3A_350, %scan3A_467 : i32
        %mul3A_469 = arith.constant 16 : i32
        %mul3A_470 = arith.muli %scan3A_468, %mul3A_469 : i32
        %get3A_471 = arith.constant 10240 : i32
        %get3A_472 = tpu.memref_slice %arg7[%get3A_471] : memref<16384xi32, #tpu.memory_space<vmem>> -> memref<2048xi32, #tpu.memory_space<vmem>>
        %get3A_473 = arith.index_cast %mul3A_470 : i32 to index
        %get3A_474 = tpu.vector_load %get3A_472[%get3A_473] {strides = array<i32>} : memref<2048xi32, #tpu.memory_space<vmem>>, vector<16xi32>,
        %gather3A_475 = tpu.vector_load_idx %arg6[%get3A_474] : memref<100000xf32, #tpu.memory_space<vmem>>[vector<16xi32>], vector<16xf32>,
        %swap3A_476 = arith.constant 0 : i32
        %swap3A_477 = tpu.memref_slice %arg8[%scan3A_192, %swap3A_476] : memref<4x2048xf32, #tpu.memory_space<vmem>> -> memref<1x2048xf32, #tpu.memory_space<vmem>>
        %swap3A_478 = tpu.memref_squeeze %swap3A_477 : memref<1x2048xf32, #tpu.memory_space<vmem>> -> memref<2048xf32, #tpu.memory_space<vmem>>
        %swap3A_479 = arith.index_cast %mul3A_470 : i32 to index
        %swap3A_480 = tpu.vector_load %swap3A_478[%swap3A_479] {strides = array<i32>} : memref<2048xf32, #tpu.memory_space<vmem>>, vector<16xf32>,
        tpu.vector_store %swap3A_478[%swap3A_479], %gather3A_475 {strides = array<i32>} : memref<2048xf32, #tpu.memory_space<vmem>>, vector<16xf32>,
        %scan3A_481 = arith.constant 0 : i32
        %scan3A_482 = arith.constant 9 : i32
        %scan3A_483 = arith.addi %scan3A_350, %scan3A_482 : i32
        %mul3A_484 = arith.constant 16 : i32
        %mul3A_485 = arith.muli %scan3A_483, %mul3A_484 : i32
        %get3A_486 = arith.constant 10240 : i32
        %get3A_487 = tpu.memref_slice %arg7[%get3A_486] : memref<16384xi32, #tpu.memory_space<vmem>> -> memref<2048xi32, #tpu.memory_space<vmem>>
        %get3A_488 = arith.index_cast %mul3A_485 : i32 to index
        %get3A_489 = tpu.vector_load %get3A_487[%get3A_488] {strides = array<i32>} : memref<2048xi32, #tpu.memory_space<vmem>>, vector<16xi32>,
        %gather3A_490 = tpu.vector_load_idx %arg6[%get3A_489] : memref<100000xf32, #tpu.memory_space<vmem>>[vector<16xi32>], vector<16xf32>,
        %swap3A_491 = arith.constant 0 : i32
        %swap3A_492 = tpu.memref_slice %arg8[%scan3A_192, %swap3A_491] : memref<4x2048xf32, #tpu.memory_space<vmem>> -> memref<1x2048xf32, #tpu.memory_space<vmem>>
        %swap3A_493 = tpu.memref_squeeze %swap3A_492 : memref<1x2048xf32, #tpu.memory_space<vmem>> -> memref<2048xf32, #tpu.memory_space<vmem>>
        %swap3A_494 = arith.index_cast %mul3A_485 : i32 to index
        %swap3A_495 = tpu.vector_load %swap3A_493[%swap3A_494] {strides = array<i32>} : memref<2048xf32, #tpu.memory_space<vmem>>, vector<16xf32>,
        tpu.vector_store %swap3A_493[%swap3A_494], %gather3A_490 {strides = array<i32>} : memref<2048xf32, #tpu.memory_space<vmem>>, vector<16xf32>,
        %scan3A_496 = arith.constant 0 : i32
        %scan3A_497 = arith.constant 10 : i32
        %scan3A_498 = arith.addi %scan3A_350, %scan3A_497 : i32
        %mul3A_499 = arith.constant 16 : i32
        %mul3A_500 = arith.muli %scan3A_498, %mul3A_499 : i32
        %get3A_501 = arith.constant 10240 : i32
        %get3A_502 = tpu.memref_slice %arg7[%get3A_501] : memref<16384xi32, #tpu.memory_space<vmem>> -> memref<2048xi32, #tpu.memory_space<vmem>>
        %get3A_503 = arith.index_cast %mul3A_500 : i32 to index
        %get3A_504 = tpu.vector_load %get3A_502[%get3A_503] {strides = array<i32>} : memref<2048xi32, #tpu.memory_space<vmem>>, vector<16xi32>,
        %gather3A_505 = tpu.vector_load_idx %arg6[%get3A_504] : memref<100000xf32, #tpu.memory_space<vmem>>[vector<16xi32>], vector<16xf32>,
        %swap3A_506 = arith.constant 0 : i32
        %swap3A_507 = tpu.memref_slice %arg8[%scan3A_192, %swap3A_506] : memref<4x2048xf32, #tpu.memory_space<vmem>> -> memref<1x2048xf32, #tpu.memory_space<vmem>>
        %swap3A_508 = tpu.memref_squeeze %swap3A_507 : memref<1x2048xf32, #tpu.memory_space<vmem>> -> memref<2048xf32, #tpu.memory_space<vmem>>
        %swap3A_509 = arith.index_cast %mul3A_500 : i32 to index
        %swap3A_510 = tpu.vector_load %swap3A_508[%swap3A_509] {strides = array<i32>} : memref<2048xf32, #tpu.memory_space<vmem>>, vector<16xf32>,
        tpu.vector_store %swap3A_508[%swap3A_509], %gather3A_505 {strides = array<i32>} : memref<2048xf32, #tpu.memory_space<vmem>>, vector<16xf32>,
        %scan3A_511 = arith.constant 0 : i32
        %scan3A_512 = arith.constant 11 : i32
        %scan3A_513 = arith.addi %scan3A_350, %scan3A_512 : i32
        %mul3A_514 = arith.constant 16 : i32
        %mul3A_515 = arith.muli %scan3A_513, %mul3A_514 : i32
        %get3A_516 = arith.constant 10240 : i32
        %get3A_517 = tpu.memref_slice %arg7[%get3A_516] : memref<16384xi32, #tpu.memory_space<vmem>> -> memref<2048xi32, #tpu.memory_space<vmem>>
        %get3A_518 = arith.index_cast %mul3A_515 : i32 to index
        %get3A_519 = tpu.vector_load %get3A_517[%get3A_518] {strides = array<i32>} : memref<2048xi32, #tpu.memory_space<vmem>>, vector<16xi32>,
        %gather3A_520 = tpu.vector_load_idx %arg6[%get3A_519] : memref<100000xf32, #tpu.memory_space<vmem>>[vector<16xi32>], vector<16xf32>,
        %swap3A_521 = arith.constant 0 : i32
        %swap3A_522 = tpu.memref_slice %arg8[%scan3A_192, %swap3A_521] : memref<4x2048xf32, #tpu.memory_space<vmem>> -> memref<1x2048xf32, #tpu.memory_space<vmem>>
        %swap3A_523 = tpu.memref_squeeze %swap3A_522 : memref<1x2048xf32, #tpu.memory_space<vmem>> -> memref<2048xf32, #tpu.memory_space<vmem>>
        %swap3A_524 = arith.index_cast %mul3A_515 : i32 to index
        %swap3A_525 = tpu.vector_load %swap3A_523[%swap3A_524] {strides = array<i32>} : memref<2048xf32, #tpu.memory_space<vmem>>, vector<16xf32>,
        tpu.vector_store %swap3A_523[%swap3A_524], %gather3A_520 {strides = array<i32>} : memref<2048xf32, #tpu.memory_space<vmem>>, vector<16xf32>,
        %scan3A_526 = arith.constant 0 : i32
        %scan3A_527 = arith.constant 12 : i32
        %scan3A_528 = arith.addi %scan3A_350, %scan3A_527 : i32
        %mul3A_529 = arith.constant 16 : i32
        %mul3A_530 = arith.muli %scan3A_528, %mul3A_529 : i32
        %get3A_531 = arith.constant 10240 : i32
        %get3A_532 = tpu.memref_slice %arg7[%get3A_531] : memref<16384xi32, #tpu.memory_space<vmem>> -> memref<2048xi32, #tpu.memory_space<vmem>>
        %get3A_533 = arith.index_cast %mul3A_530 : i32 to index
        %get3A_534 = tpu.vector_load %get3A_532[%get3A_533] {strides = array<i32>} : memref<2048xi32, #tpu.memory_space<vmem>>, vector<16xi32>,
        %gather3A_535 = tpu.vector_load_idx %arg6[%get3A_534] : memref<100000xf32, #tpu.memory_space<vmem>>[vector<16xi32>], vector<16xf32>,
        %swap3A_536 = arith.constant 0 : i32
        %swap3A_537 = tpu.memref_slice %arg8[%scan3A_192, %swap3A_536] : memref<4x2048xf32, #tpu.memory_space<vmem>> -> memref<1x2048xf32, #tpu.memory_space<vmem>>
        %swap3A_538 = tpu.memref_squeeze %swap3A_537 : memref<1x2048xf32, #tpu.memory_space<vmem>> -> memref<2048xf32, #tpu.memory_space<vmem>>
        %swap3A_539 = arith.index_cast %mul3A_530 : i32 to index
        %swap3A_540 = tpu.vector_load %swap3A_538[%swap3A_539] {strides = array<i32>} : memref<2048xf32, #tpu.memory_space<vmem>>, vector<16xf32>,
        tpu.vector_store %swap3A_538[%swap3A_539], %gather3A_535 {strides = array<i32>} : memref<2048xf32, #tpu.memory_space<vmem>>, vector<16xf32>,
        %scan3A_541 = arith.constant 0 : i32
        %scan3A_542 = arith.constant 13 : i32
        %scan3A_543 = arith.addi %scan3A_350, %scan3A_542 : i32
        %mul3A_544 = arith.constant 16 : i32
        %mul3A_545 = arith.muli %scan3A_543, %mul3A_544 : i32
        %get3A_546 = arith.constant 10240 : i32
        %get3A_547 = tpu.memref_slice %arg7[%get3A_546] : memref<16384xi32, #tpu.memory_space<vmem>> -> memref<2048xi32, #tpu.memory_space<vmem>>
        %get3A_548 = arith.index_cast %mul3A_545 : i32 to index
        %get3A_549 = tpu.vector_load %get3A_547[%get3A_548] {strides = array<i32>} : memref<2048xi32, #tpu.memory_space<vmem>>, vector<16xi32>,
        %gather3A_550 = tpu.vector_load_idx %arg6[%get3A_549] : memref<100000xf32, #tpu.memory_space<vmem>>[vector<16xi32>], vector<16xf32>,
        %swap3A_551 = arith.constant 0 : i32
        %swap3A_552 = tpu.memref_slice %arg8[%scan3A_192, %swap3A_551] : memref<4x2048xf32, #tpu.memory_space<vmem>> -> memref<1x2048xf32, #tpu.memory_space<vmem>>
        %swap3A_553 = tpu.memref_squeeze %swap3A_552 : memref<1x2048xf32, #tpu.memory_space<vmem>> -> memref<2048xf32, #tpu.memory_space<vmem>>
        %swap3A_554 = arith.index_cast %mul3A_545 : i32 to index
        %swap3A_555 = tpu.vector_load %swap3A_553[%swap3A_554] {strides = array<i32>} : memref<2048xf32, #tpu.memory_space<vmem>>, vector<16xf32>,
        tpu.vector_store %swap3A_553[%swap3A_554], %gather3A_550 {strides = array<i32>} : memref<2048xf32, #tpu.memory_space<vmem>>, vector<16xf32>,
        %scan3A_556 = arith.constant 0 : i32
        %scan3A_557 = arith.constant 14 : i32
        %scan3A_558 = arith.addi %scan3A_350, %scan3A_557 : i32
        %mul3A_559 = arith.constant 16 : i32
        %mul3A_560 = arith.muli %scan3A_558, %mul3A_559 : i32
        %get3A_561 = arith.constant 10240 : i32
        %get3A_562 = tpu.memref_slice %arg7[%get3A_561] : memref<16384xi32, #tpu.memory_space<vmem>> -> memref<2048xi32, #tpu.memory_space<vmem>>
        %get3A_563 = arith.index_cast %mul3A_560 : i32 to index
        %get3A_564 = tpu.vector_load %get3A_562[%get3A_563] {strides = array<i32>} : memref<2048xi32, #tpu.memory_space<vmem>>, vector<16xi32>,
        %gather3A_565 = tpu.vector_load_idx %arg6[%get3A_564] : memref<100000xf32, #tpu.memory_space<vmem>>[vector<16xi32>], vector<16xf32>,
        %swap3A_566 = arith.constant 0 : i32
        %swap3A_567 = tpu.memref_slice %arg8[%scan3A_192, %swap3A_566] : memref<4x2048xf32, #tpu.memory_space<vmem>> -> memref<1x2048xf32, #tpu.memory_space<vmem>>
        %swap3A_568 = tpu.memref_squeeze %swap3A_567 : memref<1x2048xf32, #tpu.memory_space<vmem>> -> memref<2048xf32, #tpu.memory_space<vmem>>
        %swap3A_569 = arith.index_cast %mul3A_560 : i32 to index
        %swap3A_570 = tpu.vector_load %swap3A_568[%swap3A_569] {strides = array<i32>} : memref<2048xf32, #tpu.memory_space<vmem>>, vector<16xf32>,
        tpu.vector_store %swap3A_568[%swap3A_569], %gather3A_565 {strides = array<i32>} : memref<2048xf32, #tpu.memory_space<vmem>>, vector<16xf32>,
        %scan3A_571 = arith.constant 0 : i32
        %scan3A_572 = arith.constant 15 : i32
        %scan3A_573 = arith.addi %scan3A_350, %scan3A_572 : i32
        %mul3A_574 = arith.constant 16 : i32
        %mul3A_575 = arith.muli %scan3A_573, %mul3A_574 : i32
        %get3A_576 = arith.constant 10240 : i32
        %get3A_577 = tpu.memref_slice %arg7[%get3A_576] : memref<16384xi32, #tpu.memory_space<vmem>> -> memref<2048xi32, #tpu.memory_space<vmem>>
        %get3A_578 = arith.index_cast %mul3A_575 : i32 to index
        %get3A_579 = tpu.vector_load %get3A_577[%get3A_578] {strides = array<i32>} : memref<2048xi32, #tpu.memory_space<vmem>>, vector<16xi32>,
        %gather3A_580 = tpu.vector_load_idx %arg6[%get3A_579] : memref<100000xf32, #tpu.memory_space<vmem>>[vector<16xi32>], vector<16xf32>,
        %swap3A_581 = arith.constant 0 : i32
        %swap3A_582 = tpu.memref_slice %arg8[%scan3A_192, %swap3A_581] : memref<4x2048xf32, #tpu.memory_space<vmem>> -> memref<1x2048xf32, #tpu.memory_space<vmem>>
        %swap3A_583 = tpu.memref_squeeze %swap3A_582 : memref<1x2048xf32, #tpu.memory_space<vmem>> -> memref<2048xf32, #tpu.memory_space<vmem>>
        %swap3A_584 = arith.index_cast %mul3A_575 : i32 to index
        %swap3A_585 = tpu.vector_load %swap3A_583[%swap3A_584] {strides = array<i32>} : memref<2048xf32, #tpu.memory_space<vmem>>, vector<16xf32>,
        tpu.vector_store %swap3A_583[%swap3A_584], %gather3A_580 {strides = array<i32>} : memref<2048xf32, #tpu.memory_space<vmem>>, vector<16xf32>,
        %scan3A_586 = arith.constant 0 : i32
        scf.yield %scan3A_586 : i32
      }
      %scan3A_199 = arith.constant 128 : i32
      %add3A_200 = arith.constant 13 : i32
      %add3A_201 = arith.addi %add3A_200, %add3A_23 : i32
      %dma_start3A_202 = arith.constant 1 : i32
      %dma_start3A_203 = arith.constant 0 : i32
      %dma_start3A_204 = tpu.memref_slice %arg8[%dma_start3A_202, %dma_start3A_203] : memref<4x2048xf32, #tpu.memory_space<vmem>> -> memref<1x2048xf32, #tpu.memory_space<vmem>>
      %dma_start3A_205 = tpu.memref_squeeze %dma_start3A_204 : memref<1x2048xf32, #tpu.memory_space<vmem>> -> memref<2048xf32, #tpu.memory_space<vmem>>
      %dma_start3A_206 = arith.constant 10240 : i32
      %dma_start3A_207 = tpu.memref_slice %arg5[%add3A_201, %dma_start3A_206] : memref<429x16384xf32, #tpu.memory_space<hbm>> -> memref<1x2048xf32, #tpu.memory_space<hbm>>
      %dma_start3A_208 = tpu.memref_squeeze %dma_start3A_207 : memref<1x2048xf32, #tpu.memory_space<hbm>> -> memref<2048xf32, #tpu.memory_space<hbm>>
      %dma_start3A_209 = arith.constant 10240 : i32
      %dma_start3A_210 = tpu.memref_slice %arg5[%add3A_201, %dma_start3A_209] : memref<429x16384xf32, #tpu.memory_space<hbm>> -> memref<1x2048xf32, #tpu.memory_space<hbm>>
      %dma_start3A_211 = tpu.memref_squeeze %dma_start3A_210 : memref<1x2048xf32, #tpu.memory_space<hbm>> -> memref<2048xf32, #tpu.memory_space<hbm>>
      %dma_start3A_212 = arith.constant 0 : i32
      %dma_start3A_213 = tpu.memref_slice %arg8[%dma_start3A_202, %dma_start3A_212] : memref<4x2048xf32, #tpu.memory_space<vmem>> -> memref<1x2048xf32, #tpu.memory_space<vmem>>
      %dma_start3A_214 = tpu.memref_squeeze %dma_start3A_213 : memref<1x2048xf32, #tpu.memory_space<vmem>> -> memref<2048xf32, #tpu.memory_space<vmem>>
      tpu.enqueue_dma source(%dma_start3A_214 : memref<2048xf32, #tpu.memory_space<vmem>>) target(%dma_start3A_211 : memref<2048xf32, #tpu.memory_space<hbm>>) target_semaphore(%arg10 : memref<!tpu.dma_semaphore, #tpu.memory_space<semaphore_mem>>)
      %dma_wait3A_215 = arith.constant 2 : i32
      %dma_wait3A_216 = arith.constant 0 : i32
      %dma_wait3A_217 = arith.constant 0 : i32
      %dma_wait3A_218 = tpu.memref_slice %arg8[%dma_wait3A_215, %dma_wait3A_217] : memref<4x2048xf32, #tpu.memory_space<vmem>> -> memref<1x2048xf32, #tpu.memory_space<vmem>>
      %dma_wait3A_219 = tpu.memref_squeeze %dma_wait3A_218 : memref<1x2048xf32, #tpu.memory_space<vmem>> -> memref<2048xf32, #tpu.memory_space<vmem>>
      %dma_wait3A_220 = arith.constant 0 : i32
      %dma_wait3A_221 = tpu.memref_slice %arg5[%dma_wait3A_216, %dma_wait3A_220] : memref<429x16384xf32, #tpu.memory_space<hbm>> -> memref<1x2048xf32, #tpu.memory_space<hbm>>
      %dma_wait3A_222 = tpu.memref_squeeze %dma_wait3A_221 : memref<1x2048xf32, #tpu.memory_space<hbm>> -> memref<2048xf32, #tpu.memory_space<hbm>>
      %dma_wait3A_223 = arith.constant 0 : i32
      %dma_wait3A_224 = tpu.memref_slice %arg5[%dma_wait3A_216, %dma_wait3A_223] : memref<429x16384xf32, #tpu.memory_space<hbm>> -> memref<1x2048xf32, #tpu.memory_space<hbm>>
      %dma_wait3A_225 = tpu.memref_squeeze %dma_wait3A_224 : memref<1x2048xf32, #tpu.memory_space<hbm>> -> memref<2048xf32, #tpu.memory_space<hbm>>
      %dma_wait3A_226 = arith.constant 0 : i32
      %dma_wait3A_227 = tpu.memref_slice %arg8[%dma_wait3A_215, %dma_wait3A_226] : memref<4x2048xf32, #tpu.memory_space<vmem>> -> memref<1x2048xf32, #tpu.memory_space<vmem>>
      %dma_wait3A_228 = tpu.memref_squeeze %dma_wait3A_227 : memref<1x2048xf32, #tpu.memory_space<vmem>> -> memref<2048xf32, #tpu.memory_space<vmem>>
      tpu.wait_dma2 semaphore(%arg10 : memref<!tpu.dma_semaphore, #tpu.memory_space<semaphore_mem>>) src(%dma_wait3A_228 : memref<2048xf32, #tpu.memory_space<vmem>>) dst(%dma_wait3A_225 : memref<2048xf32, #tpu.memory_space<hbm>>)
      %scan3A_229 = arith.constant 2 : i32
      %scan3A_230 = arith.constant 0 : i32
      %scan3A_231 = arith.constant 0 : i32
      %scan3A_232 = arith.constant 128 : i32
      %scan3A_233 = arith.addi %scan3A_231, %scan3A_232 : i32
      %scan3A_234 = arith.constant 16 : i32
      %scan3A_235 = scf.for %scan3A_350 = %scan3A_231 to %scan3A_233 step %scan3A_234 iter_args(%scan3A_351 = %scan3A_230) -> (i32)  : i32 {
        %mul3A_352 = arith.constant 16 : i32
        %mul3A_353 = arith.muli %scan3A_350, %mul3A_352 : i32
        %get3A = arith.constant 12288 : i32
        %get3A_354 = tpu.memref_slice %arg7[%get3A] : memref<16384xi32, #tpu.memory_space<vmem>> -> memref<2048xi32, #tpu.memory_space<vmem>>
        %get3A_355 = arith.index_cast %mul3A_353 : i32 to index
        %get3A_356 = tpu.vector_load %get3A_354[%get3A_355] {strides = array<i32>} : memref<2048xi32, #tpu.memory_space<vmem>>, vector<16xi32>,
        %gather3A = tpu.vector_load_idx %arg6[%get3A_356] : memref<100000xf32, #tpu.memory_space<vmem>>[vector<16xi32>], vector<16xf32>,
        %swap3A = arith.constant 0 : i32
        %swap3A_357 = tpu.memref_slice %arg8[%scan3A_229, %swap3A] : memref<4x2048xf32, #tpu.memory_space<vmem>> -> memref<1x2048xf32, #tpu.memory_space<vmem>>
        %swap3A_358 = tpu.memref_squeeze %swap3A_357 : memref<1x2048xf32, #tpu.memory_space<vmem>> -> memref<2048xf32, #tpu.memory_space<vmem>>
        %swap3A_359 = arith.index_cast %mul3A_353 : i32 to index
        %swap3A_360 = tpu.vector_load %swap3A_358[%swap3A_359] {strides = array<i32>} : memref<2048xf32, #tpu.memory_space<vmem>>, vector<16xf32>,
        tpu.vector_store %swap3A_358[%swap3A_359], %gather3A {strides = array<i32>} : memref<2048xf32, #tpu.memory_space<vmem>>, vector<16xf32>,
        %scan3A_361 = arith.constant 0 : i32
        %scan3A_362 = arith.constant 1 : i32
        %scan3A_363 = arith.addi %scan3A_350, %scan3A_362 : i32
        %mul3A_364 = arith.constant 16 : i32
        %mul3A_365 = arith.muli %scan3A_363, %mul3A_364 : i32
        %get3A_366 = arith.constant 12288 : i32
        %get3A_367 = tpu.memref_slice %arg7[%get3A_366] : memref<16384xi32, #tpu.memory_space<vmem>> -> memref<2048xi32, #tpu.memory_space<vmem>>
        %get3A_368 = arith.index_cast %mul3A_365 : i32 to index
        %get3A_369 = tpu.vector_load %get3A_367[%get3A_368] {strides = array<i32>} : memref<2048xi32, #tpu.memory_space<vmem>>, vector<16xi32>,
        %gather3A_370 = tpu.vector_load_idx %arg6[%get3A_369] : memref<100000xf32, #tpu.memory_space<vmem>>[vector<16xi32>], vector<16xf32>,
        %swap3A_371 = arith.constant 0 : i32
        %swap3A_372 = tpu.memref_slice %arg8[%scan3A_229, %swap3A_371] : memref<4x2048xf32, #tpu.memory_space<vmem>> -> memref<1x2048xf32, #tpu.memory_space<vmem>>
        %swap3A_373 = tpu.memref_squeeze %swap3A_372 : memref<1x2048xf32, #tpu.memory_space<vmem>> -> memref<2048xf32, #tpu.memory_space<vmem>>
        %swap3A_374 = arith.index_cast %mul3A_365 : i32 to index
        %swap3A_375 = tpu.vector_load %swap3A_373[%swap3A_374] {strides = array<i32>} : memref<2048xf32, #tpu.memory_space<vmem>>, vector<16xf32>,
        tpu.vector_store %swap3A_373[%swap3A_374], %gather3A_370 {strides = array<i32>} : memref<2048xf32, #tpu.memory_space<vmem>>, vector<16xf32>,
        %scan3A_376 = arith.constant 0 : i32
        %scan3A_377 = arith.constant 2 : i32
        %scan3A_378 = arith.addi %scan3A_350, %scan3A_377 : i32
        %mul3A_379 = arith.constant 16 : i32
        %mul3A_380 = arith.muli %scan3A_378, %mul3A_379 : i32
        %get3A_381 = arith.constant 12288 : i32
        %get3A_382 = tpu.memref_slice %arg7[%get3A_381] : memref<16384xi32, #tpu.memory_space<vmem>> -> memref<2048xi32, #tpu.memory_space<vmem>>
        %get3A_383 = arith.index_cast %mul3A_380 : i32 to index
        %get3A_384 = tpu.vector_load %get3A_382[%get3A_383] {strides = array<i32>} : memref<2048xi32, #tpu.memory_space<vmem>>, vector<16xi32>,
        %gather3A_385 = tpu.vector_load_idx %arg6[%get3A_384] : memref<100000xf32, #tpu.memory_space<vmem>>[vector<16xi32>], vector<16xf32>,
        %swap3A_386 = arith.constant 0 : i32
        %swap3A_387 = tpu.memref_slice %arg8[%scan3A_229, %swap3A_386] : memref<4x2048xf32, #tpu.memory_space<vmem>> -> memref<1x2048xf32, #tpu.memory_space<vmem>>
        %swap3A_388 = tpu.memref_squeeze %swap3A_387 : memref<1x2048xf32, #tpu.memory_space<vmem>> -> memref<2048xf32, #tpu.memory_space<vmem>>
        %swap3A_389 = arith.index_cast %mul3A_380 : i32 to index
        %swap3A_390 = tpu.vector_load %swap3A_388[%swap3A_389] {strides = array<i32>} : memref<2048xf32, #tpu.memory_space<vmem>>, vector<16xf32>,
        tpu.vector_store %swap3A_388[%swap3A_389], %gather3A_385 {strides = array<i32>} : memref<2048xf32, #tpu.memory_space<vmem>>, vector<16xf32>,
        %scan3A_391 = arith.constant 0 : i32
        %scan3A_392 = arith.constant 3 : i32
        %scan3A_393 = arith.addi %scan3A_350, %scan3A_392 : i32
        %mul3A_394 = arith.constant 16 : i32
        %mul3A_395 = arith.muli %scan3A_393, %mul3A_394 : i32
        %get3A_396 = arith.constant 12288 : i32
        %get3A_397 = tpu.memref_slice %arg7[%get3A_396] : memref<16384xi32, #tpu.memory_space<vmem>> -> memref<2048xi32, #tpu.memory_space<vmem>>
        %get3A_398 = arith.index_cast %mul3A_395 : i32 to index
        %get3A_399 = tpu.vector_load %get3A_397[%get3A_398] {strides = array<i32>} : memref<2048xi32, #tpu.memory_space<vmem>>, vector<16xi32>,
        %gather3A_400 = tpu.vector_load_idx %arg6[%get3A_399] : memref<100000xf32, #tpu.memory_space<vmem>>[vector<16xi32>], vector<16xf32>,
        %swap3A_401 = arith.constant 0 : i32
        %swap3A_402 = tpu.memref_slice %arg8[%scan3A_229, %swap3A_401] : memref<4x2048xf32, #tpu.memory_space<vmem>> -> memref<1x2048xf32, #tpu.memory_space<vmem>>
        %swap3A_403 = tpu.memref_squeeze %swap3A_402 : memref<1x2048xf32, #tpu.memory_space<vmem>> -> memref<2048xf32, #tpu.memory_space<vmem>>
        %swap3A_404 = arith.index_cast %mul3A_395 : i32 to index
        %swap3A_405 = tpu.vector_load %swap3A_403[%swap3A_404] {strides = array<i32>} : memref<2048xf32, #tpu.memory_space<vmem>>, vector<16xf32>,
        tpu.vector_store %swap3A_403[%swap3A_404], %gather3A_400 {strides = array<i32>} : memref<2048xf32, #tpu.memory_space<vmem>>, vector<16xf32>,
        %scan3A_406 = arith.constant 0 : i32
        %scan3A_407 = arith.constant 4 : i32
        %scan3A_408 = arith.addi %scan3A_350, %scan3A_407 : i32
        %mul3A_409 = arith.constant 16 : i32
        %mul3A_410 = arith.muli %scan3A_408, %mul3A_409 : i32
        %get3A_411 = arith.constant 12288 : i32
        %get3A_412 = tpu.memref_slice %arg7[%get3A_411] : memref<16384xi32, #tpu.memory_space<vmem>> -> memref<2048xi32, #tpu.memory_space<vmem>>
        %get3A_413 = arith.index_cast %mul3A_410 : i32 to index
        %get3A_414 = tpu.vector_load %get3A_412[%get3A_413] {strides = array<i32>} : memref<2048xi32, #tpu.memory_space<vmem>>, vector<16xi32>,
        %gather3A_415 = tpu.vector_load_idx %arg6[%get3A_414] : memref<100000xf32, #tpu.memory_space<vmem>>[vector<16xi32>], vector<16xf32>,
        %swap3A_416 = arith.constant 0 : i32
        %swap3A_417 = tpu.memref_slice %arg8[%scan3A_229, %swap3A_416] : memref<4x2048xf32, #tpu.memory_space<vmem>> -> memref<1x2048xf32, #tpu.memory_space<vmem>>
        %swap3A_418 = tpu.memref_squeeze %swap3A_417 : memref<1x2048xf32, #tpu.memory_space<vmem>> -> memref<2048xf32, #tpu.memory_space<vmem>>
        %swap3A_419 = arith.index_cast %mul3A_410 : i32 to index
        %swap3A_420 = tpu.vector_load %swap3A_418[%swap3A_419] {strides = array<i32>} : memref<2048xf32, #tpu.memory_space<vmem>>, vector<16xf32>,
        tpu.vector_store %swap3A_418[%swap3A_419], %gather3A_415 {strides = array<i32>} : memref<2048xf32, #tpu.memory_space<vmem>>, vector<16xf32>,
        %scan3A_421 = arith.constant 0 : i32
        %scan3A_422 = arith.constant 5 : i32
        %scan3A_423 = arith.addi %scan3A_350, %scan3A_422 : i32
        %mul3A_424 = arith.constant 16 : i32
        %mul3A_425 = arith.muli %scan3A_423, %mul3A_424 : i32
        %get3A_426 = arith.constant 12288 : i32
        %get3A_427 = tpu.memref_slice %arg7[%get3A_426] : memref<16384xi32, #tpu.memory_space<vmem>> -> memref<2048xi32, #tpu.memory_space<vmem>>
        %get3A_428 = arith.index_cast %mul3A_425 : i32 to index
        %get3A_429 = tpu.vector_load %get3A_427[%get3A_428] {strides = array<i32>} : memref<2048xi32, #tpu.memory_space<vmem>>, vector<16xi32>,
        %gather3A_430 = tpu.vector_load_idx %arg6[%get3A_429] : memref<100000xf32, #tpu.memory_space<vmem>>[vector<16xi32>], vector<16xf32>,
        %swap3A_431 = arith.constant 0 : i32
        %swap3A_432 = tpu.memref_slice %arg8[%scan3A_229, %swap3A_431] : memref<4x2048xf32, #tpu.memory_space<vmem>> -> memref<1x2048xf32, #tpu.memory_space<vmem>>
        %swap3A_433 = tpu.memref_squeeze %swap3A_432 : memref<1x2048xf32, #tpu.memory_space<vmem>> -> memref<2048xf32, #tpu.memory_space<vmem>>
        %swap3A_434 = arith.index_cast %mul3A_425 : i32 to index
        %swap3A_435 = tpu.vector_load %swap3A_433[%swap3A_434] {strides = array<i32>} : memref<2048xf32, #tpu.memory_space<vmem>>, vector<16xf32>,
        tpu.vector_store %swap3A_433[%swap3A_434], %gather3A_430 {strides = array<i32>} : memref<2048xf32, #tpu.memory_space<vmem>>, vector<16xf32>,
        %scan3A_436 = arith.constant 0 : i32
        %scan3A_437 = arith.constant 6 : i32
        %scan3A_438 = arith.addi %scan3A_350, %scan3A_437 : i32
        %mul3A_439 = arith.constant 16 : i32
        %mul3A_440 = arith.muli %scan3A_438, %mul3A_439 : i32
        %get3A_441 = arith.constant 12288 : i32
        %get3A_442 = tpu.memref_slice %arg7[%get3A_441] : memref<16384xi32, #tpu.memory_space<vmem>> -> memref<2048xi32, #tpu.memory_space<vmem>>
        %get3A_443 = arith.index_cast %mul3A_440 : i32 to index
        %get3A_444 = tpu.vector_load %get3A_442[%get3A_443] {strides = array<i32>} : memref<2048xi32, #tpu.memory_space<vmem>>, vector<16xi32>,
        %gather3A_445 = tpu.vector_load_idx %arg6[%get3A_444] : memref<100000xf32, #tpu.memory_space<vmem>>[vector<16xi32>], vector<16xf32>,
        %swap3A_446 = arith.constant 0 : i32
        %swap3A_447 = tpu.memref_slice %arg8[%scan3A_229, %swap3A_446] : memref<4x2048xf32, #tpu.memory_space<vmem>> -> memref<1x2048xf32, #tpu.memory_space<vmem>>
        %swap3A_448 = tpu.memref_squeeze %swap3A_447 : memref<1x2048xf32, #tpu.memory_space<vmem>> -> memref<2048xf32, #tpu.memory_space<vmem>>
        %swap3A_449 = arith.index_cast %mul3A_440 : i32 to index
        %swap3A_450 = tpu.vector_load %swap3A_448[%swap3A_449] {strides = array<i32>} : memref<2048xf32, #tpu.memory_space<vmem>>, vector<16xf32>,
        tpu.vector_store %swap3A_448[%swap3A_449], %gather3A_445 {strides = array<i32>} : memref<2048xf32, #tpu.memory_space<vmem>>, vector<16xf32>,
        %scan3A_451 = arith.constant 0 : i32
        %scan3A_452 = arith.constant 7 : i32
        %scan3A_453 = arith.addi %scan3A_350, %scan3A_452 : i32
        %mul3A_454 = arith.constant 16 : i32
        %mul3A_455 = arith.muli %scan3A_453, %mul3A_454 : i32
        %get3A_456 = arith.constant 12288 : i32
        %get3A_457 = tpu.memref_slice %arg7[%get3A_456] : memref<16384xi32, #tpu.memory_space<vmem>> -> memref<2048xi32, #tpu.memory_space<vmem>>
        %get3A_458 = arith.index_cast %mul3A_455 : i32 to index
        %get3A_459 = tpu.vector_load %get3A_457[%get3A_458] {strides = array<i32>} : memref<2048xi32, #tpu.memory_space<vmem>>, vector<16xi32>,
        %gather3A_460 = tpu.vector_load_idx %arg6[%get3A_459] : memref<100000xf32, #tpu.memory_space<vmem>>[vector<16xi32>], vector<16xf32>,
        %swap3A_461 = arith.constant 0 : i32
        %swap3A_462 = tpu.memref_slice %arg8[%scan3A_229, %swap3A_461] : memref<4x2048xf32, #tpu.memory_space<vmem>> -> memref<1x2048xf32, #tpu.memory_space<vmem>>
        %swap3A_463 = tpu.memref_squeeze %swap3A_462 : memref<1x2048xf32, #tpu.memory_space<vmem>> -> memref<2048xf32, #tpu.memory_space<vmem>>
        %swap3A_464 = arith.index_cast %mul3A_455 : i32 to index
        %swap3A_465 = tpu.vector_load %swap3A_463[%swap3A_464] {strides = array<i32>} : memref<2048xf32, #tpu.memory_space<vmem>>, vector<16xf32>,
        tpu.vector_store %swap3A_463[%swap3A_464], %gather3A_460 {strides = array<i32>} : memref<2048xf32, #tpu.memory_space<vmem>>, vector<16xf32>,
        %scan3A_466 = arith.constant 0 : i32
        %scan3A_467 = arith.constant 8 : i32
        %scan3A_468 = arith.addi %scan3A_350, %scan3A_467 : i32
        %mul3A_469 = arith.constant 16 : i32
        %mul3A_470 = arith.muli %scan3A_468, %mul3A_469 : i32
        %get3A_471 = arith.constant 12288 : i32
        %get3A_472 = tpu.memref_slice %arg7[%get3A_471] : memref<16384xi32, #tpu.memory_space<vmem>> -> memref<2048xi32, #tpu.memory_space<vmem>>
        %get3A_473 = arith.index_cast %mul3A_470 : i32 to index
        %get3A_474 = tpu.vector_load %get3A_472[%get3A_473] {strides = array<i32>} : memref<2048xi32, #tpu.memory_space<vmem>>, vector<16xi32>,
        %gather3A_475 = tpu.vector_load_idx %arg6[%get3A_474] : memref<100000xf32, #tpu.memory_space<vmem>>[vector<16xi32>], vector<16xf32>,
        %swap3A_476 = arith.constant 0 : i32
        %swap3A_477 = tpu.memref_slice %arg8[%scan3A_229, %swap3A_476] : memref<4x2048xf32, #tpu.memory_space<vmem>> -> memref<1x2048xf32, #tpu.memory_space<vmem>>
        %swap3A_478 = tpu.memref_squeeze %swap3A_477 : memref<1x2048xf32, #tpu.memory_space<vmem>> -> memref<2048xf32, #tpu.memory_space<vmem>>
        %swap3A_479 = arith.index_cast %mul3A_470 : i32 to index
        %swap3A_480 = tpu.vector_load %swap3A_478[%swap3A_479] {strides = array<i32>} : memref<2048xf32, #tpu.memory_space<vmem>>, vector<16xf32>,
        tpu.vector_store %swap3A_478[%swap3A_479], %gather3A_475 {strides = array<i32>} : memref<2048xf32, #tpu.memory_space<vmem>>, vector<16xf32>,
        %scan3A_481 = arith.constant 0 : i32
        %scan3A_482 = arith.constant 9 : i32
        %scan3A_483 = arith.addi %scan3A_350, %scan3A_482 : i32
        %mul3A_484 = arith.constant 16 : i32
        %mul3A_485 = arith.muli %scan3A_483, %mul3A_484 : i32
        %get3A_486 = arith.constant 12288 : i32
        %get3A_487 = tpu.memref_slice %arg7[%get3A_486] : memref<16384xi32, #tpu.memory_space<vmem>> -> memref<2048xi32, #tpu.memory_space<vmem>>
        %get3A_488 = arith.index_cast %mul3A_485 : i32 to index
        %get3A_489 = tpu.vector_load %get3A_487[%get3A_488] {strides = array<i32>} : memref<2048xi32, #tpu.memory_space<vmem>>, vector<16xi32>,
        %gather3A_490 = tpu.vector_load_idx %arg6[%get3A_489] : memref<100000xf32, #tpu.memory_space<vmem>>[vector<16xi32>], vector<16xf32>,
        %swap3A_491 = arith.constant 0 : i32
        %swap3A_492 = tpu.memref_slice %arg8[%scan3A_229, %swap3A_491] : memref<4x2048xf32, #tpu.memory_space<vmem>> -> memref<1x2048xf32, #tpu.memory_space<vmem>>
        %swap3A_493 = tpu.memref_squeeze %swap3A_492 : memref<1x2048xf32, #tpu.memory_space<vmem>> -> memref<2048xf32, #tpu.memory_space<vmem>>
        %swap3A_494 = arith.index_cast %mul3A_485 : i32 to index
        %swap3A_495 = tpu.vector_load %swap3A_493[%swap3A_494] {strides = array<i32>} : memref<2048xf32, #tpu.memory_space<vmem>>, vector<16xf32>,
        tpu.vector_store %swap3A_493[%swap3A_494], %gather3A_490 {strides = array<i32>} : memref<2048xf32, #tpu.memory_space<vmem>>, vector<16xf32>,
        %scan3A_496 = arith.constant 0 : i32
        %scan3A_497 = arith.constant 10 : i32
        %scan3A_498 = arith.addi %scan3A_350, %scan3A_497 : i32
        %mul3A_499 = arith.constant 16 : i32
        %mul3A_500 = arith.muli %scan3A_498, %mul3A_499 : i32
        %get3A_501 = arith.constant 12288 : i32
        %get3A_502 = tpu.memref_slice %arg7[%get3A_501] : memref<16384xi32, #tpu.memory_space<vmem>> -> memref<2048xi32, #tpu.memory_space<vmem>>
        %get3A_503 = arith.index_cast %mul3A_500 : i32 to index
        %get3A_504 = tpu.vector_load %get3A_502[%get3A_503] {strides = array<i32>} : memref<2048xi32, #tpu.memory_space<vmem>>, vector<16xi32>,
        %gather3A_505 = tpu.vector_load_idx %arg6[%get3A_504] : memref<100000xf32, #tpu.memory_space<vmem>>[vector<16xi32>], vector<16xf32>,
        %swap3A_506 = arith.constant 0 : i32
        %swap3A_507 = tpu.memref_slice %arg8[%scan3A_229, %swap3A_506] : memref<4x2048xf32, #tpu.memory_space<vmem>> -> memref<1x2048xf32, #tpu.memory_space<vmem>>
        %swap3A_508 = tpu.memref_squeeze %swap3A_507 : memref<1x2048xf32, #tpu.memory_space<vmem>> -> memref<2048xf32, #tpu.memory_space<vmem>>
        %swap3A_509 = arith.index_cast %mul3A_500 : i32 to index
        %swap3A_510 = tpu.vector_load %swap3A_508[%swap3A_509] {strides = array<i32>} : memref<2048xf32, #tpu.memory_space<vmem>>, vector<16xf32>,
        tpu.vector_store %swap3A_508[%swap3A_509], %gather3A_505 {strides = array<i32>} : memref<2048xf32, #tpu.memory_space<vmem>>, vector<16xf32>,
        %scan3A_511 = arith.constant 0 : i32
        %scan3A_512 = arith.constant 11 : i32
        %scan3A_513 = arith.addi %scan3A_350, %scan3A_512 : i32
        %mul3A_514 = arith.constant 16 : i32
        %mul3A_515 = arith.muli %scan3A_513, %mul3A_514 : i32
        %get3A_516 = arith.constant 12288 : i32
        %get3A_517 = tpu.memref_slice %arg7[%get3A_516] : memref<16384xi32, #tpu.memory_space<vmem>> -> memref<2048xi32, #tpu.memory_space<vmem>>
        %get3A_518 = arith.index_cast %mul3A_515 : i32 to index
        %get3A_519 = tpu.vector_load %get3A_517[%get3A_518] {strides = array<i32>} : memref<2048xi32, #tpu.memory_space<vmem>>, vector<16xi32>,
        %gather3A_520 = tpu.vector_load_idx %arg6[%get3A_519] : memref<100000xf32, #tpu.memory_space<vmem>>[vector<16xi32>], vector<16xf32>,
        %swap3A_521 = arith.constant 0 : i32
        %swap3A_522 = tpu.memref_slice %arg8[%scan3A_229, %swap3A_521] : memref<4x2048xf32, #tpu.memory_space<vmem>> -> memref<1x2048xf32, #tpu.memory_space<vmem>>
        %swap3A_523 = tpu.memref_squeeze %swap3A_522 : memref<1x2048xf32, #tpu.memory_space<vmem>> -> memref<2048xf32, #tpu.memory_space<vmem>>
        %swap3A_524 = arith.index_cast %mul3A_515 : i32 to index
        %swap3A_525 = tpu.vector_load %swap3A_523[%swap3A_524] {strides = array<i32>} : memref<2048xf32, #tpu.memory_space<vmem>>, vector<16xf32>,
        tpu.vector_store %swap3A_523[%swap3A_524], %gather3A_520 {strides = array<i32>} : memref<2048xf32, #tpu.memory_space<vmem>>, vector<16xf32>,
        %scan3A_526 = arith.constant 0 : i32
        %scan3A_527 = arith.constant 12 : i32
        %scan3A_528 = arith.addi %scan3A_350, %scan3A_527 : i32
        %mul3A_529 = arith.constant 16 : i32
        %mul3A_530 = arith.muli %scan3A_528, %mul3A_529 : i32
        %get3A_531 = arith.constant 12288 : i32
        %get3A_532 = tpu.memref_slice %arg7[%get3A_531] : memref<16384xi32, #tpu.memory_space<vmem>> -> memref<2048xi32, #tpu.memory_space<vmem>>
        %get3A_533 = arith.index_cast %mul3A_530 : i32 to index
        %get3A_534 = tpu.vector_load %get3A_532[%get3A_533] {strides = array<i32>} : memref<2048xi32, #tpu.memory_space<vmem>>, vector<16xi32>,
        %gather3A_535 = tpu.vector_load_idx %arg6[%get3A_534] : memref<100000xf32, #tpu.memory_space<vmem>>[vector<16xi32>], vector<16xf32>,
        %swap3A_536 = arith.constant 0 : i32
        %swap3A_537 = tpu.memref_slice %arg8[%scan3A_229, %swap3A_536] : memref<4x2048xf32, #tpu.memory_space<vmem>> -> memref<1x2048xf32, #tpu.memory_space<vmem>>
        %swap3A_538 = tpu.memref_squeeze %swap3A_537 : memref<1x2048xf32, #tpu.memory_space<vmem>> -> memref<2048xf32, #tpu.memory_space<vmem>>
        %swap3A_539 = arith.index_cast %mul3A_530 : i32 to index
        %swap3A_540 = tpu.vector_load %swap3A_538[%swap3A_539] {strides = array<i32>} : memref<2048xf32, #tpu.memory_space<vmem>>, vector<16xf32>,
        tpu.vector_store %swap3A_538[%swap3A_539], %gather3A_535 {strides = array<i32>} : memref<2048xf32, #tpu.memory_space<vmem>>, vector<16xf32>,
        %scan3A_541 = arith.constant 0 : i32
        %scan3A_542 = arith.constant 13 : i32
        %scan3A_543 = arith.addi %scan3A_350, %scan3A_542 : i32
        %mul3A_544 = arith.constant 16 : i32
        %mul3A_545 = arith.muli %scan3A_543, %mul3A_544 : i32
        %get3A_546 = arith.constant 12288 : i32
        %get3A_547 = tpu.memref_slice %arg7[%get3A_546] : memref<16384xi32, #tpu.memory_space<vmem>> -> memref<2048xi32, #tpu.memory_space<vmem>>
        %get3A_548 = arith.index_cast %mul3A_545 : i32 to index
        %get3A_549 = tpu.vector_load %get3A_547[%get3A_548] {strides = array<i32>} : memref<2048xi32, #tpu.memory_space<vmem>>, vector<16xi32>,
        %gather3A_550 = tpu.vector_load_idx %arg6[%get3A_549] : memref<100000xf32, #tpu.memory_space<vmem>>[vector<16xi32>], vector<16xf32>,
        %swap3A_551 = arith.constant 0 : i32
        %swap3A_552 = tpu.memref_slice %arg8[%scan3A_229, %swap3A_551] : memref<4x2048xf32, #tpu.memory_space<vmem>> -> memref<1x2048xf32, #tpu.memory_space<vmem>>
        %swap3A_553 = tpu.memref_squeeze %swap3A_552 : memref<1x2048xf32, #tpu.memory_space<vmem>> -> memref<2048xf32, #tpu.memory_space<vmem>>
        %swap3A_554 = arith.index_cast %mul3A_545 : i32 to index
        %swap3A_555 = tpu.vector_load %swap3A_553[%swap3A_554] {strides = array<i32>} : memref<2048xf32, #tpu.memory_space<vmem>>, vector<16xf32>,
        tpu.vector_store %swap3A_553[%swap3A_554], %gather3A_550 {strides = array<i32>} : memref<2048xf32, #tpu.memory_space<vmem>>, vector<16xf32>,
        %scan3A_556 = arith.constant 0 : i32
        %scan3A_557 = arith.constant 14 : i32
        %scan3A_558 = arith.addi %scan3A_350, %scan3A_557 : i32
        %mul3A_559 = arith.constant 16 : i32
        %mul3A_560 = arith.muli %scan3A_558, %mul3A_559 : i32
        %get3A_561 = arith.constant 12288 : i32
        %get3A_562 = tpu.memref_slice %arg7[%get3A_561] : memref<16384xi32, #tpu.memory_space<vmem>> -> memref<2048xi32, #tpu.memory_space<vmem>>
        %get3A_563 = arith.index_cast %mul3A_560 : i32 to index
        %get3A_564 = tpu.vector_load %get3A_562[%get3A_563] {strides = array<i32>} : memref<2048xi32, #tpu.memory_space<vmem>>, vector<16xi32>,
        %gather3A_565 = tpu.vector_load_idx %arg6[%get3A_564] : memref<100000xf32, #tpu.memory_space<vmem>>[vector<16xi32>], vector<16xf32>,
        %swap3A_566 = arith.constant 0 : i32
        %swap3A_567 = tpu.memref_slice %arg8[%scan3A_229, %swap3A_566] : memref<4x2048xf32, #tpu.memory_space<vmem>> -> memref<1x2048xf32, #tpu.memory_space<vmem>>
        %swap3A_568 = tpu.memref_squeeze %swap3A_567 : memref<1x2048xf32, #tpu.memory_space<vmem>> -> memref<2048xf32, #tpu.memory_space<vmem>>
        %swap3A_569 = arith.index_cast %mul3A_560 : i32 to index
        %swap3A_570 = tpu.vector_load %swap3A_568[%swap3A_569] {strides = array<i32>} : memref<2048xf32, #tpu.memory_space<vmem>>, vector<16xf32>,
        tpu.vector_store %swap3A_568[%swap3A_569], %gather3A_565 {strides = array<i32>} : memref<2048xf32, #tpu.memory_space<vmem>>, vector<16xf32>,
        %scan3A_571 = arith.constant 0 : i32
        %scan3A_572 = arith.constant 15 : i32
        %scan3A_573 = arith.addi %scan3A_350, %scan3A_572 : i32
        %mul3A_574 = arith.constant 16 : i32
        %mul3A_575 = arith.muli %scan3A_573, %mul3A_574 : i32
        %get3A_576 = arith.constant 12288 : i32
        %get3A_577 = tpu.memref_slice %arg7[%get3A_576] : memref<16384xi32, #tpu.memory_space<vmem>> -> memref<2048xi32, #tpu.memory_space<vmem>>
        %get3A_578 = arith.index_cast %mul3A_575 : i32 to index
        %get3A_579 = tpu.vector_load %get3A_577[%get3A_578] {strides = array<i32>} : memref<2048xi32, #tpu.memory_space<vmem>>, vector<16xi32>,
        %gather3A_580 = tpu.vector_load_idx %arg6[%get3A_579] : memref<100000xf32, #tpu.memory_space<vmem>>[vector<16xi32>], vector<16xf32>,
        %swap3A_581 = arith.constant 0 : i32
        %swap3A_582 = tpu.memref_slice %arg8[%scan3A_229, %swap3A_581] : memref<4x2048xf32, #tpu.memory_space<vmem>> -> memref<1x2048xf32, #tpu.memory_space<vmem>>
        %swap3A_583 = tpu.memref_squeeze %swap3A_582 : memref<1x2048xf32, #tpu.memory_space<vmem>> -> memref<2048xf32, #tpu.memory_space<vmem>>
        %swap3A_584 = arith.index_cast %mul3A_575 : i32 to index
        %swap3A_585 = tpu.vector_load %swap3A_583[%swap3A_584] {strides = array<i32>} : memref<2048xf32, #tpu.memory_space<vmem>>, vector<16xf32>,
        tpu.vector_store %swap3A_583[%swap3A_584], %gather3A_580 {strides = array<i32>} : memref<2048xf32, #tpu.memory_space<vmem>>, vector<16xf32>,
        %scan3A_586 = arith.constant 0 : i32
        scf.yield %scan3A_586 : i32
      }
      %scan3A_236 = arith.constant 128 : i32
      %add3A_237 = arith.constant 13 : i32
      %add3A_238 = arith.addi %add3A_237, %add3A_23 : i32
      %dma_start3A_239 = arith.constant 2 : i32
      %dma_start3A_240 = arith.constant 0 : i32
      %dma_start3A_241 = tpu.memref_slice %arg8[%dma_start3A_239, %dma_start3A_240] : memref<4x2048xf32, #tpu.memory_space<vmem>> -> memref<1x2048xf32, #tpu.memory_space<vmem>>
      %dma_start3A_242 = tpu.memref_squeeze %dma_start3A_241 : memref<1x2048xf32, #tpu.memory_space<vmem>> -> memref<2048xf32, #tpu.memory_space<vmem>>
      %dma_start3A_243 = arith.constant 12288 : i32
      %dma_start3A_244 = tpu.memref_slice %arg5[%add3A_238, %dma_start3A_243] : memref<429x16384xf32, #tpu.memory_space<hbm>> -> memref<1x2048xf32, #tpu.memory_space<hbm>>
      %dma_start3A_245 = tpu.memref_squeeze %dma_start3A_244 : memref<1x2048xf32, #tpu.memory_space<hbm>> -> memref<2048xf32, #tpu.memory_space<hbm>>
      %dma_start3A_246 = arith.constant 12288 : i32
      %dma_start3A_247 = tpu.memref_slice %arg5[%add3A_238, %dma_start3A_246] : memref<429x16384xf32, #tpu.memory_space<hbm>> -> memref<1x2048xf32, #tpu.memory_space<hbm>>
      %dma_start3A_248 = tpu.memref_squeeze %dma_start3A_247 : memref<1x2048xf32, #tpu.memory_space<hbm>> -> memref<2048xf32, #tpu.memory_space<hbm>>
      %dma_start3A_249 = arith.constant 0 : i32
      %dma_start3A_250 = tpu.memref_slice %arg8[%dma_start3A_239, %dma_start3A_249] : memref<4x2048xf32, #tpu.memory_space<vmem>> -> memref<1x2048xf32, #tpu.memory_space<vmem>>
      %dma_start3A_251 = tpu.memref_squeeze %dma_start3A_250 : memref<1x2048xf32, #tpu.memory_space<vmem>> -> memref<2048xf32, #tpu.memory_space<vmem>>
      tpu.enqueue_dma source(%dma_start3A_251 : memref<2048xf32, #tpu.memory_space<vmem>>) target(%dma_start3A_248 : memref<2048xf32, #tpu.memory_space<hbm>>) target_semaphore(%arg10 : memref<!tpu.dma_semaphore, #tpu.memory_space<semaphore_mem>>)
      %dma_wait3A_252 = arith.constant 3 : i32
      %dma_wait3A_253 = arith.constant 0 : i32
      %dma_wait3A_254 = arith.constant 0 : i32
      %dma_wait3A_255 = tpu.memref_slice %arg8[%dma_wait3A_252, %dma_wait3A_254] : memref<4x2048xf32, #tpu.memory_space<vmem>> -> memref<1x2048xf32, #tpu.memory_space<vmem>>
      %dma_wait3A_256 = tpu.memref_squeeze %dma_wait3A_255 : memref<1x2048xf32, #tpu.memory_space<vmem>> -> memref<2048xf32, #tpu.memory_space<vmem>>
      %dma_wait3A_257 = arith.constant 0 : i32
      %dma_wait3A_258 = tpu.memref_slice %arg5[%dma_wait3A_253, %dma_wait3A_257] : memref<429x16384xf32, #tpu.memory_space<hbm>> -> memref<1x2048xf32, #tpu.memory_space<hbm>>
      %dma_wait3A_259 = tpu.memref_squeeze %dma_wait3A_258 : memref<1x2048xf32, #tpu.memory_space<hbm>> -> memref<2048xf32, #tpu.memory_space<hbm>>
      %dma_wait3A_260 = arith.constant 0 : i32
      %dma_wait3A_261 = tpu.memref_slice %arg5[%dma_wait3A_253, %dma_wait3A_260] : memref<429x16384xf32, #tpu.memory_space<hbm>> -> memref<1x2048xf32, #tpu.memory_space<hbm>>
      %dma_wait3A_262 = tpu.memref_squeeze %dma_wait3A_261 : memref<1x2048xf32, #tpu.memory_space<hbm>> -> memref<2048xf32, #tpu.memory_space<hbm>>
      %dma_wait3A_263 = arith.constant 0 : i32
      %dma_wait3A_264 = tpu.memref_slice %arg8[%dma_wait3A_252, %dma_wait3A_263] : memref<4x2048xf32, #tpu.memory_space<vmem>> -> memref<1x2048xf32, #tpu.memory_space<vmem>>
      %dma_wait3A_265 = tpu.memref_squeeze %dma_wait3A_264 : memref<1x2048xf32, #tpu.memory_space<vmem>> -> memref<2048xf32, #tpu.memory_space<vmem>>
      tpu.wait_dma2 semaphore(%arg10 : memref<!tpu.dma_semaphore, #tpu.memory_space<semaphore_mem>>) src(%dma_wait3A_265 : memref<2048xf32, #tpu.memory_space<vmem>>) dst(%dma_wait3A_262 : memref<2048xf32, #tpu.memory_space<hbm>>)
      %scan3A_266 = arith.constant 3 : i32
      %scan3A_267 = arith.constant 0 : i32
      %scan3A_268 = arith.constant 0 : i32
      %scan3A_269 = arith.constant 128 : i32
      %scan3A_270 = arith.addi %scan3A_268, %scan3A_269 : i32
      %scan3A_271 = arith.constant 16 : i32
      %scan3A_272 = scf.for %scan3A_350 = %scan3A_268 to %scan3A_270 step %scan3A_271 iter_args(%scan3A_351 = %scan3A_267) -> (i32)  : i32 {
        %mul3A_352 = arith.constant 16 : i32
        %mul3A_353 = arith.muli %scan3A_350, %mul3A_352 : i32
        %get3A = arith.constant 14336 : i32
        %get3A_354 = tpu.memref_slice %arg7[%get3A] : memref<16384xi32, #tpu.memory_space<vmem>> -> memref<2048xi32, #tpu.memory_space<vmem>>
        %get3A_355 = arith.index_cast %mul3A_353 : i32 to index
        %get3A_356 = tpu.vector_load %get3A_354[%get3A_355] {strides = array<i32>} : memref<2048xi32, #tpu.memory_space<vmem>>, vector<16xi32>,
        %gather3A = tpu.vector_load_idx %arg6[%get3A_356] : memref<100000xf32, #tpu.memory_space<vmem>>[vector<16xi32>], vector<16xf32>,
        %swap3A = arith.constant 0 : i32
        %swap3A_357 = tpu.memref_slice %arg8[%scan3A_266, %swap3A] : memref<4x2048xf32, #tpu.memory_space<vmem>> -> memref<1x2048xf32, #tpu.memory_space<vmem>>
        %swap3A_358 = tpu.memref_squeeze %swap3A_357 : memref<1x2048xf32, #tpu.memory_space<vmem>> -> memref<2048xf32, #tpu.memory_space<vmem>>
        %swap3A_359 = arith.index_cast %mul3A_353 : i32 to index
        %swap3A_360 = tpu.vector_load %swap3A_358[%swap3A_359] {strides = array<i32>} : memref<2048xf32, #tpu.memory_space<vmem>>, vector<16xf32>,
        tpu.vector_store %swap3A_358[%swap3A_359], %gather3A {strides = array<i32>} : memref<2048xf32, #tpu.memory_space<vmem>>, vector<16xf32>,
        %scan3A_361 = arith.constant 0 : i32
        %scan3A_362 = arith.constant 1 : i32
        %scan3A_363 = arith.addi %scan3A_350, %scan3A_362 : i32
        %mul3A_364 = arith.constant 16 : i32
        %mul3A_365 = arith.muli %scan3A_363, %mul3A_364 : i32
        %get3A_366 = arith.constant 14336 : i32
        %get3A_367 = tpu.memref_slice %arg7[%get3A_366] : memref<16384xi32, #tpu.memory_space<vmem>> -> memref<2048xi32, #tpu.memory_space<vmem>>
        %get3A_368 = arith.index_cast %mul3A_365 : i32 to index
        %get3A_369 = tpu.vector_load %get3A_367[%get3A_368] {strides = array<i32>} : memref<2048xi32, #tpu.memory_space<vmem>>, vector<16xi32>,
        %gather3A_370 = tpu.vector_load_idx %arg6[%get3A_369] : memref<100000xf32, #tpu.memory_space<vmem>>[vector<16xi32>], vector<16xf32>,
        %swap3A_371 = arith.constant 0 : i32
        %swap3A_372 = tpu.memref_slice %arg8[%scan3A_266, %swap3A_371] : memref<4x2048xf32, #tpu.memory_space<vmem>> -> memref<1x2048xf32, #tpu.memory_space<vmem>>
        %swap3A_373 = tpu.memref_squeeze %swap3A_372 : memref<1x2048xf32, #tpu.memory_space<vmem>> -> memref<2048xf32, #tpu.memory_space<vmem>>
        %swap3A_374 = arith.index_cast %mul3A_365 : i32 to index
        %swap3A_375 = tpu.vector_load %swap3A_373[%swap3A_374] {strides = array<i32>} : memref<2048xf32, #tpu.memory_space<vmem>>, vector<16xf32>,
        tpu.vector_store %swap3A_373[%swap3A_374], %gather3A_370 {strides = array<i32>} : memref<2048xf32, #tpu.memory_space<vmem>>, vector<16xf32>,
        %scan3A_376 = arith.constant 0 : i32
        %scan3A_377 = arith.constant 2 : i32
        %scan3A_378 = arith.addi %scan3A_350, %scan3A_377 : i32
        %mul3A_379 = arith.constant 16 : i32
        %mul3A_380 = arith.muli %scan3A_378, %mul3A_379 : i32
        %get3A_381 = arith.constant 14336 : i32
        %get3A_382 = tpu.memref_slice %arg7[%get3A_381] : memref<16384xi32, #tpu.memory_space<vmem>> -> memref<2048xi32, #tpu.memory_space<vmem>>
        %get3A_383 = arith.index_cast %mul3A_380 : i32 to index
        %get3A_384 = tpu.vector_load %get3A_382[%get3A_383] {strides = array<i32>} : memref<2048xi32, #tpu.memory_space<vmem>>, vector<16xi32>,
        %gather3A_385 = tpu.vector_load_idx %arg6[%get3A_384] : memref<100000xf32, #tpu.memory_space<vmem>>[vector<16xi32>], vector<16xf32>,
        %swap3A_386 = arith.constant 0 : i32
        %swap3A_387 = tpu.memref_slice %arg8[%scan3A_266, %swap3A_386] : memref<4x2048xf32, #tpu.memory_space<vmem>> -> memref<1x2048xf32, #tpu.memory_space<vmem>>
        %swap3A_388 = tpu.memref_squeeze %swap3A_387 : memref<1x2048xf32, #tpu.memory_space<vmem>> -> memref<2048xf32, #tpu.memory_space<vmem>>
        %swap3A_389 = arith.index_cast %mul3A_380 : i32 to index
        %swap3A_390 = tpu.vector_load %swap3A_388[%swap3A_389] {strides = array<i32>} : memref<2048xf32, #tpu.memory_space<vmem>>, vector<16xf32>,
        tpu.vector_store %swap3A_388[%swap3A_389], %gather3A_385 {strides = array<i32>} : memref<2048xf32, #tpu.memory_space<vmem>>, vector<16xf32>,
        %scan3A_391 = arith.constant 0 : i32
        %scan3A_392 = arith.constant 3 : i32
        %scan3A_393 = arith.addi %scan3A_350, %scan3A_392 : i32
        %mul3A_394 = arith.constant 16 : i32
        %mul3A_395 = arith.muli %scan3A_393, %mul3A_394 : i32
        %get3A_396 = arith.constant 14336 : i32
        %get3A_397 = tpu.memref_slice %arg7[%get3A_396] : memref<16384xi32, #tpu.memory_space<vmem>> -> memref<2048xi32, #tpu.memory_space<vmem>>
        %get3A_398 = arith.index_cast %mul3A_395 : i32 to index
        %get3A_399 = tpu.vector_load %get3A_397[%get3A_398] {strides = array<i32>} : memref<2048xi32, #tpu.memory_space<vmem>>, vector<16xi32>,
        %gather3A_400 = tpu.vector_load_idx %arg6[%get3A_399] : memref<100000xf32, #tpu.memory_space<vmem>>[vector<16xi32>], vector<16xf32>,
        %swap3A_401 = arith.constant 0 : i32
        %swap3A_402 = tpu.memref_slice %arg8[%scan3A_266, %swap3A_401] : memref<4x2048xf32, #tpu.memory_space<vmem>> -> memref<1x2048xf32, #tpu.memory_space<vmem>>
        %swap3A_403 = tpu.memref_squeeze %swap3A_402 : memref<1x2048xf32, #tpu.memory_space<vmem>> -> memref<2048xf32, #tpu.memory_space<vmem>>
        %swap3A_404 = arith.index_cast %mul3A_395 : i32 to index
        %swap3A_405 = tpu.vector_load %swap3A_403[%swap3A_404] {strides = array<i32>} : memref<2048xf32, #tpu.memory_space<vmem>>, vector<16xf32>,
        tpu.vector_store %swap3A_403[%swap3A_404], %gather3A_400 {strides = array<i32>} : memref<2048xf32, #tpu.memory_space<vmem>>, vector<16xf32>,
        %scan3A_406 = arith.constant 0 : i32
        %scan3A_407 = arith.constant 4 : i32
        %scan3A_408 = arith.addi %scan3A_350, %scan3A_407 : i32
        %mul3A_409 = arith.constant 16 : i32
        %mul3A_410 = arith.muli %scan3A_408, %mul3A_409 : i32
        %get3A_411 = arith.constant 14336 : i32
        %get3A_412 = tpu.memref_slice %arg7[%get3A_411] : memref<16384xi32, #tpu.memory_space<vmem>> -> memref<2048xi32, #tpu.memory_space<vmem>>
        %get3A_413 = arith.index_cast %mul3A_410 : i32 to index
        %get3A_414 = tpu.vector_load %get3A_412[%get3A_413] {strides = array<i32>} : memref<2048xi32, #tpu.memory_space<vmem>>, vector<16xi32>,
        %gather3A_415 = tpu.vector_load_idx %arg6[%get3A_414] : memref<100000xf32, #tpu.memory_space<vmem>>[vector<16xi32>], vector<16xf32>,
        %swap3A_416 = arith.constant 0 : i32
        %swap3A_417 = tpu.memref_slice %arg8[%scan3A_266, %swap3A_416] : memref<4x2048xf32, #tpu.memory_space<vmem>> -> memref<1x2048xf32, #tpu.memory_space<vmem>>
        %swap3A_418 = tpu.memref_squeeze %swap3A_417 : memref<1x2048xf32, #tpu.memory_space<vmem>> -> memref<2048xf32, #tpu.memory_space<vmem>>
        %swap3A_419 = arith.index_cast %mul3A_410 : i32 to index
        %swap3A_420 = tpu.vector_load %swap3A_418[%swap3A_419] {strides = array<i32>} : memref<2048xf32, #tpu.memory_space<vmem>>, vector<16xf32>,
        tpu.vector_store %swap3A_418[%swap3A_419], %gather3A_415 {strides = array<i32>} : memref<2048xf32, #tpu.memory_space<vmem>>, vector<16xf32>,
        %scan3A_421 = arith.constant 0 : i32
        %scan3A_422 = arith.constant 5 : i32
        %scan3A_423 = arith.addi %scan3A_350, %scan3A_422 : i32
        %mul3A_424 = arith.constant 16 : i32
        %mul3A_425 = arith.muli %scan3A_423, %mul3A_424 : i32
        %get3A_426 = arith.constant 14336 : i32
        %get3A_427 = tpu.memref_slice %arg7[%get3A_426] : memref<16384xi32, #tpu.memory_space<vmem>> -> memref<2048xi32, #tpu.memory_space<vmem>>
        %get3A_428 = arith.index_cast %mul3A_425 : i32 to index
        %get3A_429 = tpu.vector_load %get3A_427[%get3A_428] {strides = array<i32>} : memref<2048xi32, #tpu.memory_space<vmem>>, vector<16xi32>,
        %gather3A_430 = tpu.vector_load_idx %arg6[%get3A_429] : memref<100000xf32, #tpu.memory_space<vmem>>[vector<16xi32>], vector<16xf32>,
        %swap3A_431 = arith.constant 0 : i32
        %swap3A_432 = tpu.memref_slice %arg8[%scan3A_266, %swap3A_431] : memref<4x2048xf32, #tpu.memory_space<vmem>> -> memref<1x2048xf32, #tpu.memory_space<vmem>>
        %swap3A_433 = tpu.memref_squeeze %swap3A_432 : memref<1x2048xf32, #tpu.memory_space<vmem>> -> memref<2048xf32, #tpu.memory_space<vmem>>
        %swap3A_434 = arith.index_cast %mul3A_425 : i32 to index
        %swap3A_435 = tpu.vector_load %swap3A_433[%swap3A_434] {strides = array<i32>} : memref<2048xf32, #tpu.memory_space<vmem>>, vector<16xf32>,
        tpu.vector_store %swap3A_433[%swap3A_434], %gather3A_430 {strides = array<i32>} : memref<2048xf32, #tpu.memory_space<vmem>>, vector<16xf32>,
        %scan3A_436 = arith.constant 0 : i32
        %scan3A_437 = arith.constant 6 : i32
        %scan3A_438 = arith.addi %scan3A_350, %scan3A_437 : i32
        %mul3A_439 = arith.constant 16 : i32
        %mul3A_440 = arith.muli %scan3A_438, %mul3A_439 : i32
        %get3A_441 = arith.constant 14336 : i32
        %get3A_442 = tpu.memref_slice %arg7[%get3A_441] : memref<16384xi32, #tpu.memory_space<vmem>> -> memref<2048xi32, #tpu.memory_space<vmem>>
        %get3A_443 = arith.index_cast %mul3A_440 : i32 to index
        %get3A_444 = tpu.vector_load %get3A_442[%get3A_443] {strides = array<i32>} : memref<2048xi32, #tpu.memory_space<vmem>>, vector<16xi32>,
        %gather3A_445 = tpu.vector_load_idx %arg6[%get3A_444] : memref<100000xf32, #tpu.memory_space<vmem>>[vector<16xi32>], vector<16xf32>,
        %swap3A_446 = arith.constant 0 : i32
        %swap3A_447 = tpu.memref_slice %arg8[%scan3A_266, %swap3A_446] : memref<4x2048xf32, #tpu.memory_space<vmem>> -> memref<1x2048xf32, #tpu.memory_space<vmem>>
        %swap3A_448 = tpu.memref_squeeze %swap3A_447 : memref<1x2048xf32, #tpu.memory_space<vmem>> -> memref<2048xf32, #tpu.memory_space<vmem>>
        %swap3A_449 = arith.index_cast %mul3A_440 : i32 to index
        %swap3A_450 = tpu.vector_load %swap3A_448[%swap3A_449] {strides = array<i32>} : memref<2048xf32, #tpu.memory_space<vmem>>, vector<16xf32>,
        tpu.vector_store %swap3A_448[%swap3A_449], %gather3A_445 {strides = array<i32>} : memref<2048xf32, #tpu.memory_space<vmem>>, vector<16xf32>,
        %scan3A_451 = arith.constant 0 : i32
        %scan3A_452 = arith.constant 7 : i32
        %scan3A_453 = arith.addi %scan3A_350, %scan3A_452 : i32
        %mul3A_454 = arith.constant 16 : i32
        %mul3A_455 = arith.muli %scan3A_453, %mul3A_454 : i32
        %get3A_456 = arith.constant 14336 : i32
        %get3A_457 = tpu.memref_slice %arg7[%get3A_456] : memref<16384xi32, #tpu.memory_space<vmem>> -> memref<2048xi32, #tpu.memory_space<vmem>>
        %get3A_458 = arith.index_cast %mul3A_455 : i32 to index
        %get3A_459 = tpu.vector_load %get3A_457[%get3A_458] {strides = array<i32>} : memref<2048xi32, #tpu.memory_space<vmem>>, vector<16xi32>,
        %gather3A_460 = tpu.vector_load_idx %arg6[%get3A_459] : memref<100000xf32, #tpu.memory_space<vmem>>[vector<16xi32>], vector<16xf32>,
        %swap3A_461 = arith.constant 0 : i32
        %swap3A_462 = tpu.memref_slice %arg8[%scan3A_266, %swap3A_461] : memref<4x2048xf32, #tpu.memory_space<vmem>> -> memref<1x2048xf32, #tpu.memory_space<vmem>>
        %swap3A_463 = tpu.memref_squeeze %swap3A_462 : memref<1x2048xf32, #tpu.memory_space<vmem>> -> memref<2048xf32, #tpu.memory_space<vmem>>
        %swap3A_464 = arith.index_cast %mul3A_455 : i32 to index
        %swap3A_465 = tpu.vector_load %swap3A_463[%swap3A_464] {strides = array<i32>} : memref<2048xf32, #tpu.memory_space<vmem>>, vector<16xf32>,
        tpu.vector_store %swap3A_463[%swap3A_464], %gather3A_460 {strides = array<i32>} : memref<2048xf32, #tpu.memory_space<vmem>>, vector<16xf32>,
        %scan3A_466 = arith.constant 0 : i32
        %scan3A_467 = arith.constant 8 : i32
        %scan3A_468 = arith.addi %scan3A_350, %scan3A_467 : i32
        %mul3A_469 = arith.constant 16 : i32
        %mul3A_470 = arith.muli %scan3A_468, %mul3A_469 : i32
        %get3A_471 = arith.constant 14336 : i32
        %get3A_472 = tpu.memref_slice %arg7[%get3A_471] : memref<16384xi32, #tpu.memory_space<vmem>> -> memref<2048xi32, #tpu.memory_space<vmem>>
        %get3A_473 = arith.index_cast %mul3A_470 : i32 to index
        %get3A_474 = tpu.vector_load %get3A_472[%get3A_473] {strides = array<i32>} : memref<2048xi32, #tpu.memory_space<vmem>>, vector<16xi32>,
        %gather3A_475 = tpu.vector_load_idx %arg6[%get3A_474] : memref<100000xf32, #tpu.memory_space<vmem>>[vector<16xi32>], vector<16xf32>,
        %swap3A_476 = arith.constant 0 : i32
        %swap3A_477 = tpu.memref_slice %arg8[%scan3A_266, %swap3A_476] : memref<4x2048xf32, #tpu.memory_space<vmem>> -> memref<1x2048xf32, #tpu.memory_space<vmem>>
        %swap3A_478 = tpu.memref_squeeze %swap3A_477 : memref<1x2048xf32, #tpu.memory_space<vmem>> -> memref<2048xf32, #tpu.memory_space<vmem>>
        %swap3A_479 = arith.index_cast %mul3A_470 : i32 to index
        %swap3A_480 = tpu.vector_load %swap3A_478[%swap3A_479] {strides = array<i32>} : memref<2048xf32, #tpu.memory_space<vmem>>, vector<16xf32>,
        tpu.vector_store %swap3A_478[%swap3A_479], %gather3A_475 {strides = array<i32>} : memref<2048xf32, #tpu.memory_space<vmem>>, vector<16xf32>,
        %scan3A_481 = arith.constant 0 : i32
        %scan3A_482 = arith.constant 9 : i32
        %scan3A_483 = arith.addi %scan3A_350, %scan3A_482 : i32
        %mul3A_484 = arith.constant 16 : i32
        %mul3A_485 = arith.muli %scan3A_483, %mul3A_484 : i32
        %get3A_486 = arith.constant 14336 : i32
        %get3A_487 = tpu.memref_slice %arg7[%get3A_486] : memref<16384xi32, #tpu.memory_space<vmem>> -> memref<2048xi32, #tpu.memory_space<vmem>>
        %get3A_488 = arith.index_cast %mul3A_485 : i32 to index
        %get3A_489 = tpu.vector_load %get3A_487[%get3A_488] {strides = array<i32>} : memref<2048xi32, #tpu.memory_space<vmem>>, vector<16xi32>,
        %gather3A_490 = tpu.vector_load_idx %arg6[%get3A_489] : memref<100000xf32, #tpu.memory_space<vmem>>[vector<16xi32>], vector<16xf32>,
        %swap3A_491 = arith.constant 0 : i32
        %swap3A_492 = tpu.memref_slice %arg8[%scan3A_266, %swap3A_491] : memref<4x2048xf32, #tpu.memory_space<vmem>> -> memref<1x2048xf32, #tpu.memory_space<vmem>>
        %swap3A_493 = tpu.memref_squeeze %swap3A_492 : memref<1x2048xf32, #tpu.memory_space<vmem>> -> memref<2048xf32, #tpu.memory_space<vmem>>
        %swap3A_494 = arith.index_cast %mul3A_485 : i32 to index
        %swap3A_495 = tpu.vector_load %swap3A_493[%swap3A_494] {strides = array<i32>} : memref<2048xf32, #tpu.memory_space<vmem>>, vector<16xf32>,
        tpu.vector_store %swap3A_493[%swap3A_494], %gather3A_490 {strides = array<i32>} : memref<2048xf32, #tpu.memory_space<vmem>>, vector<16xf32>,
        %scan3A_496 = arith.constant 0 : i32
        %scan3A_497 = arith.constant 10 : i32
        %scan3A_498 = arith.addi %scan3A_350, %scan3A_497 : i32
        %mul3A_499 = arith.constant 16 : i32
        %mul3A_500 = arith.muli %scan3A_498, %mul3A_499 : i32
        %get3A_501 = arith.constant 14336 : i32
        %get3A_502 = tpu.memref_slice %arg7[%get3A_501] : memref<16384xi32, #tpu.memory_space<vmem>> -> memref<2048xi32, #tpu.memory_space<vmem>>
        %get3A_503 = arith.index_cast %mul3A_500 : i32 to index
        %get3A_504 = tpu.vector_load %get3A_502[%get3A_503] {strides = array<i32>} : memref<2048xi32, #tpu.memory_space<vmem>>, vector<16xi32>,
        %gather3A_505 = tpu.vector_load_idx %arg6[%get3A_504] : memref<100000xf32, #tpu.memory_space<vmem>>[vector<16xi32>], vector<16xf32>,
        %swap3A_506 = arith.constant 0 : i32
        %swap3A_507 = tpu.memref_slice %arg8[%scan3A_266, %swap3A_506] : memref<4x2048xf32, #tpu.memory_space<vmem>> -> memref<1x2048xf32, #tpu.memory_space<vmem>>
        %swap3A_508 = tpu.memref_squeeze %swap3A_507 : memref<1x2048xf32, #tpu.memory_space<vmem>> -> memref<2048xf32, #tpu.memory_space<vmem>>
        %swap3A_509 = arith.index_cast %mul3A_500 : i32 to index
        %swap3A_510 = tpu.vector_load %swap3A_508[%swap3A_509] {strides = array<i32>} : memref<2048xf32, #tpu.memory_space<vmem>>, vector<16xf32>,
        tpu.vector_store %swap3A_508[%swap3A_509], %gather3A_505 {strides = array<i32>} : memref<2048xf32, #tpu.memory_space<vmem>>, vector<16xf32>,
        %scan3A_511 = arith.constant 0 : i32
        %scan3A_512 = arith.constant 11 : i32
        %scan3A_513 = arith.addi %scan3A_350, %scan3A_512 : i32
        %mul3A_514 = arith.constant 16 : i32
        %mul3A_515 = arith.muli %scan3A_513, %mul3A_514 : i32
        %get3A_516 = arith.constant 14336 : i32
        %get3A_517 = tpu.memref_slice %arg7[%get3A_516] : memref<16384xi32, #tpu.memory_space<vmem>> -> memref<2048xi32, #tpu.memory_space<vmem>>
        %get3A_518 = arith.index_cast %mul3A_515 : i32 to index
        %get3A_519 = tpu.vector_load %get3A_517[%get3A_518] {strides = array<i32>} : memref<2048xi32, #tpu.memory_space<vmem>>, vector<16xi32>,
        %gather3A_520 = tpu.vector_load_idx %arg6[%get3A_519] : memref<100000xf32, #tpu.memory_space<vmem>>[vector<16xi32>], vector<16xf32>,
        %swap3A_521 = arith.constant 0 : i32
        %swap3A_522 = tpu.memref_slice %arg8[%scan3A_266, %swap3A_521] : memref<4x2048xf32, #tpu.memory_space<vmem>> -> memref<1x2048xf32, #tpu.memory_space<vmem>>
        %swap3A_523 = tpu.memref_squeeze %swap3A_522 : memref<1x2048xf32, #tpu.memory_space<vmem>> -> memref<2048xf32, #tpu.memory_space<vmem>>
        %swap3A_524 = arith.index_cast %mul3A_515 : i32 to index
        %swap3A_525 = tpu.vector_load %swap3A_523[%swap3A_524] {strides = array<i32>} : memref<2048xf32, #tpu.memory_space<vmem>>, vector<16xf32>,
        tpu.vector_store %swap3A_523[%swap3A_524], %gather3A_520 {strides = array<i32>} : memref<2048xf32, #tpu.memory_space<vmem>>, vector<16xf32>,
        %scan3A_526 = arith.constant 0 : i32
        %scan3A_527 = arith.constant 12 : i32
        %scan3A_528 = arith.addi %scan3A_350, %scan3A_527 : i32
        %mul3A_529 = arith.constant 16 : i32
        %mul3A_530 = arith.muli %scan3A_528, %mul3A_529 : i32
        %get3A_531 = arith.constant 14336 : i32
        %get3A_532 = tpu.memref_slice %arg7[%get3A_531] : memref<16384xi32, #tpu.memory_space<vmem>> -> memref<2048xi32, #tpu.memory_space<vmem>>
        %get3A_533 = arith.index_cast %mul3A_530 : i32 to index
        %get3A_534 = tpu.vector_load %get3A_532[%get3A_533] {strides = array<i32>} : memref<2048xi32, #tpu.memory_space<vmem>>, vector<16xi32>,
        %gather3A_535 = tpu.vector_load_idx %arg6[%get3A_534] : memref<100000xf32, #tpu.memory_space<vmem>>[vector<16xi32>], vector<16xf32>,
        %swap3A_536 = arith.constant 0 : i32
        %swap3A_537 = tpu.memref_slice %arg8[%scan3A_266, %swap3A_536] : memref<4x2048xf32, #tpu.memory_space<vmem>> -> memref<1x2048xf32, #tpu.memory_space<vmem>>
        %swap3A_538 = tpu.memref_squeeze %swap3A_537 : memref<1x2048xf32, #tpu.memory_space<vmem>> -> memref<2048xf32, #tpu.memory_space<vmem>>
        %swap3A_539 = arith.index_cast %mul3A_530 : i32 to index
        %swap3A_540 = tpu.vector_load %swap3A_538[%swap3A_539] {strides = array<i32>} : memref<2048xf32, #tpu.memory_space<vmem>>, vector<16xf32>,
        tpu.vector_store %swap3A_538[%swap3A_539], %gather3A_535 {strides = array<i32>} : memref<2048xf32, #tpu.memory_space<vmem>>, vector<16xf32>,
        %scan3A_541 = arith.constant 0 : i32
        %scan3A_542 = arith.constant 13 : i32
        %scan3A_543 = arith.addi %scan3A_350, %scan3A_542 : i32
        %mul3A_544 = arith.constant 16 : i32
        %mul3A_545 = arith.muli %scan3A_543, %mul3A_544 : i32
        %get3A_546 = arith.constant 14336 : i32
        %get3A_547 = tpu.memref_slice %arg7[%get3A_546] : memref<16384xi32, #tpu.memory_space<vmem>> -> memref<2048xi32, #tpu.memory_space<vmem>>
        %get3A_548 = arith.index_cast %mul3A_545 : i32 to index
        %get3A_549 = tpu.vector_load %get3A_547[%get3A_548] {strides = array<i32>} : memref<2048xi32, #tpu.memory_space<vmem>>, vector<16xi32>,
        %gather3A_550 = tpu.vector_load_idx %arg6[%get3A_549] : memref<100000xf32, #tpu.memory_space<vmem>>[vector<16xi32>], vector<16xf32>,
        %swap3A_551 = arith.constant 0 : i32
        %swap3A_552 = tpu.memref_slice %arg8[%scan3A_266, %swap3A_551] : memref<4x2048xf32, #tpu.memory_space<vmem>> -> memref<1x2048xf32, #tpu.memory_space<vmem>>
        %swap3A_553 = tpu.memref_squeeze %swap3A_552 : memref<1x2048xf32, #tpu.memory_space<vmem>> -> memref<2048xf32, #tpu.memory_space<vmem>>
        %swap3A_554 = arith.index_cast %mul3A_545 : i32 to index
        %swap3A_555 = tpu.vector_load %swap3A_553[%swap3A_554] {strides = array<i32>} : memref<2048xf32, #tpu.memory_space<vmem>>, vector<16xf32>,
        tpu.vector_store %swap3A_553[%swap3A_554], %gather3A_550 {strides = array<i32>} : memref<2048xf32, #tpu.memory_space<vmem>>, vector<16xf32>,
        %scan3A_556 = arith.constant 0 : i32
        %scan3A_557 = arith.constant 14 : i32
        %scan3A_558 = arith.addi %scan3A_350, %scan3A_557 : i32
        %mul3A_559 = arith.constant 16 : i32
        %mul3A_560 = arith.muli %scan3A_558, %mul3A_559 : i32
        %get3A_561 = arith.constant 14336 : i32
        %get3A_562 = tpu.memref_slice %arg7[%get3A_561] : memref<16384xi32, #tpu.memory_space<vmem>> -> memref<2048xi32, #tpu.memory_space<vmem>>
        %get3A_563 = arith.index_cast %mul3A_560 : i32 to index
        %get3A_564 = tpu.vector_load %get3A_562[%get3A_563] {strides = array<i32>} : memref<2048xi32, #tpu.memory_space<vmem>>, vector<16xi32>,
        %gather3A_565 = tpu.vector_load_idx %arg6[%get3A_564] : memref<100000xf32, #tpu.memory_space<vmem>>[vector<16xi32>], vector<16xf32>,
        %swap3A_566 = arith.constant 0 : i32
        %swap3A_567 = tpu.memref_slice %arg8[%scan3A_266, %swap3A_566] : memref<4x2048xf32, #tpu.memory_space<vmem>> -> memref<1x2048xf32, #tpu.memory_space<vmem>>
        %swap3A_568 = tpu.memref_squeeze %swap3A_567 : memref<1x2048xf32, #tpu.memory_space<vmem>> -> memref<2048xf32, #tpu.memory_space<vmem>>
        %swap3A_569 = arith.index_cast %mul3A_560 : i32 to index
        %swap3A_570 = tpu.vector_load %swap3A_568[%swap3A_569] {strides = array<i32>} : memref<2048xf32, #tpu.memory_space<vmem>>, vector<16xf32>,
        tpu.vector_store %swap3A_568[%swap3A_569], %gather3A_565 {strides = array<i32>} : memref<2048xf32, #tpu.memory_space<vmem>>, vector<16xf32>,
        %scan3A_571 = arith.constant 0 : i32
        %scan3A_572 = arith.constant 15 : i32
        %scan3A_573 = arith.addi %scan3A_350, %scan3A_572 : i32
        %mul3A_574 = arith.constant 16 : i32
        %mul3A_575 = arith.muli %scan3A_573, %mul3A_574 : i32
        %get3A_576 = arith.constant 14336 : i32
        %get3A_577 = tpu.memref_slice %arg7[%get3A_576] : memref<16384xi32, #tpu.memory_space<vmem>> -> memref<2048xi32, #tpu.memory_space<vmem>>
        %get3A_578 = arith.index_cast %mul3A_575 : i32 to index
        %get3A_579 = tpu.vector_load %get3A_577[%get3A_578] {strides = array<i32>} : memref<2048xi32, #tpu.memory_space<vmem>>, vector<16xi32>,
        %gather3A_580 = tpu.vector_load_idx %arg6[%get3A_579] : memref<100000xf32, #tpu.memory_space<vmem>>[vector<16xi32>], vector<16xf32>,
        %swap3A_581 = arith.constant 0 : i32
        %swap3A_582 = tpu.memref_slice %arg8[%scan3A_266, %swap3A_581] : memref<4x2048xf32, #tpu.memory_space<vmem>> -> memref<1x2048xf32, #tpu.memory_space<vmem>>
        %swap3A_583 = tpu.memref_squeeze %swap3A_582 : memref<1x2048xf32, #tpu.memory_space<vmem>> -> memref<2048xf32, #tpu.memory_space<vmem>>
        %swap3A_584 = arith.index_cast %mul3A_575 : i32 to index
        %swap3A_585 = tpu.vector_load %swap3A_583[%swap3A_584] {strides = array<i32>} : memref<2048xf32, #tpu.memory_space<vmem>>, vector<16xf32>,
        tpu.vector_store %swap3A_583[%swap3A_584], %gather3A_580 {strides = array<i32>} : memref<2048xf32, #tpu.memory_space<vmem>>, vector<16xf32>,
        %scan3A_586 = arith.constant 0 : i32
        scf.yield %scan3A_586 : i32
      }
      %scan3A_273 = arith.constant 128 : i32
      %add3A_274 = arith.constant 13 : i32
      %add3A_275 = arith.addi %add3A_274, %add3A_23 : i32
      %dma_start3A_276 = arith.constant 3 : i32
      %dma_start3A_277 = arith.constant 0 : i32
      %dma_start3A_278 = tpu.memref_slice %arg8[%dma_start3A_276, %dma_start3A_277] : memref<4x2048xf32, #tpu.memory_space<vmem>> -> memref<1x2048xf32, #tpu.memory_space<vmem>>
      %dma_start3A_279 = tpu.memref_squeeze %dma_start3A_278 : memref<1x2048xf32, #tpu.memory_space<vmem>> -> memref<2048xf32, #tpu.memory_space<vmem>>
      %dma_start3A_280 = arith.constant 14336 : i32
      %dma_start3A_281 = tpu.memref_slice %arg5[%add3A_275, %dma_start3A_280] : memref<429x16384xf32, #tpu.memory_space<hbm>> -> memref<1x2048xf32, #tpu.memory_space<hbm>>
      %dma_start3A_282 = tpu.memref_squeeze %dma_start3A_281 : memref<1x2048xf32, #tpu.memory_space<hbm>> -> memref<2048xf32, #tpu.memory_space<hbm>>
      %dma_start3A_283 = arith.constant 14336 : i32
      %dma_start3A_284 = tpu.memref_slice %arg5[%add3A_275, %dma_start3A_283] : memref<429x16384xf32, #tpu.memory_space<hbm>> -> memref<1x2048xf32, #tpu.memory_space<hbm>>
      %dma_start3A_285 = tpu.memref_squeeze %dma_start3A_284 : memref<1x2048xf32, #tpu.memory_space<hbm>> -> memref<2048xf32, #tpu.memory_space<hbm>>
      %dma_start3A_286 = arith.constant 0 : i32
      %dma_start3A_287 = tpu.memref_slice %arg8[%dma_start3A_276, %dma_start3A_286] : memref<4x2048xf32, #tpu.memory_space<vmem>> -> memref<1x2048xf32, #tpu.memory_space<vmem>>
      %dma_start3A_288 = tpu.memref_squeeze %dma_start3A_287 : memref<1x2048xf32, #tpu.memory_space<vmem>> -> memref<2048xf32, #tpu.memory_space<vmem>>
      tpu.enqueue_dma source(%dma_start3A_288 : memref<2048xf32, #tpu.memory_space<vmem>>) target(%dma_start3A_285 : memref<2048xf32, #tpu.memory_space<hbm>>) target_semaphore(%arg10 : memref<!tpu.dma_semaphore, #tpu.memory_space<semaphore_mem>>)
      %lt3A_289 = arith.constant 12 : i32
      %lt3A_290 = arith.cmpi slt, %scan3A_21, %lt3A_289 : i32
      %convert_element_type3A_291 = arith.extui %lt3A_290 : i1 to i32
      %cond3A_292 = arith.constant 0 : i32
      %cond3A_293 = arith.cmpi ne, %convert_element_type3A_291, %cond3A_292 : i32
      scf.if %cond3A_293 {
        %add3A_350 = arith.constant 1 : i32
        %add3A_351 = arith.addi %add3A_23, %add3A_350 : i32
        %dma_start3A_352 = arith.constant 0 : i32
        %dma_start3A_353 = tpu.memref_slice %arg2[%add3A_351, %dma_start3A_352] : memref<416x100000xf32, #tpu.memory_space<hbm>> -> memref<1x100000xf32, #tpu.memory_space<hbm>>
        %dma_start3A_354 = tpu.memref_squeeze %dma_start3A_353 : memref<1x100000xf32, #tpu.memory_space<hbm>> -> memref<100000xf32, #tpu.memory_space<hbm>>
        %dma_start3A_355 = arith.constant 0 : i32
        %dma_start3A_356 = tpu.memref_slice %arg2[%add3A_351, %dma_start3A_355] : memref<416x100000xf32, #tpu.memory_space<hbm>> -> memref<1x100000xf32, #tpu.memory_space<hbm>>
        %dma_start3A_357 = tpu.memref_squeeze %dma_start3A_356 : memref<1x100000xf32, #tpu.memory_space<hbm>> -> memref<100000xf32, #tpu.memory_space<hbm>>
        tpu.enqueue_dma source(%dma_start3A_357 : memref<100000xf32, #tpu.memory_space<hbm>>) target(%arg6 : memref<100000xf32, #tpu.memory_space<vmem>>) target_semaphore(%arg9 : memref<!tpu.dma_semaphore, #tpu.memory_space<semaphore_mem>>)
      } else {
      }
      %dma_wait3A_294 = arith.constant 0 : i32
      %dma_wait3A_295 = arith.constant 0 : i32
      %dma_wait3A_296 = arith.constant 0 : i32
      %dma_wait3A_297 = tpu.memref_slice %arg8[%dma_wait3A_294, %dma_wait3A_296] : memref<4x2048xf32, #tpu.memory_space<vmem>> -> memref<1x2048xf32, #tpu.memory_space<vmem>>
      %dma_wait3A_298 = tpu.memref_squeeze %dma_wait3A_297 : memref<1x2048xf32, #tpu.memory_space<vmem>> -> memref<2048xf32, #tpu.memory_space<vmem>>
      %dma_wait3A_299 = arith.constant 0 : i32
      %dma_wait3A_300 = tpu.memref_slice %arg5[%dma_wait3A_295, %dma_wait3A_299] : memref<429x16384xf32, #tpu.memory_space<hbm>> -> memref<1x2048xf32, #tpu.memory_space<hbm>>
      %dma_wait3A_301 = tpu.memref_squeeze %dma_wait3A_300 : memref<1x2048xf32, #tpu.memory_space<hbm>> -> memref<2048xf32, #tpu.memory_space<hbm>>
      %dma_wait3A_302 = arith.constant 0 : i32
      %dma_wait3A_303 = tpu.memref_slice %arg5[%dma_wait3A_295, %dma_wait3A_302] : memref<429x16384xf32, #tpu.memory_space<hbm>> -> memref<1x2048xf32, #tpu.memory_space<hbm>>
      %dma_wait3A_304 = tpu.memref_squeeze %dma_wait3A_303 : memref<1x2048xf32, #tpu.memory_space<hbm>> -> memref<2048xf32, #tpu.memory_space<hbm>>
      %dma_wait3A_305 = arith.constant 0 : i32
      %dma_wait3A_306 = tpu.memref_slice %arg8[%dma_wait3A_294, %dma_wait3A_305] : memref<4x2048xf32, #tpu.memory_space<vmem>> -> memref<1x2048xf32, #tpu.memory_space<vmem>>
      %dma_wait3A_307 = tpu.memref_squeeze %dma_wait3A_306 : memref<1x2048xf32, #tpu.memory_space<vmem>> -> memref<2048xf32, #tpu.memory_space<vmem>>
      tpu.wait_dma2 semaphore(%arg10 : memref<!tpu.dma_semaphore, #tpu.memory_space<semaphore_mem>>) src(%dma_wait3A_307 : memref<2048xf32, #tpu.memory_space<vmem>>) dst(%dma_wait3A_304 : memref<2048xf32, #tpu.memory_space<hbm>>)
      %dma_wait3A_308 = arith.constant 1 : i32
      %dma_wait3A_309 = arith.constant 0 : i32
      %dma_wait3A_310 = arith.constant 0 : i32
      %dma_wait3A_311 = tpu.memref_slice %arg8[%dma_wait3A_308, %dma_wait3A_310] : memref<4x2048xf32, #tpu.memory_space<vmem>> -> memref<1x2048xf32, #tpu.memory_space<vmem>>
      %dma_wait3A_312 = tpu.memref_squeeze %dma_wait3A_311 : memref<1x2048xf32, #tpu.memory_space<vmem>> -> memref<2048xf32, #tpu.memory_space<vmem>>
      %dma_wait3A_313 = arith.constant 0 : i32
      %dma_wait3A_314 = tpu.memref_slice %arg5[%dma_wait3A_309, %dma_wait3A_313] : memref<429x16384xf32, #tpu.memory_space<hbm>> -> memref<1x2048xf32, #tpu.memory_space<hbm>>
      %dma_wait3A_315 = tpu.memref_squeeze %dma_wait3A_314 : memref<1x2048xf32, #tpu.memory_space<hbm>> -> memref<2048xf32, #tpu.memory_space<hbm>>
      %dma_wait3A_316 = arith.constant 0 : i32
      %dma_wait3A_317 = tpu.memref_slice %arg5[%dma_wait3A_309, %dma_wait3A_316] : memref<429x16384xf32, #tpu.memory_space<hbm>> -> memref<1x2048xf32, #tpu.memory_space<hbm>>
      %dma_wait3A_318 = tpu.memref_squeeze %dma_wait3A_317 : memref<1x2048xf32, #tpu.memory_space<hbm>> -> memref<2048xf32, #tpu.memory_space<hbm>>
      %dma_wait3A_319 = arith.constant 0 : i32
      %dma_wait3A_320 = tpu.memref_slice %arg8[%dma_wait3A_308, %dma_wait3A_319] : memref<4x2048xf32, #tpu.memory_space<vmem>> -> memref<1x2048xf32, #tpu.memory_space<vmem>>
      %dma_wait3A_321 = tpu.memref_squeeze %dma_wait3A_320 : memref<1x2048xf32, #tpu.memory_space<vmem>> -> memref<2048xf32, #tpu.memory_space<vmem>>
      tpu.wait_dma2 semaphore(%arg10 : memref<!tpu.dma_semaphore, #tpu.memory_space<semaphore_mem>>) src(%dma_wait3A_321 : memref<2048xf32, #tpu.memory_space<vmem>>) dst(%dma_wait3A_318 : memref<2048xf32, #tpu.memory_space<hbm>>)
      %dma_wait3A_322 = arith.constant 2 : i32
      %dma_wait3A_323 = arith.constant 0 : i32
      %dma_wait3A_324 = arith.constant 0 : i32
      %dma_wait3A_325 = tpu.memref_slice %arg8[%dma_wait3A_322, %dma_wait3A_324] : memref<4x2048xf32, #tpu.memory_space<vmem>> -> memref<1x2048xf32, #tpu.memory_space<vmem>>
      %dma_wait3A_326 = tpu.memref_squeeze %dma_wait3A_325 : memref<1x2048xf32, #tpu.memory_space<vmem>> -> memref<2048xf32, #tpu.memory_space<vmem>>
      %dma_wait3A_327 = arith.constant 0 : i32
      %dma_wait3A_328 = tpu.memref_slice %arg5[%dma_wait3A_323, %dma_wait3A_327] : memref<429x16384xf32, #tpu.memory_space<hbm>> -> memref<1x2048xf32, #tpu.memory_space<hbm>>
      %dma_wait3A_329 = tpu.memref_squeeze %dma_wait3A_328 : memref<1x2048xf32, #tpu.memory_space<hbm>> -> memref<2048xf32, #tpu.memory_space<hbm>>
      %dma_wait3A_330 = arith.constant 0 : i32
      %dma_wait3A_331 = tpu.memref_slice %arg5[%dma_wait3A_323, %dma_wait3A_330] : memref<429x16384xf32, #tpu.memory_space<hbm>> -> memref<1x2048xf32, #tpu.memory_space<hbm>>
      %dma_wait3A_332 = tpu.memref_squeeze %dma_wait3A_331 : memref<1x2048xf32, #tpu.memory_space<hbm>> -> memref<2048xf32, #tpu.memory_space<hbm>>
      %dma_wait3A_333 = arith.constant 0 : i32
      %dma_wait3A_334 = tpu.memref_slice %arg8[%dma_wait3A_322, %dma_wait3A_333] : memref<4x2048xf32, #tpu.memory_space<vmem>> -> memref<1x2048xf32, #tpu.memory_space<vmem>>
      %dma_wait3A_335 = tpu.memref_squeeze %dma_wait3A_334 : memref<1x2048xf32, #tpu.memory_space<vmem>> -> memref<2048xf32, #tpu.memory_space<vmem>>
      tpu.wait_dma2 semaphore(%arg10 : memref<!tpu.dma_semaphore, #tpu.memory_space<semaphore_mem>>) src(%dma_wait3A_335 : memref<2048xf32, #tpu.memory_space<vmem>>) dst(%dma_wait3A_332 : memref<2048xf32, #tpu.memory_space<hbm>>)
      %dma_wait3A_336 = arith.constant 3 : i32
      %dma_wait3A_337 = arith.constant 0 : i32
      %dma_wait3A_338 = arith.constant 0 : i32
      %dma_wait3A_339 = tpu.memref_slice %arg8[%dma_wait3A_336, %dma_wait3A_338] : memref<4x2048xf32, #tpu.memory_space<vmem>> -> memref<1x2048xf32, #tpu.memory_space<vmem>>
      %dma_wait3A_340 = tpu.memref_squeeze %dma_wait3A_339 : memref<1x2048xf32, #tpu.memory_space<vmem>> -> memref<2048xf32, #tpu.memory_space<vmem>>
      %dma_wait3A_341 = arith.constant 0 : i32
      %dma_wait3A_342 = tpu.memref_slice %arg5[%dma_wait3A_337, %dma_wait3A_341] : memref<429x16384xf32, #tpu.memory_space<hbm>> -> memref<1x2048xf32, #tpu.memory_space<hbm>>
      %dma_wait3A_343 = tpu.memref_squeeze %dma_wait3A_342 : memref<1x2048xf32, #tpu.memory_space<hbm>> -> memref<2048xf32, #tpu.memory_space<hbm>>
      %dma_wait3A_344 = arith.constant 0 : i32
      %dma_wait3A_345 = tpu.memref_slice %arg5[%dma_wait3A_337, %dma_wait3A_344] : memref<429x16384xf32, #tpu.memory_space<hbm>> -> memref<1x2048xf32, #tpu.memory_space<hbm>>
      %dma_wait3A_346 = tpu.memref_squeeze %dma_wait3A_345 : memref<1x2048xf32, #tpu.memory_space<hbm>> -> memref<2048xf32, #tpu.memory_space<hbm>>
      %dma_wait3A_347 = arith.constant 0 : i32
      %dma_wait3A_348 = tpu.memref_slice %arg8[%dma_wait3A_336, %dma_wait3A_347] : memref<4x2048xf32, #tpu.memory_space<vmem>> -> memref<1x2048xf32, #tpu.memory_space<vmem>>
      %dma_wait3A_349 = tpu.memref_squeeze %dma_wait3A_348 : memref<1x2048xf32, #tpu.memory_space<vmem>> -> memref<2048xf32, #tpu.memory_space<vmem>>
      tpu.wait_dma2 semaphore(%arg10 : memref<!tpu.dma_semaphore, #tpu.memory_space<semaphore_mem>>) src(%dma_wait3A_349 : memref<2048xf32, #tpu.memory_space<vmem>>) dst(%dma_wait3A_346 : memref<2048xf32, #tpu.memory_space<hbm>>)
      scf.yield %select_n3A : i32
    }
    %scan3A_15 = arith.constant 13 : i32
    %lt3A_16 = arith.constant 13 : i32
    %lt3A_17 = arith.cmpi slt, %add3A, %lt3A_16 : i32
    %convert_element_type3A_18 = arith.extui %lt3A_17 : i1 to i32
    %cond3A_19 = arith.constant 0 : i32
    %cond3A_20 = arith.cmpi ne, %convert_element_type3A_18, %cond3A_19 : i32
    scf.if %cond3A_20 {
      %dma_wait3A = arith.constant 0 : i32
      %dma_wait3A_21 = tpu.memref_slice %arg5[%add3A, %dma_wait3A] : memref<429x16384xf32, #tpu.memory_space<hbm>> -> memref<1x16384xf32, #tpu.memory_space<hbm>>
      %dma_wait3A_22 = tpu.memref_squeeze %dma_wait3A_21 : memref<1x16384xf32, #tpu.memory_space<hbm>> -> memref<16384xf32, #tpu.memory_space<hbm>>
      %dma_wait3A_23 = arith.constant 0 : i32
      %dma_wait3A_24 = tpu.memref_slice %arg4[%add3A, %dma_wait3A_23] : memref<13x16384xf32, #tpu.memory_space<hbm>> -> memref<1x16384xf32, #tpu.memory_space<hbm>>
      %dma_wait3A_25 = tpu.memref_squeeze %dma_wait3A_24 : memref<1x16384xf32, #tpu.memory_space<hbm>> -> memref<16384xf32, #tpu.memory_space<hbm>>
      tpu.wait_dma2 semaphore(%arg11 : memref<!tpu.dma_semaphore, #tpu.memory_space<semaphore_mem>>) src(%dma_wait3A_25 : memref<16384xf32, #tpu.memory_space<hbm>>) dst(%dma_wait3A_22 : memref<16384xf32, #tpu.memory_space<hbm>>)
    } else {
    }
    return
  }
}

</mosaic_0001>

<sc_bundles>
// kernel: kernel.3.cloned.1.call-start
scs
__scs_entry_jumppad:
0x0: {  	(pc) =	sbr.rel $0x88, $3  }
0x1: {  	(tag) =	ssettag $0x0;
	lr =	simm.s32 $0x1  }
0x2: {  	[smem:$0x3F9E] =	sst lr;
	_ =	strace $0xD0000000  }
0x3: {  	_ = 	snop  }
0x4: {  	_ = 	snop  }
0x5: {  	_ = 	snop  }
0x6: {  	_ = 	snop  }
0x7: {  	_ = 	snop  }
__scs_overlays_trampoline_lowered:
0x8: {  	[smem:$0x3FAD] =	sst s0  }
0x9: {  	[smem:$0x3FAE] =	sst s1  }
0xa: {  	[smem:$0x3FAF] =	sst s2  }
0xb: {  	[smem:$0x3FB0] =	sst s3  }
0xc: {  	[smem:$0x3FB1] =	sst s4  }
0xd: {  	[smem:$0x3FB2] =	sst s5  }
0xe: {  	[smem:$0x3FB3] =	sst s6  }
0xf: {  	[smem:$0x3FB4] =	sst s7  }
0x10: {  	[smem:$0x3FB5] =	sst s8  }
0x11: {  	[smem:$0x3FB6] =	sst s9;
	s0 =	simm.s32 @!p0 $0x0  }
0x12: {  	s1 =	sld [smem:$0x3F9C];
	s0 =	simm.s32 @p0 $0x1  }
0x13: {  	[smem:$0x3FB7] =	sst s0;
	s0 =	simm.s32 @!p1 $0x0  }
0x14: {  	s2 =	sld [smem:$0x3F9B];
	s0 =	simm.s32 @p1 $0x1  }
0x15: {  	[smem:$0x3FB8] =	sst s0;
	s0 =	simm.s32 @!p2 $0x0  }
0x16: {  	s3 =	sld [smem:$0x3FDB];
	s0 =	simm.s32 @p2 $0x1  }
0x17: {  	s4 =	simm.s32 $0x1BF5;
	[smem:$0x3FBA] =	sst s0  }
0x18: {  	s0 =	sld [smem:$0x3F9D];
	_ =	swait.ge [sflag:s4], $0x0  }
0x19: {  	s7 =	sld [smem:$0x3F9E]  }
0x1a: {  	s8 =	sadd.s32 $0xFFFFE003, lr  }
0x1b: {  	s9 =	sadd.s32 $0xFFFFFEF7, lr;
	s5 =	simm.s32 $0xFFFFFFFF;
	p2 =	slt.u32 s8, $0xFFFFF086  }
0x1c: {  	p1 =	slt.u32 s9, $0xF7A;
	s5 =	simm.s32 @!p2 $0x0  }
0x1d: {  	s5 =	simm.s32 @p1 $0x1;
	p0 =	seq.s32 s7, s2  }
0x1e: {  	s7 =	smul.u32 @!p0 $0xF7A, s2;
	p2 =	seq.s32 @!p0 s5, $0x0  }
0x1f: {  	s9 =	smul.u32 $0xF7A, s1;
	s8 =	simm.s32 @!p0 $0x1BF5;
	p2 =	por !p2, p0  }
0x20: {  	[sflag:s8] =	ssyncset.s32 @!p0 $0xFFFFF086;
	s6 =	sadd.s32 @!p0 s3, s7;
	s7 =	simm.s32 @!p0 $0x108  }
0x21: {  	s3 =	sadd.s32 s3, s9;
	s6 =	sadd.s32 @!p0 $0x88, s6;
	s7 =	simm.s32 @p2 $0x1082  }
0x22: {  	[simem:s7], [sflag:s8] =	dma.local @!p0 [hbm:s6], $0xF7A  }
0x23: {  	s9 =	sor.u32 $0xD0000000, s2;
	s6 =	simm.s32 $0x108;
	_ =	swait.ge @!p0 [sflag:s8], $0x0  }
0x24: {  	s3 =	sadd.s32 $0x88, s3;
	s6 =	simm.s32 @!p1 $0x1082;
	[sflag:s4] =	ssyncset.s32 $0xFFFFF086  }
0x25: {  	[simem:s6], [sflag:s4] =	dma.local [hbm:s3], $0xF7A  }
0x26: {  	[smem:$0x3F9E] =	sst s1;
	(tag) =	ssettag s2;
	_ =	strace s9  }
0x27: {  	s1 =	sld [smem:$0x3FAE]  }
0x28: {  	s2 =	sld [smem:$0x3FAF]  }
0x29: {  	s4 =	sld [smem:$0x3FB1]  }
0x2a: {  	p0 =	seq.s32 s5, $0x0;
	s5 =	sld [smem:$0x3FB2]  }
0x2b: {  	s6 =	sld [smem:$0x3FB3]  }
0x2c: {  	s7 =	sld [smem:$0x3FB4]  }
0x2d: {  	s3 =	simm.s32 $0x108;
	s8 =	sld [smem:$0x3FB5]  }
0x2e: {  	s3 =	simm.s32 @!p0 $0x1082;
	s9 =	sld [smem:$0x3FB6]  }
0x2f: {  	lr =	sadd.s32 s0, s3;
	s0 =	sld [smem:$0x3FAD]  }
0x30: {  	s3 =	sld [smem:$0x3FB0]  }
0x31: {  	[smem:$0x3FB9] =	sst s10  }
0x32: {  	s10 =	sld [smem:$0x3FB7];
	_ =	sdelay $0x3  }
0x33: {  	p0 =	seq.s32 s10, $0x1;
	s10 =	sld [smem:$0x3FB9];
	_ =	sdelay $0x3  }
0x34: {  	[smem:$0x3FB9] =	sst s10  }
0x35: {  	s10 =	sld [smem:$0x3FB8];
	_ =	sdelay $0x3  }
0x36: {  	p1 =	seq.s32 s10, $0x1;
	s10 =	sld [smem:$0x3FB9];
	_ =	sdelay $0x3  }
0x37: {  	[smem:$0x3FB9] =	sst s10  }
0x38: {  	s10 =	sld [smem:$0x3FBA]  }
0x39: {  	_ = 	snop;
	(pc) =	sbr.ind lr, $3  }
0x3a: {  	_ = 	snop  }
0x3b: {  	_ = 	snop  }
0x3c: {  	p2 =	seq.s32 s10, $0x1;
	s10 =	sld [smem:$0x3FB9]  }
0x3d: {  	_ =	shalt  }
0x3e: {  	_ =	shalt  }
0x3f: {  	_ =	shalt  }
0x40: {  	_ =	shalt  }
0x41: {  	_ =	shalt  }
0x42: {  	_ =	shalt  }
0x43: {  	_ =	shalt  }
0x44: {  	_ =	shalt  }
0x45: {  	_ =	shalt  }
0x46: {  	_ =	shalt  }
0x47: {  	_ =	shalt  }
0x48: {  	_ =	shalt  }
0x49: {  	_ =	shalt  }
0x4a: {  	_ =	shalt  }
0x4b: {  	_ =	shalt  }
0x4c: {  	_ =	shalt  }
0x4d: {  	_ =	shalt  }
0x4e: {  	_ =	shalt  }
0x4f: {  	_ =	shalt  }
0x50: {  	_ =	shalt  }
0x51: {  	_ =	shalt  }
0x52: {  	_ =	shalt  }
0x53: {  	_ =	shalt  }
0x54: {  	_ =	shalt  }
0x55: {  	_ =	shalt  }
0x56: {  	_ =	shalt  }
0x57: {  	_ =	shalt  }
0x58: {  	_ =	shalt  }
0x59: {  	_ =	shalt  }
0x5a: {  	_ =	shalt  }
0x5b: {  	_ =	shalt  }
0x5c: {  	_ =	shalt  }
0x5d: {  	_ =	shalt  }
0x5e: {  	_ =	shalt  }
0x5f: {  	_ =	shalt  }
0x60: {  	_ =	shalt  }
0x61: {  	_ =	shalt  }
0x62: {  	_ =	shalt  }
0x63: {  	_ =	shalt  }
0x64: {  	_ =	shalt  }
0x65: {  	_ =	shalt  }
0x66: {  	_ =	shalt  }
0x67: {  	_ =	shalt  }
0x68: {  	_ =	shalt  }
0x69: {  	_ =	shalt  }
0x6a: {  	_ =	shalt  }
0x6b: {  	_ =	shalt  }
0x6c: {  	_ =	shalt  }
0x6d: {  	_ =	shalt  }
0x6e: {  	_ =	shalt  }
0x6f: {  	_ =	shalt  }
0x70: {  	_ =	shalt  }
0x71: {  	_ =	shalt  }
0x72: {  	_ =	shalt  }
0x73: {  	_ =	shalt  }
0x74: {  	_ =	shalt  }
0x75: {  	_ =	shalt  }
0x76: {  	_ =	shalt  }
0x77: {  	_ =	shalt  }
0x78: {  	_ =	shalt  }
0x79: {  	_ =	shalt  }
0x7a: {  	_ =	shalt  }
0x7b: {  	_ =	shalt  }
0x7c: {  	_ =	shalt  }
0x7d: {  	_ =	shalt  }
0x7e: {  	_ =	shalt  }
0x7f: {  	_ =	shalt  }
0x80: {  	_ =	shalt  }
0x81: {  	_ =	shalt  }
0x82: {  	_ =	shalt  }
0x83: {  	_ =	shalt  }
0x84: {  	_ =	shalt  }
0x85: {  	_ =	shalt  }
0x86: {  	_ =	shalt  }
0x87: {  	_ =	shalt  }
.Lfunc_end0:
.L_simem_size_0:
called_computation_lowered:
.L_overlay_start_0:
0x88: {  	s2 =	sld [smem:$0x3FD9]  }
0x89: {  	s3 =	sld [smem:$0x3FFE];
	_ =	sdelay $0x1  }
0x8a: {  	s1 =	srdreg.scid  }
0x8b: {  	s0 =	sand.u32 $0x1, s1  }
0x8c: {  	s17 =	sshll.u32 s0, $0xA;
	s2 =	sadd.s32 s3, s2  }
0x8d: {  	s2 =	sadd.s32 s2, s17  }
0x8e: {  	[smem:$0x3FC5] =	sst s2  }
0x8f: {  	_ = 	snop  }
0x90: {  	s2 =	sld [smem:$0x3FD0];
	(tm) =	ssettm $0x1  }
0x91: {  	s18 =	sld [smem:$0x3FFB];
	_ =	sdelay $0x3  }
0x92: {  	_ =	strace s18  }
0x93: {  	s3 =	sld [smem:$0x3FFC];
	_ =	sdelay $0x3  }
0x94: {  	_ =	strace s3  }
0x95: {  	s3 =	sld [smem:$0x3FFD];
	_ =	sdelay $0x3  }
0x96: {  	_ =	strace s3  }
0x97: {  	_ =	strace $0x8FFFFFFF  }
0x98: {  	s19 =	sld [smem:$0x3FDB];
	_ =	sdelay $0x1  }
0x99: {  	s4 =	simm.s32 $_scs_section_size  }
0x9a: {  	s5 =	simm.s32 $_size__tile_overlayer_lowered;
	s6 =	simm.s32 $_tile_overlayer_lowered  }
0x9b: {  	s22 =	simm.s32 $0x1BFF;
	s21 =	sshll.u32 s6, $0x1;
	s3 =	sadd.s32 s4, s19  }
0x9c: {  	s7 =	simm.s32 $0x0;
	s20 =	sshll.u32 s5, $0x1;
	s5 =	sadd.s32 s21, s3  }
0x9d: {  	[timem:s7], [sflag:s22] =	dma.local [hbm:s5], s20  }
0x9e: {  	_ =	swait.ge [sflag:s22], s20  }
0x9f: {  	s4 =	ssub.s32 $0x0, s20;
	[sflag:s22] =	ssyncset.done $0x0  }
0xa0: {  	[sflag:s22] =	ssyncadd.s32 s4;
	_ =	sdelay $0x1  }
0xa1: {  	s23 =	simm.s32 $0x1B8B  }
0xa2: {  	_ =	swait.ge [sflag:s23], $0x1  }
0xa3: {  	[sflag:s23] =	ssyncset.done $0x0  }
0xa4: {  	s25 =	simm.s32 $0x1B8E;
	s24 =	sld [smem:$0x3FFE];
	[sflag:s23] =	ssyncadd.s32 $0xFFFFFFFF  }
0xa5: {  	s26 =	simm.s32 $execute0_lowered;
	[smem:$0x3FD2] =	sst s25  }
0xa6: {  	s5 =	sshll.u32 s26, $0x1;
	_ =	strace $0x80000046;
	[dreg:$0x1] =	wrdreg $0xFFFFFFFF  }
0xa7: {  	s28 =	simm.s32 $_size_execute0_lowered;
	s3 =	sadd.s32 s3, s5;
	[dreg:$0x0] =	wrdreg $0x0  }
0xa8: {  	s5 =	sshll.u32 s28, $0x1;
	[dreg:$0x2] =	wrdreg s3  }
0xa9: {  	[dreg:$0x3] =	wrdreg s5  }
0xaa: {  	[dreg:$0x4] =	wrdreg $0xC0  }
0xab: {  	_ =	task [dreg:s7], $0x5FFFF  }
0xac: {  	[dreg:$0x1] =	wrdreg $0xFFFFFFFF  }
0xad: {  	[dreg:$0x0] =	wrdreg $0x60  }
0xae: {  	[dreg:$0x2] =	wrdreg s24  }
0xaf: {  	[dreg:$0x3] =	wrdreg s2  }
0xb0: {  	[dreg:$0x4] =	wrdreg $0x9  }
0xb1: {  	_ =	task.clear_ibuf [dreg:s7], $0x5FFFF;
	_ =	strace $0x90000046  }
0xb2: {  	s29 =	simm.s32 $0x9;
	_ =	strace $0x80000048  }
0xb3: {  	_ =	swait.ge [sflag:s29], $0x1  }
0xb4: {  	[sflag:s29] =	ssyncadd.s32 $0xFFFFFFFF  }
0xb5: {  	_ =	strace $0x90000048  }
0xb6: {  	_ =	sfence  }
0xb7: {  	s30 =	sld [smem:$0x0];
	_ =	sdelay $0x2  }
0xb8: {  	s31 =	sshll.u32 s1, $0xD;
	s1 =	sshrl.u32 s1, $0x2  }
0xb9: {  	s3 =	sand.u32 $0x4000, s31;
	s1 =	sadd.s32 s1, s30  }
0xba: {  	s0 =	sor.u32 s3, s0;
	s1 =	sshll.u32 s1, $0x11  }
0xbb: {  	s0 =	sor.u32 s1, s0  }
0xbc: {  	s0 =	sadd.s32 $0x8F2B, s0  }
0xbd: {  	[sflag:s0] =	ssyncadd.remote.s32 $0x1  }
0xbe: {  	_ =	sfence.sel $0xFFFF  }
0xbf: {  	[dreg:$0x0] =	wrdreg $0xFFFFFFFF;
	(pc) =	sbr.abs _section_cstart, $3  }
0xc0: {  	[dreg:$0x1] =	wrdreg $0xFFFFFFFF  }
0xc1: {  	_ =	task.clear_ibuf [dreg:s7], $0x2FFFF;
	_ =	strace $0x9FFFFFFF  }
0xc2: {  	(tm) =	ssettm $0x7FFFFFFF  }
0xc3: {  	_ =	shalt  }
tec
execute0_lowered:
.L_overlay_start_1:
0x0: {  	(tag) =	ssettag $0x1  }
0x1: {  	s5 =	rddreg [dreg:$0x0]  }
0x2: {  	s1 =	rddreg [dreg:$0x1]  }
0x3: {  	s0 =	rddreg [dreg:$0x2];
	s3 =	simm.s32 $0x0  }
0x4: {  	s4 =	srdreg.scid;
	s2 =	stileid.u32;
	s13 =	simm.s32 $0x1C6A0  }
0x5: {  	s14 =	simm.s32 $0x1CEA0;
	s15 =	simm.s32 $0x1D6A0;
	s16 =	simm.s32 $0x1DEA0  }
0x6: {  	s17 =	simm.s32 $0x2;
	s18 =	simm.s32 $0x0;
	[smem:$0x7FF] =	sst s3  }
0x7: {  	s6 =	sand.u32 $0x1, s4;
	s7 =	sshll.u32 s2, $0x1;
	s4 =	sadd.s32 $0x6C00, s5  }
0x8: {  	_ =	strace $0x80000047;
	s8 =	sor.u32 s6, s7;
	s6 =	ssub.s32 $0x2, s6  }
0x9: {  	s9 =	sshll.u32 s8, $0xB;
	s31 =	sshrl.u32 s6, $0x1;
	s10 =	smul.u32 $0x27AC4, s8  }
0xa: {  	p0 =	sgt.u32 s8, $0xC;
	s11 =	sadd.s32 s9, s5;
	s5 =	sadd.s32 $0x4FC600, s5  }
0xb: {  	s12 =	ssub.s32 s6, s31;
	s6 =	smul.u32 $0xD, s8;
	s7 =	sadd.s32 s4, s10  }
0xc: {  	s8 =	sadd.s32 s5, s9;
	s9 =	sadd.s32 $0x400, s11;
	s11 =	sshll.u32 @!p0 s2, $0x6  }
0xd: {  	s10 =	smax.u32 s12, $0x1;
	s12 =	simm.s32 $0x1;
	s11 =	sor.u32 @!p0 $0x1C03, s11  }
.LBB2_1:
0xe: {  	[tilespmem:s3], [sflag:$0x1] =	stream.linear.gather [hbm4b:s7+s3], $0x186A0, $0x38;
	[tilespmem:$0x1E6A0] =	vst v63  }
0xf: {  	s20 =	simm.s32 $0xFFFFFFFF;
	s19 =	simm.s32 $0x0  }
0x10: {  	[hbm:s8], [sflag:s11] =	dma.local @!p0 [hbm:s9], $0x800  }
.LBB2_2:
0x11: {  	s21 =	sadd.s32 s6, s19  }
0x12: {  	s22 =	smov.u32 s20;
	s20 =	sshrl.u32 s21, $0x4  }
0x13: {  	p1 =	seq.s32 s20, s22  }
0x14: {  	s22 =	sshll.u32 @!p1 s20, $0xB  }
0x15: {  	s22 =	sand.u32 @!p1 $0x1FFFF800, s22  }
0x16: {  	s23 =	simm.s32 @!p1 $0x0;
	s24 =	simm.s32 @!p1 $0x186A0;
	s22 =	sadd.s32 @!p1 s1, s22  }
0x17: {  	[tilespmem:s24], [sflag:$0x4] =	stream.linear.gather @!p1 [hbm4b:s22+s23], $0x4000, $0x38;
	[tilespmem:$0x1E6A0] =	vst v63  }
0x18: {  	s22 =	simm.s32 @!p1 $0x4  }
0x19: {  	_ =	swait.ge @!p1 [sflag:s22], $0x4000  }
0x1a: {  	[sflag:s22] =	ssyncset.done @!p1 $0x0  }
0x1b: {  	[sflag:s22] =	ssyncadd.s32 @!p1 $0xFFFFC000  }
0x1c: {  	_ =	swait.ge [sflag:s12], $0x186A0  }
0x1d: {  	s23 =	simm.s32 $0x18720;
	[sflag:s12] =	ssyncset.done $0x0  }
0x1e: {  	s24 =	simm.s32 $0x1C720;
	s22 =	simm.s32 $0xFFFFFFF0;
	[sflag:s12] =	ssyncadd.s32 $0xFFFE7960  }
.LBB2_3:
0x1f: {  	v0 =	vld [tilespmem:s23+$0xFFFFFF80];
	_ =	sdelay $0x7  }
0x20: {  	v0 =	vld.idx.msk [tilespmem:v0+s3+$0x0], $0xffff;
	_ =	sdelay $0x4  }
0x21: {  	[tilespmem:s24+$0xFFFFFF80] =	vst v0  }
0x22: {  	v0 =	vld [tilespmem:s23+$0xFFFFFF90];
	_ =	sdelay $0x7  }
0x23: {  	v0 =	vld.idx.msk [tilespmem:v0+s3+$0x0], $0xffff;
	_ =	sdelay $0x4  }
0x24: {  	[tilespmem:s24+$0xFFFFFF90] =	vst v0  }
0x25: {  	v0 =	vld [tilespmem:s23+$0xFFFFFFA0];
	_ =	sdelay $0x7  }
0x26: {  	v0 =	vld.idx.msk [tilespmem:v0+s3+$0x0], $0xffff;
	_ =	sdelay $0x4  }
0x27: {  	[tilespmem:s24+$0xFFFFFFA0] =	vst v0  }
0x28: {  	v0 =	vld [tilespmem:s23+$0xFFFFFFB0];
	_ =	sdelay $0x7  }
0x29: {  	v0 =	vld.idx.msk [tilespmem:v0+s3+$0x0], $0xffff;
	_ =	sdelay $0x4  }
0x2a: {  	[tilespmem:s24+$0xFFFFFFB0] =	vst v0  }
0x2b: {  	v0 =	vld [tilespmem:s23+$0xFFFFFFC0];
	_ =	sdelay $0x7  }
0x2c: {  	v0 =	vld.idx.msk [tilespmem:v0+s3+$0x0], $0xffff;
	_ =	sdelay $0x4  }
0x2d: {  	[tilespmem:s24+$0xFFFFFFC0] =	vst v0  }
0x2e: {  	v0 =	vld [tilespmem:s23+$0xFFFFFFD0];
	_ =	sdelay $0x7  }
0x2f: {  	v0 =	vld.idx.msk [tilespmem:v0+s3+$0x0], $0xffff;
	_ =	sdelay $0x4  }
0x30: {  	[tilespmem:s24+$0xFFFFFFD0] =	vst v0  }
0x31: {  	v0 =	vld [tilespmem:s23+$0xFFFFFFE0];
	_ =	sdelay $0x7  }
0x32: {  	v0 =	vld.idx.msk [tilespmem:v0+s3+$0x0], $0xffff;
	_ =	sdelay $0x4  }
0x33: {  	[tilespmem:s24+$0xFFFFFFE0] =	vst v0  }
0x34: {  	v0 =	vld [tilespmem:s23+$0xFFFFFFF0];
	_ =	sdelay $0x7  }
0x35: {  	v0 =	vld.idx.msk [tilespmem:v0+s3+$0x0], $0xffff;
	_ =	sdelay $0x4  }
0x36: {  	[tilespmem:s24+$0xFFFFFFF0] =	vst v0  }
0x37: {  	v0 =	vld [tilespmem:s23+$0x0];
	_ =	sdelay $0x7  }
0x38: {  	v0 =	vld.idx.msk [tilespmem:v0+s3+$0x0], $0xffff;
	_ =	sdelay $0x4  }
0x39: {  	[tilespmem:s24+$0x0] =	vst v0  }
0x3a: {  	v0 =	vld [tilespmem:s23+$0x10];
	_ =	sdelay $0x7  }
0x3b: {  	v0 =	vld.idx.msk [tilespmem:v0+s3+$0x0], $0xffff;
	_ =	sdelay $0x4  }
0x3c: {  	[tilespmem:s24+$0x10] =	vst v0  }
0x3d: {  	v0 =	vld [tilespmem:s23+$0x20];
	_ =	sdelay $0x7  }
0x3e: {  	v0 =	vld.idx.msk [tilespmem:v0+s3+$0x0], $0xffff;
	_ =	sdelay $0x4  }
0x3f: {  	[tilespmem:s24+$0x20] =	vst v0  }
0x40: {  	v0 =	vld [tilespmem:s23+$0x30];
	_ =	sdelay $0x7  }
0x41: {  	v0 =	vld.idx.msk [tilespmem:v0+s3+$0x0], $0xffff;
	_ =	sdelay $0x4  }
0x42: {  	[tilespmem:s24+$0x30] =	vst v0  }
0x43: {  	v0 =	vld [tilespmem:s23+$0x40];
	_ =	sdelay $0x7  }
0x44: {  	v0 =	vld.idx.msk [tilespmem:v0+s3+$0x0], $0xffff;
	_ =	sdelay $0x4  }
0x45: {  	[tilespmem:s24+$0x40] =	vst v0  }
0x46: {  	v0 =	vld [tilespmem:s23+$0x50];
	_ =	sdelay $0x7  }
0x47: {  	v0 =	vld.idx.msk [tilespmem:v0+s3+$0x0], $0xffff;
	_ =	sdelay $0x4  }
0x48: {  	[tilespmem:s24+$0x50] =	vst v0  }
0x49: {  	v0 =	vld [tilespmem:s23+$0x60];
	_ =	sdelay $0x7  }
0x4a: {  	v0 =	vld.idx.msk [tilespmem:v0+s3+$0x0], $0xffff;
	_ =	sdelay $0x4  }
0x4b: {  	[tilespmem:s24+$0x60] =	vst v0  }
0x4c: {  	v0 =	vld [tilespmem:s23+$0x70];
	_ =	sdelay $0x6  }
0x4d: {  	s22 =	sadd.s32 $0x10, s22  }
0x4e: {  	p1 =	slt.u32 s22, $0x70;
	v0 =	vld.idx.msk [tilespmem:v0+s3+$0x0], $0xffff  }
.Ltmp0:
0x4f: {  	_ = 	snop;
	(pc) =	sbr.rel @p1 .LBB2_3-.Ltmp0, $2  }
0x50: {  	_ =	sdelay $0x2  }
0x51: {  	s23 =	sadd.s32 $0x100, s23;
	[tilespmem:s24+$0x70] =	vst v0;
	s24 =	sadd.s32 $0x100, s24  }
0x52: {  	s22 =	sshll.u32 s21, $0xE  }
0x53: {  	s22 =	sshrl.u32 s22, $0x3  }
0x54: {  	s22 =	sadd.s32 s5, s22  }
0x55: {  	s23 =	sadd.s32 $0x6800, s22  }
0x56: {  	[hbm4b:s23+s3] =	stream.linear.scatter [tilespmem:s13], [sflag:$0x2], $0x800, $0x38;
	[tilespmem:$0x1E6A0] =	vst v63  }
0x57: {  	s24 =	simm.s32 $0x18F90;
	s25 =	simm.s32 $0x1CF90;
	s23 =	simm.s32 $0xFFFFFFF0  }
.LBB2_5:
0x58: {  	v0 =	vld [tilespmem:s24+$0xFFFFFF10];
	_ =	sdelay $0x7  }
0x59: {  	v0 =	vld.idx.msk [tilespmem:v0+s3+$0x0], $0xffff;
	_ =	sdelay $0x4  }
0x5a: {  	[tilespmem:s25+$0xFFFFFF10] =	vst v0  }
0x5b: {  	v0 =	vld [tilespmem:s24+$0xFFFFFF20];
	_ =	sdelay $0x7  }
0x5c: {  	v0 =	vld.idx.msk [tilespmem:v0+s3+$0x0], $0xffff;
	_ =	sdelay $0x4  }
0x5d: {  	[tilespmem:s25+$0xFFFFFF20] =	vst v0  }
0x5e: {  	v0 =	vld [tilespmem:s24+$0xFFFFFF30];
	_ =	sdelay $0x7  }
0x5f: {  	v0 =	vld.idx.msk [tilespmem:v0+s3+$0x0], $0xffff;
	_ =	sdelay $0x4  }
0x60: {  	[tilespmem:s25+$0xFFFFFF30] =	vst v0  }
0x61: {  	v0 =	vld [tilespmem:s24+$0xFFFFFF40];
	_ =	sdelay $0x7  }
0x62: {  	v0 =	vld.idx.msk [tilespmem:v0+s3+$0x0], $0xffff;
	_ =	sdelay $0x4  }
0x63: {  	[tilespmem:s25+$0xFFFFFF40] =	vst v0  }
0x64: {  	v0 =	vld [tilespmem:s24+$0xFFFFFF50];
	_ =	sdelay $0x7  }
0x65: {  	v0 =	vld.idx.msk [tilespmem:v0+s3+$0x0], $0xffff;
	_ =	sdelay $0x4  }
0x66: {  	[tilespmem:s25+$0xFFFFFF50] =	vst v0  }
0x67: {  	v0 =	vld [tilespmem:s24+$0xFFFFFF60];
	_ =	sdelay $0x7  }
0x68: {  	v0 =	vld.idx.msk [tilespmem:v0+s3+$0x0], $0xffff;
	_ =	sdelay $0x4  }
0x69: {  	[tilespmem:s25+$0xFFFFFF60] =	vst v0  }
0x6a: {  	v0 =	vld [tilespmem:s24+$0xFFFFFF70];
	_ =	sdelay $0x7  }
0x6b: {  	v0 =	vld.idx.msk [tilespmem:v0+s3+$0x0], $0xffff;
	_ =	sdelay $0x4  }
0x6c: {  	[tilespmem:s25+$0xFFFFFF70] =	vst v0  }
0x6d: {  	v0 =	vld [tilespmem:s24+$0xFFFFFF80];
	_ =	sdelay $0x7  }
0x6e: {  	v0 =	vld.idx.msk [tilespmem:v0+s3+$0x0], $0xffff;
	_ =	sdelay $0x4  }
0x6f: {  	[tilespmem:s25+$0xFFFFFF80] =	vst v0  }
0x70: {  	v0 =	vld [tilespmem:s24+$0xFFFFFF90];
	_ =	sdelay $0x7  }
0x71: {  	v0 =	vld.idx.msk [tilespmem:v0+s3+$0x0], $0xffff;
	_ =	sdelay $0x4  }
0x72: {  	[tilespmem:s25+$0xFFFFFF90] =	vst v0  }
0x73: {  	v0 =	vld [tilespmem:s24+$0xFFFFFFA0];
	_ =	sdelay $0x7  }
0x74: {  	v0 =	vld.idx.msk [tilespmem:v0+s3+$0x0], $0xffff;
	_ =	sdelay $0x4  }
0x75: {  	[tilespmem:s25+$0xFFFFFFA0] =	vst v0  }
0x76: {  	v0 =	vld [tilespmem:s24+$0xFFFFFFB0];
	_ =	sdelay $0x7  }
0x77: {  	v0 =	vld.idx.msk [tilespmem:v0+s3+$0x0], $0xffff;
	_ =	sdelay $0x4  }
0x78: {  	[tilespmem:s25+$0xFFFFFFB0] =	vst v0  }
0x79: {  	v0 =	vld [tilespmem:s24+$0xFFFFFFC0];
	_ =	sdelay $0x7  }
0x7a: {  	v0 =	vld.idx.msk [tilespmem:v0+s3+$0x0], $0xffff;
	_ =	sdelay $0x4  }
0x7b: {  	[tilespmem:s25+$0xFFFFFFC0] =	vst v0  }
0x7c: {  	v0 =	vld [tilespmem:s24+$0xFFFFFFD0];
	_ =	sdelay $0x7  }
0x7d: {  	v0 =	vld.idx.msk [tilespmem:v0+s3+$0x0], $0xffff;
	_ =	sdelay $0x4  }
0x7e: {  	[tilespmem:s25+$0xFFFFFFD0] =	vst v0  }
0x7f: {  	v0 =	vld [tilespmem:s24+$0xFFFFFFE0];
	_ =	sdelay $0x7  }
0x80: {  	v0 =	vld.idx.msk [tilespmem:v0+s3+$0x0], $0xffff;
	_ =	sdelay $0x4  }
0x81: {  	[tilespmem:s25+$0xFFFFFFE0] =	vst v0  }
0x82: {  	v0 =	vld [tilespmem:s24+$0xFFFFFFF0];
	_ =	sdelay $0x7  }
0x83: {  	v0 =	vld.idx.msk [tilespmem:v0+s3+$0x0], $0xffff;
	_ =	sdelay $0x4  }
0x84: {  	[tilespmem:s25+$0xFFFFFFF0] =	vst v0  }
0x85: {  	v0 =	vld [tilespmem:s24+$0x0];
	_ =	sdelay $0x6  }
0x86: {  	s23 =	sadd.s32 $0x10, s23  }
0x87: {  	p1 =	slt.u32 s23, $0x70;
	v0 =	vld.idx.msk [tilespmem:v0+s3+$0x0], $0xffff  }
.Ltmp1:
0x88: {  	_ = 	snop;
	(pc) =	sbr.rel @p1 .LBB2_5-.Ltmp1, $2  }
0x89: {  	_ =	sdelay $0x2  }
0x8a: {  	s24 =	sadd.s32 $0x100, s24;
	[tilespmem:s25+$0x0] =	vst v0;
	s25 =	sadd.s32 $0x100, s25  }
0x8b: {  	s23 =	sadd.s32 $0x6900, s22  }
0x8c: {  	[hbm4b:s23+s3] =	stream.linear.scatter [tilespmem:s14], [sflag:$0x2], $0x800, $0x38;
	[tilespmem:$0x1E6A0] =	vst v63  }
0x8d: {  	s24 =	simm.s32 $0x19790;
	s25 =	simm.s32 $0x1D790;
	s23 =	simm.s32 $0xFFFFFFF0  }
.LBB2_7:
0x8e: {  	v0 =	vld [tilespmem:s24+$0xFFFFFF10];
	_ =	sdelay $0x7  }
0x8f: {  	v0 =	vld.idx.msk [tilespmem:v0+s3+$0x0], $0xffff;
	_ =	sdelay $0x4  }
0x90: {  	[tilespmem:s25+$0xFFFFFF10] =	vst v0  }
0x91: {  	v0 =	vld [tilespmem:s24+$0xFFFFFF20];
	_ =	sdelay $0x7  }
0x92: {  	v0 =	vld.idx.msk [tilespmem:v0+s3+$0x0], $0xffff;
	_ =	sdelay $0x4  }
0x93: {  	[tilespmem:s25+$0xFFFFFF20] =	vst v0  }
0x94: {  	v0 =	vld [tilespmem:s24+$0xFFFFFF30];
	_ =	sdelay $0x7  }
0x95: {  	v0 =	vld.idx.msk [tilespmem:v0+s3+$0x0], $0xffff;
	_ =	sdelay $0x4  }
0x96: {  	[tilespmem:s25+$0xFFFFFF30] =	vst v0  }
0x97: {  	v0 =	vld [tilespmem:s24+$0xFFFFFF40];
	_ =	sdelay $0x7  }
0x98: {  	v0 =	vld.idx.msk [tilespmem:v0+s3+$0x0], $0xffff;
	_ =	sdelay $0x4  }
0x99: {  	[tilespmem:s25+$0xFFFFFF40] =	vst v0  }
0x9a: {  	v0 =	vld [tilespmem:s24+$0xFFFFFF50];
	_ =	sdelay $0x7  }
0x9b: {  	v0 =	vld.idx.msk [tilespmem:v0+s3+$0x0], $0xffff;
	_ =	sdelay $0x4  }
0x9c: {  	[tilespmem:s25+$0xFFFFFF50] =	vst v0  }
0x9d: {  	v0 =	vld [tilespmem:s24+$0xFFFFFF60];
	_ =	sdelay $0x7  }
0x9e: {  	v0 =	vld.idx.msk [tilespmem:v0+s3+$0x0], $0xffff;
	_ =	sdelay $0x4  }
0x9f: {  	[tilespmem:s25+$0xFFFFFF60] =	vst v0  }
0xa0: {  	v0 =	vld [tilespmem:s24+$0xFFFFFF70];
	_ =	sdelay $0x7  }
0xa1: {  	v0 =	vld.idx.msk [tilespmem:v0+s3+$0x0], $0xffff;
	_ =	sdelay $0x4  }
0xa2: {  	[tilespmem:s25+$0xFFFFFF70] =	vst v0  }
0xa3: {  	v0 =	vld [tilespmem:s24+$0xFFFFFF80];
	_ =	sdelay $0x7  }
0xa4: {  	v0 =	vld.idx.msk [tilespmem:v0+s3+$0x0], $0xffff;
	_ =	sdelay $0x4  }
0xa5: {  	[tilespmem:s25+$0xFFFFFF80] =	vst v0  }
0xa6: {  	v0 =	vld [tilespmem:s24+$0xFFFFFF90];
	_ =	sdelay $0x7  }
0xa7: {  	v0 =	vld.idx.msk [tilespmem:v0+s3+$0x0], $0xffff;
	_ =	sdelay $0x4  }
0xa8: {  	[tilespmem:s25+$0xFFFFFF90] =	vst v0  }
0xa9: {  	v0 =	vld [tilespmem:s24+$0xFFFFFFA0];
	_ =	sdelay $0x7  }
0xaa: {  	v0 =	vld.idx.msk [tilespmem:v0+s3+$0x0], $0xffff;
	_ =	sdelay $0x4  }
0xab: {  	[tilespmem:s25+$0xFFFFFFA0] =	vst v0  }
0xac: {  	v0 =	vld [tilespmem:s24+$0xFFFFFFB0];
	_ =	sdelay $0x7  }
0xad: {  	v0 =	vld.idx.msk [tilespmem:v0+s3+$0x0], $0xffff;
	_ =	sdelay $0x4  }
0xae: {  	[tilespmem:s25+$0xFFFFFFB0] =	vst v0  }
0xaf: {  	v0 =	vld [tilespmem:s24+$0xFFFFFFC0];
	_ =	sdelay $0x7  }
0xb0: {  	v0 =	vld.idx.msk [tilespmem:v0+s3+$0x0], $0xffff;
	_ =	sdelay $0x4  }
0xb1: {  	[tilespmem:s25+$0xFFFFFFC0] =	vst v0  }
0xb2: {  	v0 =	vld [tilespmem:s24+$0xFFFFFFD0];
	_ =	sdelay $0x7  }
0xb3: {  	v0 =	vld.idx.msk [tilespmem:v0+s3+$0x0], $0xffff;
	_ =	sdelay $0x4  }
0xb4: {  	[tilespmem:s25+$0xFFFFFFD0] =	vst v0  }
0xb5: {  	v0 =	vld [tilespmem:s24+$0xFFFFFFE0];
	_ =	sdelay $0x7  }
0xb6: {  	v0 =	vld.idx.msk [tilespmem:v0+s3+$0x0], $0xffff;
	_ =	sdelay $0x4  }
0xb7: {  	[tilespmem:s25+$0xFFFFFFE0] =	vst v0  }
0xb8: {  	v0 =	vld [tilespmem:s24+$0xFFFFFFF0];
	_ =	sdelay $0x7  }
0xb9: {  	v0 =	vld.idx.msk [tilespmem:v0+s3+$0x0], $0xffff;
	_ =	sdelay $0x4  }
0xba: {  	[tilespmem:s25+$0xFFFFFFF0] =	vst v0  }
0xbb: {  	v0 =	vld [tilespmem:s24+$0x0];
	_ =	sdelay $0x6  }
0xbc: {  	s23 =	sadd.s32 $0x10, s23  }
0xbd: {  	p1 =	slt.u32 s23, $0x70;
	v0 =	vld.idx.msk [tilespmem:v0+s3+$0x0], $0xffff  }
.Ltmp2:
0xbe: {  	_ = 	snop;
	(pc) =	sbr.rel @p1 .LBB2_7-.Ltmp2, $2  }
0xbf: {  	_ =	sdelay $0x2  }
0xc0: {  	s24 =	sadd.s32 $0x100, s24;
	[tilespmem:s25+$0x0] =	vst v0;
	s25 =	sadd.s32 $0x100, s25  }
0xc1: {  	s23 =	sadd.s32 $0x6A00, s22  }
0xc2: {  	[hbm4b:s23+s3] =	stream.linear.scatter [tilespmem:s15], [sflag:$0x2], $0x800, $0x38;
	[tilespmem:$0x1E6A0] =	vst v63  }
0xc3: {  	s24 =	simm.s32 $0x19F90;
	s25 =	simm.s32 $0x1DF90;
	s23 =	simm.s32 $0xFFFFFFF0  }
.LBB2_9:
0xc4: {  	v0 =	vld [tilespmem:s24+$0xFFFFFF10];
	_ =	sdelay $0x7  }
0xc5: {  	v0 =	vld.idx.msk [tilespmem:v0+s3+$0x0], $0xffff;
	_ =	sdelay $0x4  }
0xc6: {  	[tilespmem:s25+$0xFFFFFF10] =	vst v0  }
0xc7: {  	v0 =	vld [tilespmem:s24+$0xFFFFFF20];
	_ =	sdelay $0x7  }
0xc8: {  	v0 =	vld.idx.msk [tilespmem:v0+s3+$0x0], $0xffff;
	_ =	sdelay $0x4  }
0xc9: {  	[tilespmem:s25+$0xFFFFFF20] =	vst v0  }
0xca: {  	v0 =	vld [tilespmem:s24+$0xFFFFFF30];
	_ =	sdelay $0x7  }
0xcb: {  	v0 =	vld.idx.msk [tilespmem:v0+s3+$0x0], $0xffff;
	_ =	sdelay $0x4  }
0xcc: {  	[tilespmem:s25+$0xFFFFFF30] =	vst v0  }
0xcd: {  	v0 =	vld [tilespmem:s24+$0xFFFFFF40];
	_ =	sdelay $0x7  }
0xce: {  	v0 =	vld.idx.msk [tilespmem:v0+s3+$0x0], $0xffff;
	_ =	sdelay $0x4  }
0xcf: {  	[tilespmem:s25+$0xFFFFFF40] =	vst v0  }
0xd0: {  	v0 =	vld [tilespmem:s24+$0xFFFFFF50];
	_ =	sdelay $0x7  }
0xd1: {  	v0 =	vld.idx.msk [tilespmem:v0+s3+$0x0], $0xffff;
	_ =	sdelay $0x4  }
0xd2: {  	[tilespmem:s25+$0xFFFFFF50] =	vst v0  }
0xd3: {  	v0 =	vld [tilespmem:s24+$0xFFFFFF60];
	_ =	sdelay $0x7  }
0xd4: {  	v0 =	vld.idx.msk [tilespmem:v0+s3+$0x0], $0xffff;
	_ =	sdelay $0x4  }
0xd5: {  	[tilespmem:s25+$0xFFFFFF60] =	vst v0  }
0xd6: {  	v0 =	vld [tilespmem:s24+$0xFFFFFF70];
	_ =	sdelay $0x7  }
0xd7: {  	v0 =	vld.idx.msk [tilespmem:v0+s3+$0x0], $0xffff;
	_ =	sdelay $0x4  }
0xd8: {  	[tilespmem:s25+$0xFFFFFF70] =	vst v0  }
0xd9: {  	v0 =	vld [tilespmem:s24+$0xFFFFFF80];
	_ =	sdelay $0x7  }
0xda: {  	v0 =	vld.idx.msk [tilespmem:v0+s3+$0x0], $0xffff;
	_ =	sdelay $0x4  }
0xdb: {  	[tilespmem:s25+$0xFFFFFF80] =	vst v0  }
0xdc: {  	v0 =	vld [tilespmem:s24+$0xFFFFFF90];
	_ =	sdelay $0x7  }
0xdd: {  	v0 =	vld.idx.msk [tilespmem:v0+s3+$0x0], $0xffff;
	_ =	sdelay $0x4  }
0xde: {  	[tilespmem:s25+$0xFFFFFF90] =	vst v0  }
0xdf: {  	v0 =	vld [tilespmem:s24+$0xFFFFFFA0];
	_ =	sdelay $0x7  }
0xe0: {  	v0 =	vld.idx.msk [tilespmem:v0+s3+$0x0], $0xffff;
	_ =	sdelay $0x4  }
0xe1: {  	[tilespmem:s25+$0xFFFFFFA0] =	vst v0  }
0xe2: {  	v0 =	vld [tilespmem:s24+$0xFFFFFFB0];
	_ =	sdelay $0x7  }
0xe3: {  	v0 =	vld.idx.msk [tilespmem:v0+s3+$0x0], $0xffff;
	_ =	sdelay $0x4  }
0xe4: {  	[tilespmem:s25+$0xFFFFFFB0] =	vst v0  }
0xe5: {  	v0 =	vld [tilespmem:s24+$0xFFFFFFC0];
	_ =	sdelay $0x7  }
0xe6: {  	v0 =	vld.idx.msk [tilespmem:v0+s3+$0x0], $0xffff;
	_ =	sdelay $0x4  }
0xe7: {  	[tilespmem:s25+$0xFFFFFFC0] =	vst v0  }
0xe8: {  	v0 =	vld [tilespmem:s24+$0xFFFFFFD0];
	_ =	sdelay $0x7  }
0xe9: {  	v0 =	vld.idx.msk [tilespmem:v0+s3+$0x0], $0xffff;
	_ =	sdelay $0x4  }
0xea: {  	[tilespmem:s25+$0xFFFFFFD0] =	vst v0  }
0xeb: {  	v0 =	vld [tilespmem:s24+$0xFFFFFFE0];
	_ =	sdelay $0x7  }
0xec: {  	v0 =	vld.idx.msk [tilespmem:v0+s3+$0x0], $0xffff;
	_ =	sdelay $0x4  }
0xed: {  	[tilespmem:s25+$0xFFFFFFE0] =	vst v0  }
0xee: {  	v0 =	vld [tilespmem:s24+$0xFFFFFFF0];
	_ =	sdelay $0x7  }
0xef: {  	v0 =	vld.idx.msk [tilespmem:v0+s3+$0x0], $0xffff;
	_ =	sdelay $0x4  }
0xf0: {  	[tilespmem:s25+$0xFFFFFFF0] =	vst v0  }
0xf1: {  	v0 =	vld [tilespmem:s24+$0x0];
	_ =	sdelay $0x6  }
0xf2: {  	s23 =	sadd.s32 $0x10, s23  }
0xf3: {  	p1 =	slt.u32 s23, $0x70;
	v0 =	vld.idx.msk [tilespmem:v0+s3+$0x0], $0xffff  }
.Ltmp3:
0xf4: {  	_ = 	snop;
	(pc) =	sbr.rel @p1 .LBB2_9-.Ltmp3, $2  }
0xf5: {  	_ =	sdelay $0x2  }
0xf6: {  	s24 =	sadd.s32 $0x100, s24;
	[tilespmem:s25+$0x0] =	vst v0;
	s25 =	sadd.s32 $0x100, s25  }
0xf7: {  	s23 =	sadd.s32 $0x6B00, s22  }
0xf8: {  	[hbm4b:s23+s3] =	stream.linear.scatter [tilespmem:s16], [sflag:$0x2], $0x800, $0x38;
	[tilespmem:$0x1E6A0] =	vst v63  }
0xf9: {  	_ =	swait.ge [sflag:s17], $0x800  }
0xfa: {  	s24 =	simm.s32 $0x1A790;
	[sflag:s17] =	ssyncset.done $0x0  }
0xfb: {  	s25 =	simm.s32 $0x1C720;
	s23 =	simm.s32 $0xFFFFFFF0;
	[sflag:s17] =	ssyncadd.s32 $0xFFFFF800  }
.LBB2_11:
0xfc: {  	v0 =	vld [tilespmem:s24+$0xFFFFFF10];
	_ =	sdelay $0x7  }
0xfd: {  	v0 =	vld.idx.msk [tilespmem:v0+s3+$0x0], $0xffff;
	_ =	sdelay $0x4  }
0xfe: {  	[tilespmem:s25+$0xFFFFFF80] =	vst v0  }
0xff: {  	v0 =	vld [tilespmem:s24+$0xFFFFFF20];
	_ =	sdelay $0x7  }
0x100: {  	v0 =	vld.idx.msk [tilespmem:v0+s3+$0x0], $0xffff;
	_ =	sdelay $0x4  }
0x101: {  	[tilespmem:s25+$0xFFFFFF90] =	vst v0  }
0x102: {  	v0 =	vld [tilespmem:s24+$0xFFFFFF30];
	_ =	sdelay $0x7  }
0x103: {  	v0 =	vld.idx.msk [tilespmem:v0+s3+$0x0], $0xffff;
	_ =	sdelay $0x4  }
0x104: {  	[tilespmem:s25+$0xFFFFFFA0] =	vst v0  }
0x105: {  	v0 =	vld [tilespmem:s24+$0xFFFFFF40];
	_ =	sdelay $0x7  }
0x106: {  	v0 =	vld.idx.msk [tilespmem:v0+s3+$0x0], $0xffff;
	_ =	sdelay $0x4  }
0x107: {  	[tilespmem:s25+$0xFFFFFFB0] =	vst v0  }
0x108: {  	v0 =	vld [tilespmem:s24+$0xFFFFFF50];
	_ =	sdelay $0x7  }
0x109: {  	v0 =	vld.idx.msk [tilespmem:v0+s3+$0x0], $0xffff;
	_ =	sdelay $0x4  }
0x10a: {  	[tilespmem:s25+$0xFFFFFFC0] =	vst v0  }
0x10b: {  	v0 =	vld [tilespmem:s24+$0xFFFFFF60];
	_ =	sdelay $0x7  }
0x10c: {  	v0 =	vld.idx.msk [tilespmem:v0+s3+$0x0], $0xffff;
	_ =	sdelay $0x4  }
0x10d: {  	[tilespmem:s25+$0xFFFFFFD0] =	vst v0  }
0x10e: {  	v0 =	vld [tilespmem:s24+$0xFFFFFF70];
	_ =	sdelay $0x7  }
0x10f: {  	v0 =	vld.idx.msk [tilespmem:v0+s3+$0x0], $0xffff;
	_ =	sdelay $0x4  }
0x110: {  	[tilespmem:s25+$0xFFFFFFE0] =	vst v0  }
0x111: {  	v0 =	vld [tilespmem:s24+$0xFFFFFF80];
	_ =	sdelay $0x7  }
0x112: {  	v0 =	vld.idx.msk [tilespmem:v0+s3+$0x0], $0xffff;
	_ =	sdelay $0x4  }
0x113: {  	[tilespmem:s25+$0xFFFFFFF0] =	vst v0  }
0x114: {  	v0 =	vld [tilespmem:s24+$0xFFFFFF90];
	_ =	sdelay $0x7  }
0x115: {  	v0 =	vld.idx.msk [tilespmem:v0+s3+$0x0], $0xffff;
	_ =	sdelay $0x4  }
0x116: {  	[tilespmem:s25+$0x0] =	vst v0  }
0x117: {  	v0 =	vld [tilespmem:s24+$0xFFFFFFA0];
	_ =	sdelay $0x7  }
0x118: {  	v0 =	vld.idx.msk [tilespmem:v0+s3+$0x0], $0xffff;
	_ =	sdelay $0x4  }
0x119: {  	[tilespmem:s25+$0x10] =	vst v0  }
0x11a: {  	v0 =	vld [tilespmem:s24+$0xFFFFFFB0];
	_ =	sdelay $0x7  }
0x11b: {  	v0 =	vld.idx.msk [tilespmem:v0+s3+$0x0], $0xffff;
	_ =	sdelay $0x4  }
0x11c: {  	[tilespmem:s25+$0x20] =	vst v0  }
0x11d: {  	v0 =	vld [tilespmem:s24+$0xFFFFFFC0];
	_ =	sdelay $0x7  }
0x11e: {  	v0 =	vld.idx.msk [tilespmem:v0+s3+$0x0], $0xffff;
	_ =	sdelay $0x4  }
0x11f: {  	[tilespmem:s25+$0x30] =	vst v0  }
0x120: {  	v0 =	vld [tilespmem:s24+$0xFFFFFFD0];
	_ =	sdelay $0x7  }
0x121: {  	v0 =	vld.idx.msk [tilespmem:v0+s3+$0x0], $0xffff;
	_ =	sdelay $0x4  }
0x122: {  	[tilespmem:s25+$0x40] =	vst v0  }
0x123: {  	v0 =	vld [tilespmem:s24+$0xFFFFFFE0];
	_ =	sdelay $0x7  }
0x124: {  	v0 =	vld.idx.msk [tilespmem:v0+s3+$0x0], $0xffff;
	_ =	sdelay $0x4  }
0x125: {  	[tilespmem:s25+$0x50] =	vst v0  }
0x126: {  	v0 =	vld [tilespmem:s24+$0xFFFFFFF0];
	_ =	sdelay $0x7  }
0x127: {  	v0 =	vld.idx.msk [tilespmem:v0+s3+$0x0], $0xffff;
	_ =	sdelay $0x4  }
0x128: {  	[tilespmem:s25+$0x60] =	vst v0  }
0x129: {  	v0 =	vld [tilespmem:s24+$0x0];
	_ =	sdelay $0x6  }
0x12a: {  	s23 =	sadd.s32 $0x10, s23  }
0x12b: {  	p1 =	slt.u32 s23, $0x70;
	v0 =	vld.idx.msk [tilespmem:v0+s3+$0x0], $0xffff  }
.Ltmp4:
0x12c: {  	_ = 	snop;
	(pc) =	sbr.rel @p1 .LBB2_11-.Ltmp4, $2  }
0x12d: {  	_ =	sdelay $0x2  }
0x12e: {  	s24 =	sadd.s32 $0x100, s24;
	[tilespmem:s25+$0x70] =	vst v0;
	s25 =	sadd.s32 $0x100, s25  }
0x12f: {  	s23 =	sadd.s32 $0x6C00, s22  }
0x130: {  	[hbm4b:s23+s3] =	stream.linear.scatter [tilespmem:s13], [sflag:$0x2], $0x800, $0x38;
	[tilespmem:$0x1E6A0] =	vst v63  }
0x131: {  	_ =	swait.ge [sflag:s17], $0x800  }
0x132: {  	s24 =	simm.s32 $0x1AF90;
	[sflag:s17] =	ssyncset.done $0x0  }
0x133: {  	s25 =	simm.s32 $0x1CF90;
	s23 =	simm.s32 $0xFFFFFFF0;
	[sflag:s17] =	ssyncadd.s32 $0xFFFFF800  }
.LBB2_13:
0x134: {  	v0 =	vld [tilespmem:s24+$0xFFFFFF10];
	_ =	sdelay $0x7  }
0x135: {  	v0 =	vld.idx.msk [tilespmem:v0+s3+$0x0], $0xffff;
	_ =	sdelay $0x4  }
0x136: {  	[tilespmem:s25+$0xFFFFFF10] =	vst v0  }
0x137: {  	v0 =	vld [tilespmem:s24+$0xFFFFFF20];
	_ =	sdelay $0x7  }
0x138: {  	v0 =	vld.idx.msk [tilespmem:v0+s3+$0x0], $0xffff;
	_ =	sdelay $0x4  }
0x139: {  	[tilespmem:s25+$0xFFFFFF20] =	vst v0  }
0x13a: {  	v0 =	vld [tilespmem:s24+$0xFFFFFF30];
	_ =	sdelay $0x7  }
0x13b: {  	v0 =	vld.idx.msk [tilespmem:v0+s3+$0x0], $0xffff;
	_ =	sdelay $0x4  }
0x13c: {  	[tilespmem:s25+$0xFFFFFF30] =	vst v0  }
0x13d: {  	v0 =	vld [tilespmem:s24+$0xFFFFFF40];
	_ =	sdelay $0x7  }
0x13e: {  	v0 =	vld.idx.msk [tilespmem:v0+s3+$0x0], $0xffff;
	_ =	sdelay $0x4  }
0x13f: {  	[tilespmem:s25+$0xFFFFFF40] =	vst v0  }
0x140: {  	v0 =	vld [tilespmem:s24+$0xFFFFFF50];
	_ =	sdelay $0x7  }
0x141: {  	v0 =	vld.idx.msk [tilespmem:v0+s3+$0x0], $0xffff;
	_ =	sdelay $0x4  }
0x142: {  	[tilespmem:s25+$0xFFFFFF50] =	vst v0  }
0x143: {  	v0 =	vld [tilespmem:s24+$0xFFFFFF60];
	_ =	sdelay $0x7  }
0x144: {  	v0 =	vld.idx.msk [tilespmem:v0+s3+$0x0], $0xffff;
	_ =	sdelay $0x4  }
0x145: {  	[tilespmem:s25+$0xFFFFFF60] =	vst v0  }
0x146: {  	v0 =	vld [tilespmem:s24+$0xFFFFFF70];
	_ =	sdelay $0x7  }
0x147: {  	v0 =	vld.idx.msk [tilespmem:v0+s3+$0x0], $0xffff;
	_ =	sdelay $0x4  }
0x148: {  	[tilespmem:s25+$0xFFFFFF70] =	vst v0  }
0x149: {  	v0 =	vld [tilespmem:s24+$0xFFFFFF80];
	_ =	sdelay $0x7  }
0x14a: {  	v0 =	vld.idx.msk [tilespmem:v0+s3+$0x0], $0xffff;
	_ =	sdelay $0x4  }
0x14b: {  	[tilespmem:s25+$0xFFFFFF80] =	vst v0  }
0x14c: {  	v0 =	vld [tilespmem:s24+$0xFFFFFF90];
	_ =	sdelay $0x7  }
0x14d: {  	v0 =	vld.idx.msk [tilespmem:v0+s3+$0x0], $0xffff;
	_ =	sdelay $0x4  }
0x14e: {  	[tilespmem:s25+$0xFFFFFF90] =	vst v0  }
0x14f: {  	v0 =	vld [tilespmem:s24+$0xFFFFFFA0];
	_ =	sdelay $0x7  }
0x150: {  	v0 =	vld.idx.msk [tilespmem:v0+s3+$0x0], $0xffff;
	_ =	sdelay $0x4  }
0x151: {  	[tilespmem:s25+$0xFFFFFFA0] =	vst v0  }
0x152: {  	v0 =	vld [tilespmem:s24+$0xFFFFFFB0];
	_ =	sdelay $0x7  }
0x153: {  	v0 =	vld.idx.msk [tilespmem:v0+s3+$0x0], $0xffff;
	_ =	sdelay $0x4  }
0x154: {  	[tilespmem:s25+$0xFFFFFFB0] =	vst v0  }
0x155: {  	v0 =	vld [tilespmem:s24+$0xFFFFFFC0];
	_ =	sdelay $0x7  }
0x156: {  	v0 =	vld.idx.msk [tilespmem:v0+s3+$0x0], $0xffff;
	_ =	sdelay $0x4  }
0x157: {  	[tilespmem:s25+$0xFFFFFFC0] =	vst v0  }
0x158: {  	v0 =	vld [tilespmem:s24+$0xFFFFFFD0];
	_ =	sdelay $0x7  }
0x159: {  	v0 =	vld.idx.msk [tilespmem:v0+s3+$0x0], $0xffff;
	_ =	sdelay $0x4  }
0x15a: {  	[tilespmem:s25+$0xFFFFFFD0] =	vst v0  }
0x15b: {  	v0 =	vld [tilespmem:s24+$0xFFFFFFE0];
	_ =	sdelay $0x7  }
0x15c: {  	v0 =	vld.idx.msk [tilespmem:v0+s3+$0x0], $0xffff;
	_ =	sdelay $0x4  }
0x15d: {  	[tilespmem:s25+$0xFFFFFFE0] =	vst v0  }
0x15e: {  	v0 =	vld [tilespmem:s24+$0xFFFFFFF0];
	_ =	sdelay $0x7  }
0x15f: {  	v0 =	vld.idx.msk [tilespmem:v0+s3+$0x0], $0xffff;
	_ =	sdelay $0x4  }
0x160: {  	[tilespmem:s25+$0xFFFFFFF0] =	vst v0  }
0x161: {  	v0 =	vld [tilespmem:s24+$0x0];
	_ =	sdelay $0x6  }
0x162: {  	s23 =	sadd.s32 $0x10, s23  }
0x163: {  	p1 =	slt.u32 s23, $0x70;
	v0 =	vld.idx.msk [tilespmem:v0+s3+$0x0], $0xffff  }
.Ltmp5:
0x164: {  	_ = 	snop;
	(pc) =	sbr.rel @p1 .LBB2_13-.Ltmp5, $2  }
0x165: {  	_ =	sdelay $0x2  }
0x166: {  	s24 =	sadd.s32 $0x100, s24;
	[tilespmem:s25+$0x0] =	vst v0;
	s25 =	sadd.s32 $0x100, s25  }
0x167: {  	s23 =	sadd.s32 $0x6D00, s22  }
0x168: {  	[hbm4b:s23+s3] =	stream.linear.scatter [tilespmem:s14], [sflag:$0x2], $0x800, $0x38;
	[tilespmem:$0x1E6A0] =	vst v63  }
0x169: {  	_ =	swait.ge [sflag:s17], $0x800  }
0x16a: {  	s24 =	simm.s32 $0x1B790;
	[sflag:s17] =	ssyncset.done $0x0  }
0x16b: {  	s25 =	simm.s32 $0x1D790;
	s23 =	simm.s32 $0xFFFFFFF0;
	[sflag:s17] =	ssyncadd.s32 $0xFFFFF800  }
.LBB2_15:
0x16c: {  	v0 =	vld [tilespmem:s24+$0xFFFFFF10];
	_ =	sdelay $0x7  }
0x16d: {  	v0 =	vld.idx.msk [tilespmem:v0+s3+$0x0], $0xffff;
	_ =	sdelay $0x4  }
0x16e: {  	[tilespmem:s25+$0xFFFFFF10] =	vst v0  }
0x16f: {  	v0 =	vld [tilespmem:s24+$0xFFFFFF20];
	_ =	sdelay $0x7  }
0x170: {  	v0 =	vld.idx.msk [tilespmem:v0+s3+$0x0], $0xffff;
	_ =	sdelay $0x4  }
0x171: {  	[tilespmem:s25+$0xFFFFFF20] =	vst v0  }
0x172: {  	v0 =	vld [tilespmem:s24+$0xFFFFFF30];
	_ =	sdelay $0x7  }
0x173: {  	v0 =	vld.idx.msk [tilespmem:v0+s3+$0x0], $0xffff;
	_ =	sdelay $0x4  }
0x174: {  	[tilespmem:s25+$0xFFFFFF30] =	vst v0  }
0x175: {  	v0 =	vld [tilespmem:s24+$0xFFFFFF40];
	_ =	sdelay $0x7  }
0x176: {  	v0 =	vld.idx.msk [tilespmem:v0+s3+$0x0], $0xffff;
	_ =	sdelay $0x4  }
0x177: {  	[tilespmem:s25+$0xFFFFFF40] =	vst v0  }
0x178: {  	v0 =	vld [tilespmem:s24+$0xFFFFFF50];
	_ =	sdelay $0x7  }
0x179: {  	v0 =	vld.idx.msk [tilespmem:v0+s3+$0x0], $0xffff;
	_ =	sdelay $0x4  }
0x17a: {  	[tilespmem:s25+$0xFFFFFF50] =	vst v0  }
0x17b: {  	v0 =	vld [tilespmem:s24+$0xFFFFFF60];
	_ =	sdelay $0x7  }
0x17c: {  	v0 =	vld.idx.msk [tilespmem:v0+s3+$0x0], $0xffff;
	_ =	sdelay $0x4  }
0x17d: {  	[tilespmem:s25+$0xFFFFFF60] =	vst v0  }
0x17e: {  	v0 =	vld [tilespmem:s24+$0xFFFFFF70];
	_ =	sdelay $0x7  }
0x17f: {  	v0 =	vld.idx.msk [tilespmem:v0+s3+$0x0], $0xffff;
	_ =	sdelay $0x4  }
0x180: {  	[tilespmem:s25+$0xFFFFFF70] =	vst v0  }
0x181: {  	v0 =	vld [tilespmem:s24+$0xFFFFFF80];
	_ =	sdelay $0x7  }
0x182: {  	v0 =	vld.idx.msk [tilespmem:v0+s3+$0x0], $0xffff;
	_ =	sdelay $0x4  }
0x183: {  	[tilespmem:s25+$0xFFFFFF80] =	vst v0  }
0x184: {  	v0 =	vld [tilespmem:s24+$0xFFFFFF90];
	_ =	sdelay $0x7  }
0x185: {  	v0 =	vld.idx.msk [tilespmem:v0+s3+$0x0], $0xffff;
	_ =	sdelay $0x4  }
0x186: {  	[tilespmem:s25+$0xFFFFFF90] =	vst v0  }
0x187: {  	v0 =	vld [tilespmem:s24+$0xFFFFFFA0];
	_ =	sdelay $0x7  }
0x188: {  	v0 =	vld.idx.msk [tilespmem:v0+s3+$0x0], $0xffff;
	_ =	sdelay $0x4  }
0x189: {  	[tilespmem:s25+$0xFFFFFFA0] =	vst v0  }
0x18a: {  	v0 =	vld [tilespmem:s24+$0xFFFFFFB0];
	_ =	sdelay $0x7  }
0x18b: {  	v0 =	vld.idx.msk [tilespmem:v0+s3+$0x0], $0xffff;
	_ =	sdelay $0x4  }
0x18c: {  	[tilespmem:s25+$0xFFFFFFB0] =	vst v0  }
0x18d: {  	v0 =	vld [tilespmem:s24+$0xFFFFFFC0];
	_ =	sdelay $0x7  }
0x18e: {  	v0 =	vld.idx.msk [tilespmem:v0+s3+$0x0], $0xffff;
	_ =	sdelay $0x4  }
0x18f: {  	[tilespmem:s25+$0xFFFFFFC0] =	vst v0  }
0x190: {  	v0 =	vld [tilespmem:s24+$0xFFFFFFD0];
	_ =	sdelay $0x7  }
0x191: {  	v0 =	vld.idx.msk [tilespmem:v0+s3+$0x0], $0xffff;
	_ =	sdelay $0x4  }
0x192: {  	[tilespmem:s25+$0xFFFFFFD0] =	vst v0  }
0x193: {  	v0 =	vld [tilespmem:s24+$0xFFFFFFE0];
	_ =	sdelay $0x7  }
0x194: {  	v0 =	vld.idx.msk [tilespmem:v0+s3+$0x0], $0xffff;
	_ =	sdelay $0x4  }
0x195: {  	[tilespmem:s25+$0xFFFFFFE0] =	vst v0  }
0x196: {  	v0 =	vld [tilespmem:s24+$0xFFFFFFF0];
	_ =	sdelay $0x7  }
0x197: {  	v0 =	vld.idx.msk [tilespmem:v0+s3+$0x0], $0xffff;
	_ =	sdelay $0x4  }
0x198: {  	[tilespmem:s25+$0xFFFFFFF0] =	vst v0  }
0x199: {  	v0 =	vld [tilespmem:s24+$0x0];
	_ =	sdelay $0x6  }
0x19a: {  	s23 =	sadd.s32 $0x10, s23  }
0x19b: {  	p1 =	slt.u32 s23, $0x70;
	v0 =	vld.idx.msk [tilespmem:v0+s3+$0x0], $0xffff  }
.Ltmp6:
0x19c: {  	_ = 	snop;
	(pc) =	sbr.rel @p1 .LBB2_15-.Ltmp6, $2  }
0x19d: {  	_ =	sdelay $0x2  }
0x19e: {  	s24 =	sadd.s32 $0x100, s24;
	[tilespmem:s25+$0x0] =	vst v0;
	s25 =	sadd.s32 $0x100, s25  }
0x19f: {  	s23 =	sadd.s32 $0x6E00, s22  }
0x1a0: {  	[hbm4b:s23+s3] =	stream.linear.scatter [tilespmem:s15], [sflag:$0x2], $0x800, $0x38;
	[tilespmem:$0x1E6A0] =	vst v63  }
0x1a1: {  	_ =	swait.ge [sflag:s17], $0x800  }
0x1a2: {  	s24 =	simm.s32 $0x1BF90;
	[sflag:s17] =	ssyncset.done $0x0  }
0x1a3: {  	s25 =	simm.s32 $0x1DF90;
	s23 =	simm.s32 $0xFFFFFFF0;
	[sflag:s17] =	ssyncadd.s32 $0xFFFFF800  }
.LBB2_17:
0x1a4: {  	v0 =	vld [tilespmem:s24+$0xFFFFFF10];
	_ =	sdelay $0x7  }
0x1a5: {  	v0 =	vld.idx.msk [tilespmem:v0+s3+$0x0], $0xffff;
	_ =	sdelay $0x4  }
0x1a6: {  	[tilespmem:s25+$0xFFFFFF10] =	vst v0  }
0x1a7: {  	v0 =	vld [tilespmem:s24+$0xFFFFFF20];
	_ =	sdelay $0x7  }
0x1a8: {  	v0 =	vld.idx.msk [tilespmem:v0+s3+$0x0], $0xffff;
	_ =	sdelay $0x4  }
0x1a9: {  	[tilespmem:s25+$0xFFFFFF20] =	vst v0  }
0x1aa: {  	v0 =	vld [tilespmem:s24+$0xFFFFFF30];
	_ =	sdelay $0x7  }
0x1ab: {  	v0 =	vld.idx.msk [tilespmem:v0+s3+$0x0], $0xffff;
	_ =	sdelay $0x4  }
0x1ac: {  	[tilespmem:s25+$0xFFFFFF30] =	vst v0  }
0x1ad: {  	v0 =	vld [tilespmem:s24+$0xFFFFFF40];
	_ =	sdelay $0x7  }
0x1ae: {  	v0 =	vld.idx.msk [tilespmem:v0+s3+$0x0], $0xffff;
	_ =	sdelay $0x4  }
0x1af: {  	[tilespmem:s25+$0xFFFFFF40] =	vst v0  }
0x1b0: {  	v0 =	vld [tilespmem:s24+$0xFFFFFF50];
	_ =	sdelay $0x7  }
0x1b1: {  	v0 =	vld.idx.msk [tilespmem:v0+s3+$0x0], $0xffff;
	_ =	sdelay $0x4  }
0x1b2: {  	[tilespmem:s25+$0xFFFFFF50] =	vst v0  }
0x1b3: {  	v0 =	vld [tilespmem:s24+$0xFFFFFF60];
	_ =	sdelay $0x7  }
0x1b4: {  	v0 =	vld.idx.msk [tilespmem:v0+s3+$0x0], $0xffff;
	_ =	sdelay $0x4  }
0x1b5: {  	[tilespmem:s25+$0xFFFFFF60] =	vst v0  }
0x1b6: {  	v0 =	vld [tilespmem:s24+$0xFFFFFF70];
	_ =	sdelay $0x7  }
0x1b7: {  	v0 =	vld.idx.msk [tilespmem:v0+s3+$0x0], $0xffff;
	_ =	sdelay $0x4  }
0x1b8: {  	[tilespmem:s25+$0xFFFFFF70] =	vst v0  }
0x1b9: {  	v0 =	vld [tilespmem:s24+$0xFFFFFF80];
	_ =	sdelay $0x7  }
0x1ba: {  	v0 =	vld.idx.msk [tilespmem:v0+s3+$0x0], $0xffff;
	_ =	sdelay $0x4  }
0x1bb: {  	[tilespmem:s25+$0xFFFFFF80] =	vst v0  }
0x1bc: {  	v0 =	vld [tilespmem:s24+$0xFFFFFF90];
	_ =	sdelay $0x7  }
0x1bd: {  	v0 =	vld.idx.msk [tilespmem:v0+s3+$0x0], $0xffff;
	_ =	sdelay $0x4  }
0x1be: {  	[tilespmem:s25+$0xFFFFFF90] =	vst v0  }
0x1bf: {  	v0 =	vld [tilespmem:s24+$0xFFFFFFA0];
	_ =	sdelay $0x7  }
0x1c0: {  	v0 =	vld.idx.msk [tilespmem:v0+s3+$0x0], $0xffff;
	_ =	sdelay $0x4  }
0x1c1: {  	[tilespmem:s25+$0xFFFFFFA0] =	vst v0  }
0x1c2: {  	v0 =	vld [tilespmem:s24+$0xFFFFFFB0];
	_ =	sdelay $0x7  }
0x1c3: {  	v0 =	vld.idx.msk [tilespmem:v0+s3+$0x0], $0xffff;
	_ =	sdelay $0x4  }
0x1c4: {  	[tilespmem:s25+$0xFFFFFFB0] =	vst v0  }
0x1c5: {  	v0 =	vld [tilespmem:s24+$0xFFFFFFC0];
	_ =	sdelay $0x7  }
0x1c6: {  	v0 =	vld.idx.msk [tilespmem:v0+s3+$0x0], $0xffff;
	_ =	sdelay $0x4  }
0x1c7: {  	[tilespmem:s25+$0xFFFFFFC0] =	vst v0  }
0x1c8: {  	v0 =	vld [tilespmem:s24+$0xFFFFFFD0];
	_ =	sdelay $0x7  }
0x1c9: {  	v0 =	vld.idx.msk [tilespmem:v0+s3+$0x0], $0xffff;
	_ =	sdelay $0x4  }
0x1ca: {  	[tilespmem:s25+$0xFFFFFFD0] =	vst v0  }
0x1cb: {  	v0 =	vld [tilespmem:s24+$0xFFFFFFE0];
	_ =	sdelay $0x7  }
0x1cc: {  	v0 =	vld.idx.msk [tilespmem:v0+s3+$0x0], $0xffff;
	_ =	sdelay $0x4  }
0x1cd: {  	[tilespmem:s25+$0xFFFFFFE0] =	vst v0  }
0x1ce: {  	v0 =	vld [tilespmem:s24+$0xFFFFFFF0];
	_ =	sdelay $0x7  }
0x1cf: {  	v0 =	vld.idx.msk [tilespmem:v0+s3+$0x0], $0xffff;
	_ =	sdelay $0x4  }
0x1d0: {  	[tilespmem:s25+$0xFFFFFFF0] =	vst v0  }
0x1d1: {  	v0 =	vld [tilespmem:s24+$0x0];
	_ =	sdelay $0x6  }
0x1d2: {  	s23 =	sadd.s32 $0x10, s23  }
0x1d3: {  	p1 =	slt.u32 s23, $0x70;
	v0 =	vld.idx.msk [tilespmem:v0+s3+$0x0], $0xffff  }
.Ltmp7:
0x1d4: {  	_ = 	snop;
	(pc) =	sbr.rel @p1 .LBB2_17-.Ltmp7, $2  }
0x1d5: {  	_ =	sdelay $0x2  }
0x1d6: {  	s24 =	sadd.s32 $0x100, s24;
	[tilespmem:s25+$0x0] =	vst v0;
	s25 =	sadd.s32 $0x100, s25  }
0x1d7: {  	p1 =	seq.s32 s19, $0xC  }
0x1d8: {  	s22 =	sadd.s32 $0x6F00, s22;
	s21 =	smul.u32 @!p1 $0x186A0, s21  }
0x1d9: {  	[hbm4b:s22+s3] =	stream.linear.scatter [tilespmem:s16], [sflag:$0x2], $0x800, $0x38;
	[tilespmem:$0x1E6A0] =	vst v63  }
0x1da: {  	s21 =	sshrl.u32 @!p1 s21, $0x3  }
0x1db: {  	s21 =	sadd.s32 @!p1 s4, s21  }
0x1dc: {  	s22 =	simm.s32 @!p1 $0x0;
	s21 =	sadd.s32 @!p1 $0x30D4, s21  }
0x1dd: {  	[tilespmem:s22], [sflag:$0x1] =	stream.linear.gather @!p1 [hbm4b:s21+s22], $0x186A0, $0x38;
	[tilespmem:$0x1E6A0] =	vst v63  }
0x1de: {  	_ =	swait.ge [sflag:s17], $0x800  }
0x1df: {  	[sflag:s17] =	ssyncset.done $0x0  }
0x1e0: {  	[sflag:s17] =	ssyncadd.s32 $0xFFFFF800  }
0x1e1: {  	_ =	swait.ge [sflag:s17], $0x800  }
0x1e2: {  	[sflag:s17] =	ssyncset.done $0x0  }
0x1e3: {  	s19 =	sadd.s32 $0x1, s19;
	[sflag:s17] =	ssyncadd.s32 $0xFFFFF800  }
0x1e4: {  	p1 =	sne.s32 s19, $0xD;
	_ =	swait.ge [sflag:s17], $0x800  }
.Ltmp8:
0x1e5: {  	[sflag:s17] =	ssyncset.done $0x0;
	(pc) =	sbr.rel @p1 .LBB2_2-.Ltmp8, $4  }
0x1e6: {  	[sflag:s17] =	ssyncadd.s32 $0xFFFFF800  }
0x1e7: {  	_ =	swait.ge [sflag:s17], $0x800  }
0x1e8: {  	[sflag:s17] =	ssyncset.done $0x0  }
0x1e9: {  	[sflag:s17] =	ssyncadd.s32 $0xFFFFF800  }
0x1ea: {  	s18 =	sadd.s32 $0x1, s18  }
0x1eb: {  	p1 =	sne.s32 s18, s10  }
.Ltmp9:
0x1ec: {  	_ = 	snop;
	(pc) =	sbr.rel @p1 .LBB2_1-.Ltmp9, $4  }
0x1ed: {  	s19 =	simm.s32 @!p0 $0x3  }
0x1ee: {  	_ =	swait.ge @!p0 [sflag:s19], $0x800  }
0x1ef: {  	[sflag:s19] =	ssyncset.done @!p0 $0x0  }
0x1f0: {  	[sflag:s19] =	ssyncadd.s32 @!p0 $0xFFFFF800  }
0x1f1: {  	_ =	sfence.sel $0x180000  }
0x1f2: {  	[bflag:$0x0] =	sbarrier.arrive $0xFFFF  }
0x1f3: {  	p0 =	sne.s32 s2, $0x0;
	_ =	strace $0x90000047  }
0x1f4: {  	s0 =	sadd.s32 @!p0 $0x100000, s0;
	[bflag:$0x2] =	sbarrier.arrive $0xFFFF  }
0x1f5: {  	[sflag:s0] =	ssyncadd.tile.s32 @!p0 $0x1;
	_ =	shalt  }
.Lfunc_end2:
_tile_overlayer_lowered:
.L_overlay_start_2:
0x1f6: {  	(tag) =	ssettag $0x2  }
0x1f7: {  	s0 =	rddreg [dreg:$0x0];
	s2 =	stileid.u32  }
0x1f8: {  	s1 =	rddreg [dreg:$0x1];
	p0 =	sne.s32 s2, $0x0  }
0x1f9: {  	s3 =	rddreg [dreg:$0x2];
	[bflag:$0x3] =	sbarrier.arrive $0xFFFF;
	s2 =	simm.s32 @!p0 $0x1C04  }
0x1fa: {  	[timem:s3], [sflag:s2] =	dma.local @!p0 [hbm:s0], s1  }
0x1fb: {  	s0 =	simm.s32 @!p0 $0x4  }
0x1fc: {  	_ =	swait.ge @!p0 [sflag:s0], s1  }
0x1fd: {  	s1 =	ssub.s32 @!p0 $0x0, s1;
	[sflag:s0] =	ssyncset.done @!p0 $0x0  }
0x1fe: {  	[sflag:s0] =	ssyncadd.s32 @!p0 s1  }
0x1ff: {  	[bflag:$0x3] =	sbarrier.arrive $0xFFFF  }
0x200: {  	_ =	shalt  }

</sc_bundles>
